<compile_context>
chip_gen: v7x
topology: tpu7x:2x2x1
jax: 0.10.2.dev20260603
libtpu: 0.0.44.dev20260713+nightly
codegen_flags: <defaults>
</compile_context>

<pallas_src>
import functools

import jax
import jax.numpy as jnp
import numpy as np
from jax import lax
from jax.experimental import pallas as pl
from jax.experimental.pallas import tpu as pltpu
from jax.experimental.pallas import tpu_sc as plsc

_NW = 32
_NC = 2
_LANES = 16
_MAGIC = np.float32(1.5 * 2.0**23)
_RSQRT_MAGIC = np.int32(0x5F3759DF)

_C3 = np.float32(1.0 / 3.0)
_C5 = np.float32(1.0 / 5.0)
_C6 = np.float32(1.0 / 6.0)


_W = 5


def _sc_energy(xs, ys, zs, i0, i1, const16, c6, b, n_pairs, chunk):
    per_w = n_pairs // _NW
    n_chunks = per_w // chunk
    mesh = plsc.VectorSubcoreMesh(core_axis_name="c", subcore_axis_name="s")

    def buf_set():
        return [
            pltpu.VMEM((chunk,), jnp.int32),
            pltpu.VMEM((chunk,), jnp.int32),
            pltpu.VMEM((chunk,), jnp.float32),
            pltpu.VMEM((chunk,), jnp.float32),
            pltpu.VMEM((chunk,), jnp.float32),
            pltpu.VMEM((chunk,), jnp.float32),
            pltpu.VMEM((chunk,), jnp.float32),
            pltpu.VMEM((chunk,), jnp.float32),
            pltpu.VMEM((chunk,), jnp.float32),
            pltpu.VMEM((chunk,), jnp.float32),
            pltpu.VMEM((chunk,), jnp.float32),
        ] + [pltpu.SemaphoreType.DMA] * 6

    @functools.partial(
        pl.kernel,
        out_type=jax.ShapeDtypeStruct((n_pairs,), jnp.float32),
        mesh=mesh,
        compiler_params=pltpu.CompilerParams(
            needs_layout_passes=False, use_tc_tiling_on_sc=False),
        scratch_types=sum([buf_set() for _ in range(_W)], []) + [
            pltpu.VMEM((8, 16), jnp.float32),
        ],
    )
    def run(x_hbm, y_hbm, z_hbm, i0_hbm, i1_hbm, const_hbm, c6_hbm, b_hbm,
            ene_hbm, *scr):
        bufs = [scr[17 * i:17 * (i + 1)] for i in range(_W)]
        const_v = scr[17 * _W]
        wid = lax.axis_index("s") * _NC + lax.axis_index("c")
        pltpu.sync_copy(const_hbm, const_v)
        bx = const_v[0]
        by = const_v[1]
        bz = const_v[2]
        ibx = const_v[3]
        iby = const_v[4]
        ibz = const_v[5]
        cut = const_v[6]
        base = wid * per_w
        half = np.float32(0.5)
        threehalf = np.float32(1.5)

        def stage(pbase, bufs):
            (i0_v, i1_v, x0_v, x1_v, y0_v, y1_v, z0_v, z1_v,
             c6_v, b_v, _out, s0, s1, s2, s3, s4, s5) = bufs
            sl = pl.ds(pbase, chunk)
            pltpu.sync_copy(i0_hbm.at[sl], i0_v)
            pltpu.sync_copy(i1_hbm.at[sl], i1_v)
            pltpu.sync_copy(c6_hbm.at[sl], c6_v)
            pltpu.sync_copy(b_hbm.at[sl], b_v)
            return [
                pltpu.async_copy(x_hbm.at[i0_v], x0_v, s0),
                pltpu.async_copy(x_hbm.at[i1_v], x1_v, s1),
                pltpu.async_copy(y_hbm.at[i0_v], y0_v, s2),
                pltpu.async_copy(y_hbm.at[i1_v], y1_v, s3),
                pltpu.async_copy(z_hbm.at[i0_v], z0_v, s4),
                pltpu.async_copy(z_hbm.at[i1_v], z1_v, s5),
            ]

        def compute(pbase, bufs):
            (_i0, _i1, x0_v, x1_v, y0_v, y1_v, z0_v, z1_v,
             c6_v, b_v, out_v, *_sems) = bufs

            def inner(j, c2):
                s = pl.ds(j * _LANES, _LANES)
                dx = x1_v[s] - x0_v[s]
                dy = y1_v[s] - y0_v[s]
                dz = z1_v[s] - z0_v[s]
                kx = (dx * ibx + _MAGIC) - _MAGIC
                ky = (dy * iby + _MAGIC) - _MAGIC
                kz = (dz * ibz + _MAGIC) - _MAGIC
                dx = dx - bx * kx
                dy = dy - by * ky
                dz = dz - bz * kz
                r2 = (dx * dx + dy * dy) + dz * dz
                yv = plsc.bitcast(
                    _RSQRT_MAGIC - lax.shift_right_arithmetic(
                        plsc.bitcast(r2, jnp.int32), 1), jnp.float32)
                h = half * r2
                yv = yv * (threehalf - h * yv * yv)
                yv = yv * (threehalf - h * yv * yv)
                yv = yv * (threehalf - h * yv * yv)
                r = r2 * yv
                bv = b_v[s]
                cv = c6_v[s]
                u = bv * r
                t6 = 1.0 + u * _C6
                t5 = 1.0 + (u * _C5) * t6
                t4 = 1.0 + (u * np.float32(0.25)) * t5
                t3 = 1.0 + (u * _C3) * t4
                t2 = 1.0 + (u * half) * t3
                sp = 1.0 + u * t2
                f6 = 1.0 - jnp.exp(-u) * sp
                num = -(cv * f6)
                a = r * r
                a2 = a * a
                r6 = a * a2
                ene = num / r6
                out_v[s] = jnp.where(r <= cut, ene, np.float32(0.0))
                return c2

            lax.fori_loop(0, chunk // _LANES, inner, 0)
            pltpu.sync_copy(out_v, ene_hbm.at[pl.ds(pbase, chunk)])

        def do_win(k, carry):
            pb = base + k * (_W * chunk)
            descs = [None] * _W
            descs[0] = stage(pb, bufs[0])
            descs[1] = stage(pb + chunk, bufs[1])
            for i in range(_W):
                if i + 2 < _W:
                    descs[i + 2] = stage(pb + (i + 2) * chunk, bufs[i + 2])
                for g in descs[i]:
                    g.wait()
                compute(pb + i * chunk, bufs[i])
            return carry

        lax.fori_loop(0, n_chunks // _W, do_win, 0)

    return run(xs, ys, zs, i0, i1, const16, c6, b)


def kernel(coords, pairs, box, c6, b, cutoff):
    n_pairs = pairs.shape[0]
    boxf = box.astype(jnp.float32)
    cutf = jnp.asarray(cutoff, jnp.float32).reshape(1)
    const8 = jnp.concatenate(
        [boxf, 1.0 / boxf, cutf, jnp.zeros((1,), jnp.float32)])
    const16 = jnp.broadcast_to(const8[:, None], (8, 16))
    xs = coords[:, 0]
    ys = coords[:, 1]
    zs = coords[:, 2]
    i0 = pairs[:, 0]
    i1 = pairs[:, 1]
    return _sc_energy(xs, ys, zs, i0, i1, const16, c6, b, n_pairs, chunk=2000)

# --- scband reference (transcript-rebuilt; emitter-appended) ---
"""Pipeline reference for scband-dispersion-29678224015826 (READ-ONLY COPY).

The authoritative reference and input builder live on the scoring server;
editing this copy changes nothing except your own understanding.
"""

import jax, jax.numpy as jnp
import numpy as np

N_NODES = 100000
N_PAIRS = 6400000

def setup_inputs(seed: int = 0) -> dict:
    key = jax.random.key(seed)
    k1, k2, k3, k4 = jax.random.split(key, 4)
    coords = jax.random.normal(k1, (N_NODES, 3), dtype=jnp.float32)
    pairs = jax.random.randint(k2, (N_PAIRS, 2), 0, N_NODES, dtype=jnp.int32)
    box = jnp.ones((3,), dtype=jnp.float32)
    c6 = jax.random.uniform(k3, (N_PAIRS,), dtype=jnp.float32)
    b = jax.random.uniform(k4, (N_PAIRS,), dtype=jnp.float32)
    return {"coords": coords, "pairs": pairs, "box": box, "c6": c6, "b": b, "cutoff": 1}

def _tang_tonnies_f6(u):
    return 1.0 - jnp.exp(-u) * (
        1.0 + u * (1.0 + u / 2.0 * (1.0 + u / 3.0 * (1.0 + u / 4.0 * (1.0 + u / 5.0 * (1.0 + u / 6.0)))))
    )

def reference(coords, pairs, box, c6, b, cutoff):
    # gather endpoint coordinates (SparseCore-style gather)
    dr = coords[pairs[:, 1]] - coords[pairs[:, 0]]
    # PBC minimum-image convention (orthorhombic box vector of shape (3,))
    dr = dr - box * jnp.round(dr / box)
    r = jnp.sqrt(jnp.sum(dr * dr, axis=1))
    u = b * r
    f6 = _tang_tonnies_f6(u)
    ene_pairs = -(c6 * f6) / r ** 6
    ene_pairs = jnp.where(r <= cutoff, ene_pairs, 0.0)
    return ene_pairs

if __name__ == "__main__":
    import jax
    _d = setup_inputs()
    print(jax.jit(kernel)(*tuple(_d.values())))

</pallas_src>

<mosaic_0001>
#map = affine_map<(d0, d1) -> (0)>
#map1 = affine_map<(d0, d1) -> (0, 0)>
module attributes {stable_mosaic.version = 14 : i64} {
  func.func @run(%arg0: i32, %arg1: i32, %arg2: memref<100000xf32, #tpu.memory_space<hbm>>, %arg3: memref<100000xf32, #tpu.memory_space<hbm>>, %arg4: memref<100000xf32, #tpu.memory_space<hbm>>, %arg5: memref<6400000xi32, #tpu.memory_space<hbm>>, %arg6: memref<6400000xi32, #tpu.memory_space<hbm>>, %arg7: memref<8x16xf32, #tpu.memory_space<hbm>>, %arg8: memref<6400000xf32, #tpu.memory_space<hbm>>, %arg9: memref<6400000xf32, #tpu.memory_space<hbm>>, %arg10: memref<6400000xf32, #tpu.memory_space<hbm>>, %arg11: memref<2000xi32, #tpu.memory_space<vmem>>, %arg12: memref<2000xi32, #tpu.memory_space<vmem>>, %arg13: memref<2000xf32, #tpu.memory_space<vmem>>, %arg14: memref<2000xf32, #tpu.memory_space<vmem>>, %arg15: memref<2000xf32, #tpu.memory_space<vmem>>, %arg16: memref<2000xf32, #tpu.memory_space<vmem>>, %arg17: memref<2000xf32, #tpu.memory_space<vmem>>, %arg18: memref<2000xf32, #tpu.memory_space<vmem>>, %arg19: memref<2000xf32, #tpu.memory_space<vmem>>, %arg20: memref<2000xf32, #tpu.memory_space<vmem>>, %arg21: memref<2000xf32, #tpu.memory_space<vmem>>, %arg22: memref<!tpu.dma_semaphore, #tpu.memory_space<semaphore_mem>>, %arg23: memref<!tpu.dma_semaphore, #tpu.memory_space<semaphore_mem>>, %arg24: memref<!tpu.dma_semaphore, #tpu.memory_space<semaphore_mem>>, %arg25: memref<!tpu.dma_semaphore, #tpu.memory_space<semaphore_mem>>, %arg26: memref<!tpu.dma_semaphore, #tpu.memory_space<semaphore_mem>>, %arg27: memref<!tpu.dma_semaphore, #tpu.memory_space<semaphore_mem>>, %arg28: memref<2000xi32, #tpu.memory_space<vmem>>, %arg29: memref<2000xi32, #tpu.memory_space<vmem>>, %arg30: memref<2000xf32, #tpu.memory_space<vmem>>, %arg31: memref<2000xf32, #tpu.memory_space<vmem>>, %arg32: memref<2000xf32, #tpu.memory_space<vmem>>, %arg33: memref<2000xf32, #tpu.memory_space<vmem>>, %arg34: memref<2000xf32, #tpu.memory_space<vmem>>, %arg35: memref<2000xf32, #tpu.memory_space<vmem>>, %arg36: memref<2000xf32, #tpu.memory_space<vmem>>, %arg37: memref<2000xf32, #tpu.memory_space<vmem>>, %arg38: memref<2000xf32, #tpu.memory_space<vmem>>, %arg39: memref<!tpu.dma_semaphore, #tpu.memory_space<semaphore_mem>>, %arg40: memref<!tpu.dma_semaphore, #tpu.memory_space<semaphore_mem>>, %arg41: memref<!tpu.dma_semaphore, #tpu.memory_space<semaphore_mem>>, %arg42: memref<!tpu.dma_semaphore, #tpu.memory_space<semaphore_mem>>, %arg43: memref<!tpu.dma_semaphore, #tpu.memory_space<semaphore_mem>>, %arg44: memref<!tpu.dma_semaphore, #tpu.memory_space<semaphore_mem>>, %arg45: memref<2000xi32, #tpu.memory_space<vmem>>, %arg46: memref<2000xi32, #tpu.memory_space<vmem>>, %arg47: memref<2000xf32, #tpu.memory_space<vmem>>, %arg48: memref<2000xf32, #tpu.memory_space<vmem>>, %arg49: memref<2000xf32, #tpu.memory_space<vmem>>, %arg50: memref<2000xf32, #tpu.memory_space<vmem>>, %arg51: memref<2000xf32, #tpu.memory_space<vmem>>, %arg52: memref<2000xf32, #tpu.memory_space<vmem>>, %arg53: memref<2000xf32, #tpu.memory_space<vmem>>, %arg54: memref<2000xf32, #tpu.memory_space<vmem>>, %arg55: memref<2000xf32, #tpu.memory_space<vmem>>, %arg56: memref<!tpu.dma_semaphore, #tpu.memory_space<semaphore_mem>>, %arg57: memref<!tpu.dma_semaphore, #tpu.memory_space<semaphore_mem>>, %arg58: memref<!tpu.dma_semaphore, #tpu.memory_space<semaphore_mem>>, %arg59: memref<!tpu.dma_semaphore, #tpu.memory_space<semaphore_mem>>, %arg60: memref<!tpu.dma_semaphore, #tpu.memory_space<semaphore_mem>>, %arg61: memref<!tpu.dma_semaphore, #tpu.memory_space<semaphore_mem>>, %arg62: memref<2000xi32, #tpu.memory_space<vmem>>, %arg63: memref<2000xi32, #tpu.memory_space<vmem>>, %arg64: memref<2000xf32, #tpu.memory_space<vmem>>, %arg65: memref<2000xf32, #tpu.memory_space<vmem>>, %arg66: memref<2000xf32, #tpu.memory_space<vmem>>, %arg67: memref<2000xf32, #tpu.memory_space<vmem>>, %arg68: memref<2000xf32, #tpu.memory_space<vmem>>, %arg69: memref<2000xf32, #tpu.memory_space<vmem>>, %arg70: memref<2000xf32, #tpu.memory_space<vmem>>, %arg71: memref<2000xf32, #tpu.memory_space<vmem>>, %arg72: memref<2000xf32, #tpu.memory_space<vmem>>, %arg73: memref<!tpu.dma_semaphore, #tpu.memory_space<semaphore_mem>>, %arg74: memref<!tpu.dma_semaphore, #tpu.memory_space<semaphore_mem>>, %arg75: memref<!tpu.dma_semaphore, #tpu.memory_space<semaphore_mem>>, %arg76: memref<!tpu.dma_semaphore, #tpu.memory_space<semaphore_mem>>, %arg77: memref<!tpu.dma_semaphore, #tpu.memory_space<semaphore_mem>>, %arg78: memref<!tpu.dma_semaphore, #tpu.memory_space<semaphore_mem>>, %arg79: memref<2000xi32, #tpu.memory_space<vmem>>, %arg80: memref<2000xi32, #tpu.memory_space<vmem>>, %arg81: memref<2000xf32, #tpu.memory_space<vmem>>, %arg82: memref<2000xf32, #tpu.memory_space<vmem>>, %arg83: memref<2000xf32, #tpu.memory_space<vmem>>, %arg84: memref<2000xf32, #tpu.memory_space<vmem>>, %arg85: memref<2000xf32, #tpu.memory_space<vmem>>, %arg86: memref<2000xf32, #tpu.memory_space<vmem>>, %arg87: memref<2000xf32, #tpu.memory_space<vmem>>, %arg88: memref<2000xf32, #tpu.memory_space<vmem>>, %arg89: memref<2000xf32, #tpu.memory_space<vmem>>, %arg90: memref<!tpu.dma_semaphore, #tpu.memory_space<semaphore_mem>>, %arg91: memref<!tpu.dma_semaphore, #tpu.memory_space<semaphore_mem>>, %arg92: memref<!tpu.dma_semaphore, #tpu.memory_space<semaphore_mem>>, %arg93: memref<!tpu.dma_semaphore, #tpu.memory_space<semaphore_mem>>, %arg94: memref<!tpu.dma_semaphore, #tpu.memory_space<semaphore_mem>>, %arg95: memref<!tpu.dma_semaphore, #tpu.memory_space<semaphore_mem>>, %arg96: memref<8x16xf32, #tpu.memory_space<vmem>>) attributes {dimension_semantics = [#tpu.dimension_semantics<core_parallel>, #tpu.dimension_semantics<subcore_parallel>], iteration_bounds = array<i64: 2, 16>, scalar_prefetch = 0 : i64, scratch_operands = 86 : i64, tpu.core_type = #tpu.core_type<sc_vector_subcore>, window_params = [{transform_indices = #map}, {transform_indices = #map}, {transform_indices = #map}, {transform_indices = #map}, {transform_indices = #map}, {transform_indices = #map1}, {transform_indices = #map}, {transform_indices = #map}, {transform_indices = #map}]} {
    %mul3A = arith.constant 2 : i32
    %mul3A_0 = arith.muli %arg1, %mul3A : i32
    %add3A = arith.addi %mul3A_0, %arg0 : i32
    "tpu.region"() ({
      %run_scoped3A = tpu.sem_alloc : memref<!tpu.dma_semaphore, #tpu.memory_space<semaphore_mem>>
      tpu.enqueue_dma source(%arg7 : memref<8x16xf32, #tpu.memory_space<hbm>>) target(%arg96 : memref<8x16xf32, #tpu.memory_space<vmem>>) target_semaphore(%run_scoped3A : memref<!tpu.dma_semaphore, #tpu.memory_space<semaphore_mem>>)
      tpu.wait_dma2 semaphore(%run_scoped3A : memref<!tpu.dma_semaphore, #tpu.memory_space<semaphore_mem>>) src(%arg7 : memref<8x16xf32, #tpu.memory_space<hbm>>) dst(%arg96 : memref<8x16xf32, #tpu.memory_space<vmem>>)
      tpu.yield
    }) : () -> ()
    %get3A = arith.constant 0 : i32
    %get3A_1 = arith.index_cast %get3A : i32 to index
    %get3A_2 = arith.constant 0 : index
    %get3A_3 = tpu.vector_load %arg96[%get3A_1, %get3A_2] {strides = array<i32>} : memref<8x16xf32, #tpu.memory_space<vmem>>, vector<16xf32>,
    %get3A_4 = arith.constant 1 : i32
    %get3A_5 = arith.index_cast %get3A_4 : i32 to index
    %get3A_6 = arith.constant 0 : index
    %get3A_7 = tpu.vector_load %arg96[%get3A_5, %get3A_6] {strides = array<i32>} : memref<8x16xf32, #tpu.memory_space<vmem>>, vector<16xf32>,
    %get3A_8 = arith.constant 2 : i32
    %get3A_9 = arith.index_cast %get3A_8 : i32 to index
    %get3A_10 = arith.constant 0 : index
    %get3A_11 = tpu.vector_load %arg96[%get3A_9, %get3A_10] {strides = array<i32>} : memref<8x16xf32, #tpu.memory_space<vmem>>, vector<16xf32>,
    %get3A_12 = arith.constant 3 : i32
    %get3A_13 = arith.index_cast %get3A_12 : i32 to index
    %get3A_14 = arith.constant 0 : index
    %get3A_15 = tpu.vector_load %arg96[%get3A_13, %get3A_14] {strides = array<i32>} : memref<8x16xf32, #tpu.memory_space<vmem>>, vector<16xf32>,
    %get3A_16 = arith.constant 4 : i32
    %get3A_17 = arith.index_cast %get3A_16 : i32 to index
    %get3A_18 = arith.constant 0 : index
    %get3A_19 = tpu.vector_load %arg96[%get3A_17, %get3A_18] {strides = array<i32>} : memref<8x16xf32, #tpu.memory_space<vmem>>, vector<16xf32>,
    %get3A_20 = arith.constant 5 : i32
    %get3A_21 = arith.index_cast %get3A_20 : i32 to index
    %get3A_22 = arith.constant 0 : index
    %get3A_23 = tpu.vector_load %arg96[%get3A_21, %get3A_22] {strides = array<i32>} : memref<8x16xf32, #tpu.memory_space<vmem>>, vector<16xf32>,
    %get3A_24 = arith.constant 6 : i32
    %get3A_25 = arith.index_cast %get3A_24 : i32 to index
    %get3A_26 = arith.constant 0 : index
    %get3A_27 = tpu.vector_load %arg96[%get3A_25, %get3A_26] {strides = array<i32>} : memref<8x16xf32, #tpu.memory_space<vmem>>, vector<16xf32>,
    %mul3A_28 = arith.constant 200000 : i32
    %mul3A_29 = arith.muli %add3A, %mul3A_28 : i32
    %scan3A = arith.constant 0 : i32
    %scan3A_30 = arith.constant 0 : i32
    %scan3A_31 = arith.constant 20 : i32
    %scan3A_32 = arith.addi %scan3A_30, %scan3A_31 : i32
    %scan3A_33 = arith.constant 1 : i32
    scf.for %scan3A_35 = %scan3A_30 to %scan3A_32 step %scan3A_33  : i32 {
      %mul3A_36 = arith.constant 10000 : i32
      %mul3A_37 = arith.muli %scan3A_35, %mul3A_36 : i32
      %add3A_38 = arith.addi %mul3A_29, %mul3A_37 : i32
      "tpu.region"() ({
        %run_scoped3A = tpu.sem_alloc : memref<!tpu.dma_semaphore, #tpu.memory_space<semaphore_mem>>
        %dma_start3A_205 = tpu.memref_slice %arg5[%add3A_38] : memref<6400000xi32, #tpu.memory_space<hbm>> -> memref<2000xi32, #tpu.memory_space<hbm>>
        %dma_start3A_206 = tpu.memref_slice %arg5[%add3A_38] : memref<6400000xi32, #tpu.memory_space<hbm>> -> memref<2000xi32, #tpu.memory_space<hbm>>
        tpu.enqueue_dma source(%dma_start3A_206 : memref<2000xi32, #tpu.memory_space<hbm>>) target(%arg11 : memref<2000xi32, #tpu.memory_space<vmem>>) target_semaphore(%run_scoped3A : memref<!tpu.dma_semaphore, #tpu.memory_space<semaphore_mem>>)
        %dma_wait3A_207 = tpu.memref_slice %arg5[%add3A_38] : memref<6400000xi32, #tpu.memory_space<hbm>> -> memref<2000xi32, #tpu.memory_space<hbm>>
        %dma_wait3A_208 = tpu.memref_slice %arg5[%add3A_38] : memref<6400000xi32, #tpu.memory_space<hbm>> -> memref<2000xi32, #tpu.memory_space<hbm>>
        tpu.wait_dma2 semaphore(%run_scoped3A : memref<!tpu.dma_semaphore, #tpu.memory_space<semaphore_mem>>) src(%dma_wait3A_208 : memref<2000xi32, #tpu.memory_space<hbm>>) dst(%arg11 : memref<2000xi32, #tpu.memory_space<vmem>>)
        tpu.yield
      }) : () -> ()
      "tpu.region"() ({
        %run_scoped3A = tpu.sem_alloc : memref<!tpu.dma_semaphore, #tpu.memory_space<semaphore_mem>>
        %dma_start3A_205 = tpu.memref_slice %arg6[%add3A_38] : memref<6400000xi32, #tpu.memory_space<hbm>> -> memref<2000xi32, #tpu.memory_space<hbm>>
        %dma_start3A_206 = tpu.memref_slice %arg6[%add3A_38] : memref<6400000xi32, #tpu.memory_space<hbm>> -> memref<2000xi32, #tpu.memory_space<hbm>>
        tpu.enqueue_dma source(%dma_start3A_206 : memref<2000xi32, #tpu.memory_space<hbm>>) target(%arg12 : memref<2000xi32, #tpu.memory_space<vmem>>) target_semaphore(%run_scoped3A : memref<!tpu.dma_semaphore, #tpu.memory_space<semaphore_mem>>)
        %dma_wait3A_207 = tpu.memref_slice %arg6[%add3A_38] : memref<6400000xi32, #tpu.memory_space<hbm>> -> memref<2000xi32, #tpu.memory_space<hbm>>
        %dma_wait3A_208 = tpu.memref_slice %arg6[%add3A_38] : memref<6400000xi32, #tpu.memory_space<hbm>> -> memref<2000xi32, #tpu.memory_space<hbm>>
        tpu.wait_dma2 semaphore(%run_scoped3A : memref<!tpu.dma_semaphore, #tpu.memory_space<semaphore_mem>>) src(%dma_wait3A_208 : memref<2000xi32, #tpu.memory_space<hbm>>) dst(%arg12 : memref<2000xi32, #tpu.memory_space<vmem>>)
        tpu.yield
      }) : () -> ()
      "tpu.region"() ({
        %run_scoped3A = tpu.sem_alloc : memref<!tpu.dma_semaphore, #tpu.memory_space<semaphore_mem>>
        %dma_start3A_205 = tpu.memref_slice %arg8[%add3A_38] : memref<6400000xf32, #tpu.memory_space<hbm>> -> memref<2000xf32, #tpu.memory_space<hbm>>
        %dma_start3A_206 = tpu.memref_slice %arg8[%add3A_38] : memref<6400000xf32, #tpu.memory_space<hbm>> -> memref<2000xf32, #tpu.memory_space<hbm>>
        tpu.enqueue_dma source(%dma_start3A_206 : memref<2000xf32, #tpu.memory_space<hbm>>) target(%arg19 : memref<2000xf32, #tpu.memory_space<vmem>>) target_semaphore(%run_scoped3A : memref<!tpu.dma_semaphore, #tpu.memory_space<semaphore_mem>>)
        %dma_wait3A_207 = tpu.memref_slice %arg8[%add3A_38] : memref<6400000xf32, #tpu.memory_space<hbm>> -> memref<2000xf32, #tpu.memory_space<hbm>>
        %dma_wait3A_208 = tpu.memref_slice %arg8[%add3A_38] : memref<6400000xf32, #tpu.memory_space<hbm>> -> memref<2000xf32, #tpu.memory_space<hbm>>
        tpu.wait_dma2 semaphore(%run_scoped3A : memref<!tpu.dma_semaphore, #tpu.memory_space<semaphore_mem>>) src(%dma_wait3A_208 : memref<2000xf32, #tpu.memory_space<hbm>>) dst(%arg19 : memref<2000xf32, #tpu.memory_space<vmem>>)
        tpu.yield
      }) : () -> ()
      "tpu.region"() ({
        %run_scoped3A = tpu.sem_alloc : memref<!tpu.dma_semaphore, #tpu.memory_space<semaphore_mem>>
        %dma_start3A_205 = tpu.memref_slice %arg9[%add3A_38] : memref<6400000xf32, #tpu.memory_space<hbm>> -> memref<2000xf32, #tpu.memory_space<hbm>>
        %dma_start3A_206 = tpu.memref_slice %arg9[%add3A_38] : memref<6400000xf32, #tpu.memory_space<hbm>> -> memref<2000xf32, #tpu.memory_space<hbm>>
        tpu.enqueue_dma source(%dma_start3A_206 : memref<2000xf32, #tpu.memory_space<hbm>>) target(%arg20 : memref<2000xf32, #tpu.memory_space<vmem>>) target_semaphore(%run_scoped3A : memref<!tpu.dma_semaphore, #tpu.memory_space<semaphore_mem>>)
        %dma_wait3A_207 = tpu.memref_slice %arg9[%add3A_38] : memref<6400000xf32, #tpu.memory_space<hbm>> -> memref<2000xf32, #tpu.memory_space<hbm>>
        %dma_wait3A_208 = tpu.memref_slice %arg9[%add3A_38] : memref<6400000xf32, #tpu.memory_space<hbm>> -> memref<2000xf32, #tpu.memory_space<hbm>>
        tpu.wait_dma2 semaphore(%run_scoped3A : memref<!tpu.dma_semaphore, #tpu.memory_space<semaphore_mem>>) src(%dma_wait3A_208 : memref<2000xf32, #tpu.memory_space<hbm>>) dst(%arg20 : memref<2000xf32, #tpu.memory_space<vmem>>)
        tpu.yield
      }) : () -> ()
      %dma_start3A = arith.constant 0 : i32
      %dma_start3A_39 = tpu.memref_slice %arg2[%dma_start3A] : memref<100000xf32, #tpu.memory_space<hbm>> -> memref<100000xf32, #tpu.memory_space<hbm>>
      tpu.enqueue_indirect_dma source(%dma_start3A_39 : memref<100000xf32, #tpu.memory_space<hbm>>) target(%arg13 : memref<2000xf32, #tpu.memory_space<vmem>>) offsets(%arg11 : memref<2000xi32, #tpu.memory_space<vmem>>) semaphore(%arg22 : memref<!tpu.dma_semaphore, #tpu.memory_space<semaphore_mem>>)
      %dma_start3A_40 = arith.constant 0 : i32
      %dma_start3A_41 = tpu.memref_slice %arg2[%dma_start3A_40] : memref<100000xf32, #tpu.memory_space<hbm>> -> memref<100000xf32, #tpu.memory_space<hbm>>
      tpu.enqueue_indirect_dma source(%dma_start3A_41 : memref<100000xf32, #tpu.memory_space<hbm>>) target(%arg14 : memref<2000xf32, #tpu.memory_space<vmem>>) offsets(%arg12 : memref<2000xi32, #tpu.memory_space<vmem>>) semaphore(%arg23 : memref<!tpu.dma_semaphore, #tpu.memory_space<semaphore_mem>>)
      %dma_start3A_42 = arith.constant 0 : i32
      %dma_start3A_43 = tpu.memref_slice %arg3[%dma_start3A_42] : memref<100000xf32, #tpu.memory_space<hbm>> -> memref<100000xf32, #tpu.memory_space<hbm>>
      tpu.enqueue_indirect_dma source(%dma_start3A_43 : memref<100000xf32, #tpu.memory_space<hbm>>) target(%arg15 : memref<2000xf32, #tpu.memory_space<vmem>>) offsets(%arg11 : memref<2000xi32, #tpu.memory_space<vmem>>) semaphore(%arg24 : memref<!tpu.dma_semaphore, #tpu.memory_space<semaphore_mem>>)
      %dma_start3A_44 = arith.constant 0 : i32
      %dma_start3A_45 = tpu.memref_slice %arg3[%dma_start3A_44] : memref<100000xf32, #tpu.memory_space<hbm>> -> memref<100000xf32, #tpu.memory_space<hbm>>
      tpu.enqueue_indirect_dma source(%dma_start3A_45 : memref<100000xf32, #tpu.memory_space<hbm>>) target(%arg16 : memref<2000xf32, #tpu.memory_space<vmem>>) offsets(%arg12 : memref<2000xi32, #tpu.memory_space<vmem>>) semaphore(%arg25 : memref<!tpu.dma_semaphore, #tpu.memory_space<semaphore_mem>>)
      %dma_start3A_46 = arith.constant 0 : i32
      %dma_start3A_47 = tpu.memref_slice %arg4[%dma_start3A_46] : memref<100000xf32, #tpu.memory_space<hbm>> -> memref<100000xf32, #tpu.memory_space<hbm>>
      tpu.enqueue_indirect_dma source(%dma_start3A_47 : memref<100000xf32, #tpu.memory_space<hbm>>) target(%arg17 : memref<2000xf32, #tpu.memory_space<vmem>>) offsets(%arg11 : memref<2000xi32, #tpu.memory_space<vmem>>) semaphore(%arg26 : memref<!tpu.dma_semaphore, #tpu.memory_space<semaphore_mem>>)
      %dma_start3A_48 = arith.constant 0 : i32
      %dma_start3A_49 = tpu.memref_slice %arg4[%dma_start3A_48] : memref<100000xf32, #tpu.memory_space<hbm>> -> memref<100000xf32, #tpu.memory_space<hbm>>
      tpu.enqueue_indirect_dma source(%dma_start3A_49 : memref<100000xf32, #tpu.memory_space<hbm>>) target(%arg18 : memref<2000xf32, #tpu.memory_space<vmem>>) offsets(%arg12 : memref<2000xi32, #tpu.memory_space<vmem>>) semaphore(%arg27 : memref<!tpu.dma_semaphore, #tpu.memory_space<semaphore_mem>>)
      %add3A_50 = arith.constant 2000 : i32
      %add3A_51 = arith.addi %add3A_38, %add3A_50 : i32
      "tpu.region"() ({
        %run_scoped3A = tpu.sem_alloc : memref<!tpu.dma_semaphore, #tpu.memory_space<semaphore_mem>>
        %dma_start3A_205 = tpu.memref_slice %arg5[%add3A_51] : memref<6400000xi32, #tpu.memory_space<hbm>> -> memref<2000xi32, #tpu.memory_space<hbm>>
        %dma_start3A_206 = tpu.memref_slice %arg5[%add3A_51] : memref<6400000xi32, #tpu.memory_space<hbm>> -> memref<2000xi32, #tpu.memory_space<hbm>>
        tpu.enqueue_dma source(%dma_start3A_206 : memref<2000xi32, #tpu.memory_space<hbm>>) target(%arg28 : memref<2000xi32, #tpu.memory_space<vmem>>) target_semaphore(%run_scoped3A : memref<!tpu.dma_semaphore, #tpu.memory_space<semaphore_mem>>)
        %dma_wait3A_207 = tpu.memref_slice %arg5[%add3A_51] : memref<6400000xi32, #tpu.memory_space<hbm>> -> memref<2000xi32, #tpu.memory_space<hbm>>
        %dma_wait3A_208 = tpu.memref_slice %arg5[%add3A_51] : memref<6400000xi32, #tpu.memory_space<hbm>> -> memref<2000xi32, #tpu.memory_space<hbm>>
        tpu.wait_dma2 semaphore(%run_scoped3A : memref<!tpu.dma_semaphore, #tpu.memory_space<semaphore_mem>>) src(%dma_wait3A_208 : memref<2000xi32, #tpu.memory_space<hbm>>) dst(%arg28 : memref<2000xi32, #tpu.memory_space<vmem>>)
        tpu.yield
      }) : () -> ()
      "tpu.region"() ({
        %run_scoped3A = tpu.sem_alloc : memref<!tpu.dma_semaphore, #tpu.memory_space<semaphore_mem>>
        %dma_start3A_205 = tpu.memref_slice %arg6[%add3A_51] : memref<6400000xi32, #tpu.memory_space<hbm>> -> memref<2000xi32, #tpu.memory_space<hbm>>
        %dma_start3A_206 = tpu.memref_slice %arg6[%add3A_51] : memref<6400000xi32, #tpu.memory_space<hbm>> -> memref<2000xi32, #tpu.memory_space<hbm>>
        tpu.enqueue_dma source(%dma_start3A_206 : memref<2000xi32, #tpu.memory_space<hbm>>) target(%arg29 : memref<2000xi32, #tpu.memory_space<vmem>>) target_semaphore(%run_scoped3A : memref<!tpu.dma_semaphore, #tpu.memory_space<semaphore_mem>>)
        %dma_wait3A_207 = tpu.memref_slice %arg6[%add3A_51] : memref<6400000xi32, #tpu.memory_space<hbm>> -> memref<2000xi32, #tpu.memory_space<hbm>>
        %dma_wait3A_208 = tpu.memref_slice %arg6[%add3A_51] : memref<6400000xi32, #tpu.memory_space<hbm>> -> memref<2000xi32, #tpu.memory_space<hbm>>
        tpu.wait_dma2 semaphore(%run_scoped3A : memref<!tpu.dma_semaphore, #tpu.memory_space<semaphore_mem>>) src(%dma_wait3A_208 : memref<2000xi32, #tpu.memory_space<hbm>>) dst(%arg29 : memref<2000xi32, #tpu.memory_space<vmem>>)
        tpu.yield
      }) : () -> ()
      "tpu.region"() ({
        %run_scoped3A = tpu.sem_alloc : memref<!tpu.dma_semaphore, #tpu.memory_space<semaphore_mem>>
        %dma_start3A_205 = tpu.memref_slice %arg8[%add3A_51] : memref<6400000xf32, #tpu.memory_space<hbm>> -> memref<2000xf32, #tpu.memory_space<hbm>>
        %dma_start3A_206 = tpu.memref_slice %arg8[%add3A_51] : memref<6400000xf32, #tpu.memory_space<hbm>> -> memref<2000xf32, #tpu.memory_space<hbm>>
        tpu.enqueue_dma source(%dma_start3A_206 : memref<2000xf32, #tpu.memory_space<hbm>>) target(%arg36 : memref<2000xf32, #tpu.memory_space<vmem>>) target_semaphore(%run_scoped3A : memref<!tpu.dma_semaphore, #tpu.memory_space<semaphore_mem>>)
        %dma_wait3A_207 = tpu.memref_slice %arg8[%add3A_51] : memref<6400000xf32, #tpu.memory_space<hbm>> -> memref<2000xf32, #tpu.memory_space<hbm>>
        %dma_wait3A_208 = tpu.memref_slice %arg8[%add3A_51] : memref<6400000xf32, #tpu.memory_space<hbm>> -> memref<2000xf32, #tpu.memory_space<hbm>>
        tpu.wait_dma2 semaphore(%run_scoped3A : memref<!tpu.dma_semaphore, #tpu.memory_space<semaphore_mem>>) src(%dma_wait3A_208 : memref<2000xf32, #tpu.memory_space<hbm>>) dst(%arg36 : memref<2000xf32, #tpu.memory_space<vmem>>)
        tpu.yield
      }) : () -> ()
      "tpu.region"() ({
        %run_scoped3A = tpu.sem_alloc : memref<!tpu.dma_semaphore, #tpu.memory_space<semaphore_mem>>
        %dma_start3A_205 = tpu.memref_slice %arg9[%add3A_51] : memref<6400000xf32, #tpu.memory_space<hbm>> -> memref<2000xf32, #tpu.memory_space<hbm>>
        %dma_start3A_206 = tpu.memref_slice %arg9[%add3A_51] : memref<6400000xf32, #tpu.memory_space<hbm>> -> memref<2000xf32, #tpu.memory_space<hbm>>
        tpu.enqueue_dma source(%dma_start3A_206 : memref<2000xf32, #tpu.memory_space<hbm>>) target(%arg37 : memref<2000xf32, #tpu.memory_space<vmem>>) target_semaphore(%run_scoped3A : memref<!tpu.dma_semaphore, #tpu.memory_space<semaphore_mem>>)
        %dma_wait3A_207 = tpu.memref_slice %arg9[%add3A_51] : memref<6400000xf32, #tpu.memory_space<hbm>> -> memref<2000xf32, #tpu.memory_space<hbm>>
        %dma_wait3A_208 = tpu.memref_slice %arg9[%add3A_51] : memref<6400000xf32, #tpu.memory_space<hbm>> -> memref<2000xf32, #tpu.memory_space<hbm>>
        tpu.wait_dma2 semaphore(%run_scoped3A : memref<!tpu.dma_semaphore, #tpu.memory_space<semaphore_mem>>) src(%dma_wait3A_208 : memref<2000xf32, #tpu.memory_space<hbm>>) dst(%arg37 : memref<2000xf32, #tpu.memory_space<vmem>>)
        tpu.yield
      }) : () -> ()
      %dma_start3A_52 = arith.constant 0 : i32
      %dma_start3A_53 = tpu.memref_slice %arg2[%dma_start3A_52] : memref<100000xf32, #tpu.memory_space<hbm>> -> memref<100000xf32, #tpu.memory_space<hbm>>
      tpu.enqueue_indirect_dma source(%dma_start3A_53 : memref<100000xf32, #tpu.memory_space<hbm>>) target(%arg30 : memref<2000xf32, #tpu.memory_space<vmem>>) offsets(%arg28 : memref<2000xi32, #tpu.memory_space<vmem>>) semaphore(%arg39 : memref<!tpu.dma_semaphore, #tpu.memory_space<semaphore_mem>>)
      %dma_start3A_54 = arith.constant 0 : i32
      %dma_start3A_55 = tpu.memref_slice %arg2[%dma_start3A_54] : memref<100000xf32, #tpu.memory_space<hbm>> -> memref<100000xf32, #tpu.memory_space<hbm>>
      tpu.enqueue_indirect_dma source(%dma_start3A_55 : memref<100000xf32, #tpu.memory_space<hbm>>) target(%arg31 : memref<2000xf32, #tpu.memory_space<vmem>>) offsets(%arg29 : memref<2000xi32, #tpu.memory_space<vmem>>) semaphore(%arg40 : memref<!tpu.dma_semaphore, #tpu.memory_space<semaphore_mem>>)
      %dma_start3A_56 = arith.constant 0 : i32
      %dma_start3A_57 = tpu.memref_slice %arg3[%dma_start3A_56] : memref<100000xf32, #tpu.memory_space<hbm>> -> memref<100000xf32, #tpu.memory_space<hbm>>
      tpu.enqueue_indirect_dma source(%dma_start3A_57 : memref<100000xf32, #tpu.memory_space<hbm>>) target(%arg32 : memref<2000xf32, #tpu.memory_space<vmem>>) offsets(%arg28 : memref<2000xi32, #tpu.memory_space<vmem>>) semaphore(%arg41 : memref<!tpu.dma_semaphore, #tpu.memory_space<semaphore_mem>>)
      %dma_start3A_58 = arith.constant 0 : i32
      %dma_start3A_59 = tpu.memref_slice %arg3[%dma_start3A_58] : memref<100000xf32, #tpu.memory_space<hbm>> -> memref<100000xf32, #tpu.memory_space<hbm>>
      tpu.enqueue_indirect_dma source(%dma_start3A_59 : memref<100000xf32, #tpu.memory_space<hbm>>) target(%arg33 : memref<2000xf32, #tpu.memory_space<vmem>>) offsets(%arg29 : memref<2000xi32, #tpu.memory_space<vmem>>) semaphore(%arg42 : memref<!tpu.dma_semaphore, #tpu.memory_space<semaphore_mem>>)
      %dma_start3A_60 = arith.constant 0 : i32
      %dma_start3A_61 = tpu.memref_slice %arg4[%dma_start3A_60] : memref<100000xf32, #tpu.memory_space<hbm>> -> memref<100000xf32, #tpu.memory_space<hbm>>
      tpu.enqueue_indirect_dma source(%dma_start3A_61 : memref<100000xf32, #tpu.memory_space<hbm>>) target(%arg34 : memref<2000xf32, #tpu.memory_space<vmem>>) offsets(%arg28 : memref<2000xi32, #tpu.memory_space<vmem>>) semaphore(%arg43 : memref<!tpu.dma_semaphore, #tpu.memory_space<semaphore_mem>>)
      %dma_start3A_62 = arith.constant 0 : i32
      %dma_start3A_63 = tpu.memref_slice %arg4[%dma_start3A_62] : memref<100000xf32, #tpu.memory_space<hbm>> -> memref<100000xf32, #tpu.memory_space<hbm>>
      tpu.enqueue_indirect_dma source(%dma_start3A_63 : memref<100000xf32, #tpu.memory_space<hbm>>) target(%arg35 : memref<2000xf32, #tpu.memory_space<vmem>>) offsets(%arg29 : memref<2000xi32, #tpu.memory_space<vmem>>) semaphore(%arg44 : memref<!tpu.dma_semaphore, #tpu.memory_space<semaphore_mem>>)
      %add3A_64 = arith.constant 4000 : i32
      %add3A_65 = arith.addi %add3A_38, %add3A_64 : i32
      "tpu.region"() ({
        %run_scoped3A = tpu.sem_alloc : memref<!tpu.dma_semaphore, #tpu.memory_space<semaphore_mem>>
        %dma_start3A_205 = tpu.memref_slice %arg5[%add3A_65] : memref<6400000xi32, #tpu.memory_space<hbm>> -> memref<2000xi32, #tpu.memory_space<hbm>>
        %dma_start3A_206 = tpu.memref_slice %arg5[%add3A_65] : memref<6400000xi32, #tpu.memory_space<hbm>> -> memref<2000xi32, #tpu.memory_space<hbm>>
        tpu.enqueue_dma source(%dma_start3A_206 : memref<2000xi32, #tpu.memory_space<hbm>>) target(%arg45 : memref<2000xi32, #tpu.memory_space<vmem>>) target_semaphore(%run_scoped3A : memref<!tpu.dma_semaphore, #tpu.memory_space<semaphore_mem>>)
        %dma_wait3A_207 = tpu.memref_slice %arg5[%add3A_65] : memref<6400000xi32, #tpu.memory_space<hbm>> -> memref<2000xi32, #tpu.memory_space<hbm>>
        %dma_wait3A_208 = tpu.memref_slice %arg5[%add3A_65] : memref<6400000xi32, #tpu.memory_space<hbm>> -> memref<2000xi32, #tpu.memory_space<hbm>>
        tpu.wait_dma2 semaphore(%run_scoped3A : memref<!tpu.dma_semaphore, #tpu.memory_space<semaphore_mem>>) src(%dma_wait3A_208 : memref<2000xi32, #tpu.memory_space<hbm>>) dst(%arg45 : memref<2000xi32, #tpu.memory_space<vmem>>)
        tpu.yield
      }) : () -> ()
      "tpu.region"() ({
        %run_scoped3A = tpu.sem_alloc : memref<!tpu.dma_semaphore, #tpu.memory_space<semaphore_mem>>
        %dma_start3A_205 = tpu.memref_slice %arg6[%add3A_65] : memref<6400000xi32, #tpu.memory_space<hbm>> -> memref<2000xi32, #tpu.memory_space<hbm>>
        %dma_start3A_206 = tpu.memref_slice %arg6[%add3A_65] : memref<6400000xi32, #tpu.memory_space<hbm>> -> memref<2000xi32, #tpu.memory_space<hbm>>
        tpu.enqueue_dma source(%dma_start3A_206 : memref<2000xi32, #tpu.memory_space<hbm>>) target(%arg46 : memref<2000xi32, #tpu.memory_space<vmem>>) target_semaphore(%run_scoped3A : memref<!tpu.dma_semaphore, #tpu.memory_space<semaphore_mem>>)
        %dma_wait3A_207 = tpu.memref_slice %arg6[%add3A_65] : memref<6400000xi32, #tpu.memory_space<hbm>> -> memref<2000xi32, #tpu.memory_space<hbm>>
        %dma_wait3A_208 = tpu.memref_slice %arg6[%add3A_65] : memref<6400000xi32, #tpu.memory_space<hbm>> -> memref<2000xi32, #tpu.memory_space<hbm>>
        tpu.wait_dma2 semaphore(%run_scoped3A : memref<!tpu.dma_semaphore, #tpu.memory_space<semaphore_mem>>) src(%dma_wait3A_208 : memref<2000xi32, #tpu.memory_space<hbm>>) dst(%arg46 : memref<2000xi32, #tpu.memory_space<vmem>>)
        tpu.yield
      }) : () -> ()
      "tpu.region"() ({
        %run_scoped3A = tpu.sem_alloc : memref<!tpu.dma_semaphore, #tpu.memory_space<semaphore_mem>>
        %dma_start3A_205 = tpu.memref_slice %arg8[%add3A_65] : memref<6400000xf32, #tpu.memory_space<hbm>> -> memref<2000xf32, #tpu.memory_space<hbm>>
        %dma_start3A_206 = tpu.memref_slice %arg8[%add3A_65] : memref<6400000xf32, #tpu.memory_space<hbm>> -> memref<2000xf32, #tpu.memory_space<hbm>>
        tpu.enqueue_dma source(%dma_start3A_206 : memref<2000xf32, #tpu.memory_space<hbm>>) target(%arg53 : memref<2000xf32, #tpu.memory_space<vmem>>) target_semaphore(%run_scoped3A : memref<!tpu.dma_semaphore, #tpu.memory_space<semaphore_mem>>)
        %dma_wait3A_207 = tpu.memref_slice %arg8[%add3A_65] : memref<6400000xf32, #tpu.memory_space<hbm>> -> memref<2000xf32, #tpu.memory_space<hbm>>
        %dma_wait3A_208 = tpu.memref_slice %arg8[%add3A_65] : memref<6400000xf32, #tpu.memory_space<hbm>> -> memref<2000xf32, #tpu.memory_space<hbm>>
        tpu.wait_dma2 semaphore(%run_scoped3A : memref<!tpu.dma_semaphore, #tpu.memory_space<semaphore_mem>>) src(%dma_wait3A_208 : memref<2000xf32, #tpu.memory_space<hbm>>) dst(%arg53 : memref<2000xf32, #tpu.memory_space<vmem>>)
        tpu.yield
      }) : () -> ()
      "tpu.region"() ({
        %run_scoped3A = tpu.sem_alloc : memref<!tpu.dma_semaphore, #tpu.memory_space<semaphore_mem>>
        %dma_start3A_205 = tpu.memref_slice %arg9[%add3A_65] : memref<6400000xf32, #tpu.memory_space<hbm>> -> memref<2000xf32, #tpu.memory_space<hbm>>
        %dma_start3A_206 = tpu.memref_slice %arg9[%add3A_65] : memref<6400000xf32, #tpu.memory_space<hbm>> -> memref<2000xf32, #tpu.memory_space<hbm>>
        tpu.enqueue_dma source(%dma_start3A_206 : memref<2000xf32, #tpu.memory_space<hbm>>) target(%arg54 : memref<2000xf32, #tpu.memory_space<vmem>>) target_semaphore(%run_scoped3A : memref<!tpu.dma_semaphore, #tpu.memory_space<semaphore_mem>>)
        %dma_wait3A_207 = tpu.memref_slice %arg9[%add3A_65] : memref<6400000xf32, #tpu.memory_space<hbm>> -> memref<2000xf32, #tpu.memory_space<hbm>>
        %dma_wait3A_208 = tpu.memref_slice %arg9[%add3A_65] : memref<6400000xf32, #tpu.memory_space<hbm>> -> memref<2000xf32, #tpu.memory_space<hbm>>
        tpu.wait_dma2 semaphore(%run_scoped3A : memref<!tpu.dma_semaphore, #tpu.memory_space<semaphore_mem>>) src(%dma_wait3A_208 : memref<2000xf32, #tpu.memory_space<hbm>>) dst(%arg54 : memref<2000xf32, #tpu.memory_space<vmem>>)
        tpu.yield
      }) : () -> ()
      %dma_start3A_66 = arith.constant 0 : i32
      %dma_start3A_67 = tpu.memref_slice %arg2[%dma_start3A_66] : memref<100000xf32, #tpu.memory_space<hbm>> -> memref<100000xf32, #tpu.memory_space<hbm>>
      tpu.enqueue_indirect_dma source(%dma_start3A_67 : memref<100000xf32, #tpu.memory_space<hbm>>) target(%arg47 : memref<2000xf32, #tpu.memory_space<vmem>>) offsets(%arg45 : memref<2000xi32, #tpu.memory_space<vmem>>) semaphore(%arg56 : memref<!tpu.dma_semaphore, #tpu.memory_space<semaphore_mem>>)
      %dma_start3A_68 = arith.constant 0 : i32
      %dma_start3A_69 = tpu.memref_slice %arg2[%dma_start3A_68] : memref<100000xf32, #tpu.memory_space<hbm>> -> memref<100000xf32, #tpu.memory_space<hbm>>
      tpu.enqueue_indirect_dma source(%dma_start3A_69 : memref<100000xf32, #tpu.memory_space<hbm>>) target(%arg48 : memref<2000xf32, #tpu.memory_space<vmem>>) offsets(%arg46 : memref<2000xi32, #tpu.memory_space<vmem>>) semaphore(%arg57 : memref<!tpu.dma_semaphore, #tpu.memory_space<semaphore_mem>>)
      %dma_start3A_70 = arith.constant 0 : i32
      %dma_start3A_71 = tpu.memref_slice %arg3[%dma_start3A_70] : memref<100000xf32, #tpu.memory_space<hbm>> -> memref<100000xf32, #tpu.memory_space<hbm>>
      tpu.enqueue_indirect_dma source(%dma_start3A_71 : memref<100000xf32, #tpu.memory_space<hbm>>) target(%arg49 : memref<2000xf32, #tpu.memory_space<vmem>>) offsets(%arg45 : memref<2000xi32, #tpu.memory_space<vmem>>) semaphore(%arg58 : memref<!tpu.dma_semaphore, #tpu.memory_space<semaphore_mem>>)
      %dma_start3A_72 = arith.constant 0 : i32
      %dma_start3A_73 = tpu.memref_slice %arg3[%dma_start3A_72] : memref<100000xf32, #tpu.memory_space<hbm>> -> memref<100000xf32, #tpu.memory_space<hbm>>
      tpu.enqueue_indirect_dma source(%dma_start3A_73 : memref<100000xf32, #tpu.memory_space<hbm>>) target(%arg50 : memref<2000xf32, #tpu.memory_space<vmem>>) offsets(%arg46 : memref<2000xi32, #tpu.memory_space<vmem>>) semaphore(%arg59 : memref<!tpu.dma_semaphore, #tpu.memory_space<semaphore_mem>>)
      %dma_start3A_74 = arith.constant 0 : i32
      %dma_start3A_75 = tpu.memref_slice %arg4[%dma_start3A_74] : memref<100000xf32, #tpu.memory_space<hbm>> -> memref<100000xf32, #tpu.memory_space<hbm>>
      tpu.enqueue_indirect_dma source(%dma_start3A_75 : memref<100000xf32, #tpu.memory_space<hbm>>) target(%arg51 : memref<2000xf32, #tpu.memory_space<vmem>>) offsets(%arg45 : memref<2000xi32, #tpu.memory_space<vmem>>) semaphore(%arg60 : memref<!tpu.dma_semaphore, #tpu.memory_space<semaphore_mem>>)
      %dma_start3A_76 = arith.constant 0 : i32
      %dma_start3A_77 = tpu.memref_slice %arg4[%dma_start3A_76] : memref<100000xf32, #tpu.memory_space<hbm>> -> memref<100000xf32, #tpu.memory_space<hbm>>
      tpu.enqueue_indirect_dma source(%dma_start3A_77 : memref<100000xf32, #tpu.memory_space<hbm>>) target(%arg52 : memref<2000xf32, #tpu.memory_space<vmem>>) offsets(%arg46 : memref<2000xi32, #tpu.memory_space<vmem>>) semaphore(%arg61 : memref<!tpu.dma_semaphore, #tpu.memory_space<semaphore_mem>>)
      %dma_wait3A = arith.constant 0 : i32
      %dma_wait3A_78 = tpu.memref_slice %arg2[%dma_wait3A] : memref<100000xf32, #tpu.memory_space<hbm>> -> memref<100000xf32, #tpu.memory_space<hbm>>
      tpu.wait_indirect_dma semaphore(%arg22 : memref<!tpu.dma_semaphore, #tpu.memory_space<semaphore_mem>>) src(%dma_wait3A_78 : memref<100000xf32, #tpu.memory_space<hbm>>) dst(%arg13 : memref<2000xf32, #tpu.memory_space<vmem>>)
      %dma_wait3A_79 = arith.constant 0 : i32
      %dma_wait3A_80 = tpu.memref_slice %arg2[%dma_wait3A_79] : memref<100000xf32, #tpu.memory_space<hbm>> -> memref<100000xf32, #tpu.memory_space<hbm>>
      tpu.wait_indirect_dma semaphore(%arg23 : memref<!tpu.dma_semaphore, #tpu.memory_space<semaphore_mem>>) src(%dma_wait3A_80 : memref<100000xf32, #tpu.memory_space<hbm>>) dst(%arg14 : memref<2000xf32, #tpu.memory_space<vmem>>)
      %dma_wait3A_81 = arith.constant 0 : i32
      %dma_wait3A_82 = tpu.memref_slice %arg3[%dma_wait3A_81] : memref<100000xf32, #tpu.memory_space<hbm>> -> memref<100000xf32, #tpu.memory_space<hbm>>
      tpu.wait_indirect_dma semaphore(%arg24 : memref<!tpu.dma_semaphore, #tpu.memory_space<semaphore_mem>>) src(%dma_wait3A_82 : memref<100000xf32, #tpu.memory_space<hbm>>) dst(%arg15 : memref<2000xf32, #tpu.memory_space<vmem>>)
      %dma_wait3A_83 = arith.constant 0 : i32
      %dma_wait3A_84 = tpu.memref_slice %arg3[%dma_wait3A_83] : memref<100000xf32, #tpu.memory_space<hbm>> -> memref<100000xf32, #tpu.memory_space<hbm>>
      tpu.wait_indirect_dma semaphore(%arg25 : memref<!tpu.dma_semaphore, #tpu.memory_space<semaphore_mem>>) src(%dma_wait3A_84 : memref<100000xf32, #tpu.memory_space<hbm>>) dst(%arg16 : memref<2000xf32, #tpu.memory_space<vmem>>)
      %dma_wait3A_85 = arith.constant 0 : i32
      %dma_wait3A_86 = tpu.memref_slice %arg4[%dma_wait3A_85] : memref<100000xf32, #tpu.memory_space<hbm>> -> memref<100000xf32, #tpu.memory_space<hbm>>
      tpu.wait_indirect_dma semaphore(%arg26 : memref<!tpu.dma_semaphore, #tpu.memory_space<semaphore_mem>>) src(%dma_wait3A_86 : memref<100000xf32, #tpu.memory_space<hbm>>) dst(%arg17 : memref<2000xf32, #tpu.memory_space<vmem>>)
      %dma_wait3A_87 = arith.constant 0 : i32
      %dma_wait3A_88 = tpu.memref_slice %arg4[%dma_wait3A_87] : memref<100000xf32, #tpu.memory_space<hbm>> -> memref<100000xf32, #tpu.memory_space<hbm>>
      tpu.wait_indirect_dma semaphore(%arg27 : memref<!tpu.dma_semaphore, #tpu.memory_space<semaphore_mem>>) src(%dma_wait3A_88 : memref<100000xf32, #tpu.memory_space<hbm>>) dst(%arg18 : memref<2000xf32, #tpu.memory_space<vmem>>)
      %add3A_89 = arith.constant 0 : i32
      %add3A_90 = arith.addi %add3A_38, %add3A_89 : i32
      %scan3A_91 = arith.constant 0 : i32
      %scan3A_92 = arith.constant 0 : i32
      %scan3A_93 = arith.constant 125 : i32
      %scan3A_94 = arith.addi %scan3A_92, %scan3A_93 : i32
      %scan3A_95 = arith.constant 1 : i32
      scf.for %scan3A_205 = %scan3A_92 to %scan3A_94 step %scan3A_95  : i32 {
        %mul3A_206 = arith.constant 16 : i32
        %mul3A_207 = arith.muli %scan3A_205, %mul3A_206 : i32
        %get3A_208 = arith.index_cast %mul3A_207 : i32 to index
        %get3A_209 = tpu.vector_load %arg14[%get3A_208] {strides = array<i32>} : memref<2000xf32, #tpu.memory_space<vmem>>, vector<16xf32>,
        %get3A_210 = arith.index_cast %mul3A_207 : i32 to index
        %get3A_211 = tpu.vector_load %arg13[%get3A_210] {strides = array<i32>} : memref<2000xf32, #tpu.memory_space<vmem>>, vector<16xf32>,
        %sub3A = arith.subf %get3A_209, %get3A_211 : vector<16xf32>
        %get3A_212 = arith.index_cast %mul3A_207 : i32 to index
        %get3A_213 = tpu.vector_load %arg16[%get3A_212] {strides = array<i32>} : memref<2000xf32, #tpu.memory_space<vmem>>, vector<16xf32>,
        %get3A_214 = arith.index_cast %mul3A_207 : i32 to index
        %get3A_215 = tpu.vector_load %arg15[%get3A_214] {strides = array<i32>} : memref<2000xf32, #tpu.memory_space<vmem>>, vector<16xf32>,
        %sub3A_216 = arith.subf %get3A_213, %get3A_215 : vector<16xf32>
        %get3A_217 = arith.index_cast %mul3A_207 : i32 to index
        %get3A_218 = tpu.vector_load %arg18[%get3A_217] {strides = array<i32>} : memref<2000xf32, #tpu.memory_space<vmem>>, vector<16xf32>,
        %get3A_219 = arith.index_cast %mul3A_207 : i32 to index
        %get3A_220 = tpu.vector_load %arg17[%get3A_219] {strides = array<i32>} : memref<2000xf32, #tpu.memory_space<vmem>>, vector<16xf32>,
        %sub3A_221 = arith.subf %get3A_218, %get3A_220 : vector<16xf32>
        %mul3A_222 = arith.mulf %sub3A, %get3A_15 : vector<16xf32>
        %add3A_223 = arith.constant 0x4B400000 : f32
        %add3A_224 = vector.broadcast %add3A_223 : f32 to vector<16xf32>
        %add3A_225 = arith.addf %mul3A_222, %add3A_224 : vector<16xf32>
        %sub3A_226 = arith.constant 0x4B400000 : f32
        %sub3A_227 = vector.broadcast %sub3A_226 : f32 to vector<16xf32>
        %sub3A_228 = arith.subf %add3A_225, %sub3A_227 : vector<16xf32>
        %mul3A_229 = arith.mulf %sub3A_216, %get3A_19 : vector<16xf32>
        %add3A_230 = arith.constant 0x4B400000 : f32
        %add3A_231 = vector.broadcast %add3A_230 : f32 to vector<16xf32>
        %add3A_232 = arith.addf %mul3A_229, %add3A_231 : vector<16xf32>
        %sub3A_233 = arith.constant 0x4B400000 : f32
        %sub3A_234 = vector.broadcast %sub3A_233 : f32 to vector<16xf32>
        %sub3A_235 = arith.subf %add3A_232, %sub3A_234 : vector<16xf32>
        %mul3A_236 = arith.mulf %sub3A_221, %get3A_23 : vector<16xf32>
        %add3A_237 = arith.constant 0x4B400000 : f32
        %add3A_238 = vector.broadcast %add3A_237 : f32 to vector<16xf32>
        %add3A_239 = arith.addf %mul3A_236, %add3A_238 : vector<16xf32>
        %sub3A_240 = arith.constant 0x4B400000 : f32
        %sub3A_241 = vector.broadcast %sub3A_240 : f32 to vector<16xf32>
        %sub3A_242 = arith.subf %add3A_239, %sub3A_241 : vector<16xf32>
        %mul3A_243 = arith.mulf %get3A_3, %sub3A_228 : vector<16xf32>
        %sub3A_244 = arith.subf %sub3A, %mul3A_243 : vector<16xf32>
        %mul3A_245 = arith.mulf %get3A_7, %sub3A_235 : vector<16xf32>
        %sub3A_246 = arith.subf %sub3A_216, %mul3A_245 : vector<16xf32>
        %mul3A_247 = arith.mulf %get3A_11, %sub3A_242 : vector<16xf32>
        %sub3A_248 = arith.subf %sub3A_221, %mul3A_247 : vector<16xf32>
        %mul3A_249 = arith.mulf %sub3A_244, %sub3A_244 : vector<16xf32>
        %mul3A_250 = arith.mulf %sub3A_246, %sub3A_246 : vector<16xf32>
        %add3A_251 = arith.addf %mul3A_249, %mul3A_250 : vector<16xf32>
        %mul3A_252 = arith.mulf %sub3A_248, %sub3A_248 : vector<16xf32>
        %add3A_253 = arith.addf %add3A_251, %mul3A_252 : vector<16xf32>
        %bitcast3A = vector.bitcast %add3A_253 : vector<16xf32> to vector<16xi32>
        %shift_right_arithmetic3A = arith.constant 1 : i32
        %shift_right_arithmetic3A_254 = vector.broadcast %shift_right_arithmetic3A : i32 to vector<16xi32>
        %shift_right_arithmetic3A_255 = arith.shrsi %bitcast3A, %shift_right_arithmetic3A_254 : vector<16xi32>
        %sub3A_256 = arith.constant 1597463007 : i32
        %sub3A_257 = vector.broadcast %sub3A_256 : i32 to vector<16xi32>
        %sub3A_258 = arith.subi %sub3A_257, %shift_right_arithmetic3A_255 : vector<16xi32>
        %bitcast3A_259 = vector.bitcast %sub3A_258 : vector<16xi32> to vector<16xf32>
        %mul3A_260 = arith.constant 5.000000e-01 : f32
        %mul3A_261 = vector.broadcast %mul3A_260 : f32 to vector<16xf32>
        %mul3A_262 = arith.mulf %mul3A_261, %add3A_253 : vector<16xf32>
        %mul3A_263 = arith.mulf %mul3A_262, %bitcast3A_259 : vector<16xf32>
        %mul3A_264 = arith.mulf %mul3A_263, %bitcast3A_259 : vector<16xf32>
        %sub3A_265 = arith.constant 1.500000e+00 : f32
        %sub3A_266 = vector.broadcast %sub3A_265 : f32 to vector<16xf32>
        %sub3A_267 = arith.subf %sub3A_266, %mul3A_264 : vector<16xf32>
        %mul3A_268 = arith.mulf %bitcast3A_259, %sub3A_267 : vector<16xf32>
        %mul3A_269 = arith.mulf %mul3A_262, %mul3A_268 : vector<16xf32>
        %mul3A_270 = arith.mulf %mul3A_269, %mul3A_268 : vector<16xf32>
        %sub3A_271 = arith.constant 1.500000e+00 : f32
        %sub3A_272 = vector.broadcast %sub3A_271 : f32 to vector<16xf32>
        %sub3A_273 = arith.subf %sub3A_272, %mul3A_270 : vector<16xf32>
        %mul3A_274 = arith.mulf %mul3A_268, %sub3A_273 : vector<16xf32>
        %mul3A_275 = arith.mulf %mul3A_262, %mul3A_274 : vector<16xf32>
        %mul3A_276 = arith.mulf %mul3A_275, %mul3A_274 : vector<16xf32>
        %sub3A_277 = arith.constant 1.500000e+00 : f32
        %sub3A_278 = vector.broadcast %sub3A_277 : f32 to vector<16xf32>
        %sub3A_279 = arith.subf %sub3A_278, %mul3A_276 : vector<16xf32>
        %mul3A_280 = arith.mulf %mul3A_274, %sub3A_279 : vector<16xf32>
        %mul3A_281 = arith.mulf %add3A_253, %mul3A_280 : vector<16xf32>
        %get3A_282 = arith.index_cast %mul3A_207 : i32 to index
        %get3A_283 = tpu.vector_load %arg20[%get3A_282] {strides = array<i32>} : memref<2000xf32, #tpu.memory_space<vmem>>, vector<16xf32>,
        %get3A_284 = arith.index_cast %mul3A_207 : i32 to index
        %get3A_285 = tpu.vector_load %arg19[%get3A_284] {strides = array<i32>} : memref<2000xf32, #tpu.memory_space<vmem>>, vector<16xf32>,
        %mul3A_286 = arith.mulf %get3A_283, %mul3A_281 : vector<16xf32>
        %mul3A_287 = arith.constant 0.166666672 : f32
        %mul3A_288 = vector.broadcast %mul3A_287 : f32 to vector<16xf32>
        %mul3A_289 = arith.mulf %mul3A_286, %mul3A_288 : vector<16xf32>
        %add3A_290 = arith.constant 1.000000e+00 : f32
        %add3A_291 = vector.broadcast %add3A_290 : f32 to vector<16xf32>
        %add3A_292 = arith.addf %add3A_291, %mul3A_289 : vector<16xf32>
        %mul3A_293 = arith.constant 2.000000e-01 : f32
        %mul3A_294 = vector.broadcast %mul3A_293 : f32 to vector<16xf32>
        %mul3A_295 = arith.mulf %mul3A_286, %mul3A_294 : vector<16xf32>
        %mul3A_296 = arith.mulf %mul3A_295, %add3A_292 : vector<16xf32>
        %add3A_297 = arith.constant 1.000000e+00 : f32
        %add3A_298 = vector.broadcast %add3A_297 : f32 to vector<16xf32>
        %add3A_299 = arith.addf %add3A_298, %mul3A_296 : vector<16xf32>
        %mul3A_300 = arith.constant 2.500000e-01 : f32
        %mul3A_301 = vector.broadcast %mul3A_300 : f32 to vector<16xf32>
        %mul3A_302 = arith.mulf %mul3A_286, %mul3A_301 : vector<16xf32>
        %mul3A_303 = arith.mulf %mul3A_302, %add3A_299 : vector<16xf32>
        %add3A_304 = arith.constant 1.000000e+00 : f32
        %add3A_305 = vector.broadcast %add3A_304 : f32 to vector<16xf32>
        %add3A_306 = arith.addf %add3A_305, %mul3A_303 : vector<16xf32>
        %mul3A_307 = arith.constant 0.333333343 : f32
        %mul3A_308 = vector.broadcast %mul3A_307 : f32 to vector<16xf32>
        %mul3A_309 = arith.mulf %mul3A_286, %mul3A_308 : vector<16xf32>
        %mul3A_310 = arith.mulf %mul3A_309, %add3A_306 : vector<16xf32>
        %add3A_311 = arith.constant 1.000000e+00 : f32
        %add3A_312 = vector.broadcast %add3A_311 : f32 to vector<16xf32>
        %add3A_313 = arith.addf %add3A_312, %mul3A_310 : vector<16xf32>
        %mul3A_314 = arith.constant 5.000000e-01 : f32
        %mul3A_315 = vector.broadcast %mul3A_314 : f32 to vector<16xf32>
        %mul3A_316 = arith.mulf %mul3A_286, %mul3A_315 : vector<16xf32>
        %mul3A_317 = arith.mulf %mul3A_316, %add3A_313 : vector<16xf32>
        %add3A_318 = arith.constant 1.000000e+00 : f32
        %add3A_319 = vector.broadcast %add3A_318 : f32 to vector<16xf32>
        %add3A_320 = arith.addf %add3A_319, %mul3A_317 : vector<16xf32>
        %mul3A_321 = arith.mulf %mul3A_286, %add3A_320 : vector<16xf32>
        %add3A_322 = arith.constant 1.000000e+00 : f32
        %add3A_323 = vector.broadcast %add3A_322 : f32 to vector<16xf32>
        %add3A_324 = arith.addf %add3A_323, %mul3A_321 : vector<16xf32>
        %neg3A = arith.constant 0.000000e+00 : f32
        %neg3A_325 = vector.broadcast %neg3A : f32 to vector<16xf32>
        %neg3A_326 = arith.subf %neg3A_325, %mul3A_286 : vector<16xf32>
        %exp3A = math.exp %neg3A_326 : vector<16xf32>
        %mul3A_327 = arith.mulf %exp3A, %add3A_324 : vector<16xf32>
        %sub3A_328 = arith.constant 1.000000e+00 : f32
        %sub3A_329 = vector.broadcast %sub3A_328 : f32 to vector<16xf32>
        %sub3A_330 = arith.subf %sub3A_329, %mul3A_327 : vector<16xf32>
        %mul3A_331 = arith.mulf %get3A_285, %sub3A_330 : vector<16xf32>
        %neg3A_332 = arith.constant 0.000000e+00 : f32
        %neg3A_333 = vector.broadcast %neg3A_332 : f32 to vector<16xf32>
        %neg3A_334 = arith.subf %neg3A_333, %mul3A_331 : vector<16xf32>
        %mul3A_335 = arith.mulf %mul3A_281, %mul3A_281 : vector<16xf32>
        %mul3A_336 = arith.mulf %mul3A_335, %mul3A_335 : vector<16xf32>
        %mul3A_337 = arith.mulf %mul3A_335, %mul3A_336 : vector<16xf32>
        %div3A = arith.divf %neg3A_334, %mul3A_337 : vector<16xf32>
        %le3A = arith.cmpf ole, %mul3A_281, %get3A_27 : vector<16xf32>
        %jit3A = arith.constant 0.000000e+00 : f32
        %broadcast_in_dim3A = vector.broadcast %jit3A : f32 to vector<16xf32>
        %select_n3A = arith.select %le3A, %div3A, %broadcast_in_dim3A : vector<16xi1>, vector<16xf32>
        %swap3A = arith.index_cast %mul3A_207 : i32 to index
        %swap3A_338 = tpu.vector_load %arg21[%swap3A] {strides = array<i32>} : memref<2000xf32, #tpu.memory_space<vmem>>, vector<16xf32>,
        tpu.vector_store %arg21[%swap3A], %select_n3A {strides = array<i32>} : memref<2000xf32, #tpu.memory_space<vmem>>, vector<16xf32>,
      }
      %scan3A_96 = arith.constant 125 : i32
      "tpu.region"() ({
        %run_scoped3A = tpu.sem_alloc : memref<!tpu.dma_semaphore, #tpu.memory_space<semaphore_mem>>
        %dma_start3A_205 = tpu.memref_slice %arg10[%add3A_90] : memref<6400000xf32, #tpu.memory_space<hbm>> -> memref<2000xf32, #tpu.memory_space<hbm>>
        %dma_start3A_206 = tpu.memref_slice %arg10[%add3A_90] : memref<6400000xf32, #tpu.memory_space<hbm>> -> memref<2000xf32, #tpu.memory_space<hbm>>
        tpu.enqueue_dma source(%arg21 : memref<2000xf32, #tpu.memory_space<vmem>>) target(%dma_start3A_206 : memref<2000xf32, #tpu.memory_space<hbm>>) target_semaphore(%run_scoped3A : memref<!tpu.dma_semaphore, #tpu.memory_space<semaphore_mem>>)
        %dma_wait3A_207 = tpu.memref_slice %arg10[%add3A_90] : memref<6400000xf32, #tpu.memory_space<hbm>> -> memref<2000xf32, #tpu.memory_space<hbm>>
        %dma_wait3A_208 = tpu.memref_slice %arg10[%add3A_90] : memref<6400000xf32, #tpu.memory_space<hbm>> -> memref<2000xf32, #tpu.memory_space<hbm>>
        tpu.wait_dma2 semaphore(%run_scoped3A : memref<!tpu.dma_semaphore, #tpu.memory_space<semaphore_mem>>) src(%arg21 : memref<2000xf32, #tpu.memory_space<vmem>>) dst(%dma_wait3A_208 : memref<2000xf32, #tpu.memory_space<hbm>>)
        tpu.yield
      }) : () -> ()
      %add3A_97 = arith.constant 6000 : i32
      %add3A_98 = arith.addi %add3A_38, %add3A_97 : i32
      "tpu.region"() ({
        %run_scoped3A = tpu.sem_alloc : memref<!tpu.dma_semaphore, #tpu.memory_space<semaphore_mem>>
        %dma_start3A_205 = tpu.memref_slice %arg5[%add3A_98] : memref<6400000xi32, #tpu.memory_space<hbm>> -> memref<2000xi32, #tpu.memory_space<hbm>>
        %dma_start3A_206 = tpu.memref_slice %arg5[%add3A_98] : memref<6400000xi32, #tpu.memory_space<hbm>> -> memref<2000xi32, #tpu.memory_space<hbm>>
        tpu.enqueue_dma source(%dma_start3A_206 : memref<2000xi32, #tpu.memory_space<hbm>>) target(%arg62 : memref<2000xi32, #tpu.memory_space<vmem>>) target_semaphore(%run_scoped3A : memref<!tpu.dma_semaphore, #tpu.memory_space<semaphore_mem>>)
        %dma_wait3A_207 = tpu.memref_slice %arg5[%add3A_98] : memref<6400000xi32, #tpu.memory_space<hbm>> -> memref<2000xi32, #tpu.memory_space<hbm>>
        %dma_wait3A_208 = tpu.memref_slice %arg5[%add3A_98] : memref<6400000xi32, #tpu.memory_space<hbm>> -> memref<2000xi32, #tpu.memory_space<hbm>>
        tpu.wait_dma2 semaphore(%run_scoped3A : memref<!tpu.dma_semaphore, #tpu.memory_space<semaphore_mem>>) src(%dma_wait3A_208 : memref<2000xi32, #tpu.memory_space<hbm>>) dst(%arg62 : memref<2000xi32, #tpu.memory_space<vmem>>)
        tpu.yield
      }) : () -> ()
      "tpu.region"() ({
        %run_scoped3A = tpu.sem_alloc : memref<!tpu.dma_semaphore, #tpu.memory_space<semaphore_mem>>
        %dma_start3A_205 = tpu.memref_slice %arg6[%add3A_98] : memref<6400000xi32, #tpu.memory_space<hbm>> -> memref<2000xi32, #tpu.memory_space<hbm>>
        %dma_start3A_206 = tpu.memref_slice %arg6[%add3A_98] : memref<6400000xi32, #tpu.memory_space<hbm>> -> memref<2000xi32, #tpu.memory_space<hbm>>
        tpu.enqueue_dma source(%dma_start3A_206 : memref<2000xi32, #tpu.memory_space<hbm>>) target(%arg63 : memref<2000xi32, #tpu.memory_space<vmem>>) target_semaphore(%run_scoped3A : memref<!tpu.dma_semaphore, #tpu.memory_space<semaphore_mem>>)
        %dma_wait3A_207 = tpu.memref_slice %arg6[%add3A_98] : memref<6400000xi32, #tpu.memory_space<hbm>> -> memref<2000xi32, #tpu.memory_space<hbm>>
        %dma_wait3A_208 = tpu.memref_slice %arg6[%add3A_98] : memref<6400000xi32, #tpu.memory_space<hbm>> -> memref<2000xi32, #tpu.memory_space<hbm>>
        tpu.wait_dma2 semaphore(%run_scoped3A : memref<!tpu.dma_semaphore, #tpu.memory_space<semaphore_mem>>) src(%dma_wait3A_208 : memref<2000xi32, #tpu.memory_space<hbm>>) dst(%arg63 : memref<2000xi32, #tpu.memory_space<vmem>>)
        tpu.yield
      }) : () -> ()
      "tpu.region"() ({
        %run_scoped3A = tpu.sem_alloc : memref<!tpu.dma_semaphore, #tpu.memory_space<semaphore_mem>>
        %dma_start3A_205 = tpu.memref_slice %arg8[%add3A_98] : memref<6400000xf32, #tpu.memory_space<hbm>> -> memref<2000xf32, #tpu.memory_space<hbm>>
        %dma_start3A_206 = tpu.memref_slice %arg8[%add3A_98] : memref<6400000xf32, #tpu.memory_space<hbm>> -> memref<2000xf32, #tpu.memory_space<hbm>>
        tpu.enqueue_dma source(%dma_start3A_206 : memref<2000xf32, #tpu.memory_space<hbm>>) target(%arg70 : memref<2000xf32, #tpu.memory_space<vmem>>) target_semaphore(%run_scoped3A : memref<!tpu.dma_semaphore, #tpu.memory_space<semaphore_mem>>)
        %dma_wait3A_207 = tpu.memref_slice %arg8[%add3A_98] : memref<6400000xf32, #tpu.memory_space<hbm>> -> memref<2000xf32, #tpu.memory_space<hbm>>
        %dma_wait3A_208 = tpu.memref_slice %arg8[%add3A_98] : memref<6400000xf32, #tpu.memory_space<hbm>> -> memref<2000xf32, #tpu.memory_space<hbm>>
        tpu.wait_dma2 semaphore(%run_scoped3A : memref<!tpu.dma_semaphore, #tpu.memory_space<semaphore_mem>>) src(%dma_wait3A_208 : memref<2000xf32, #tpu.memory_space<hbm>>) dst(%arg70 : memref<2000xf32, #tpu.memory_space<vmem>>)
        tpu.yield
      }) : () -> ()
      "tpu.region"() ({
        %run_scoped3A = tpu.sem_alloc : memref<!tpu.dma_semaphore, #tpu.memory_space<semaphore_mem>>
        %dma_start3A_205 = tpu.memref_slice %arg9[%add3A_98] : memref<6400000xf32, #tpu.memory_space<hbm>> -> memref<2000xf32, #tpu.memory_space<hbm>>
        %dma_start3A_206 = tpu.memref_slice %arg9[%add3A_98] : memref<6400000xf32, #tpu.memory_space<hbm>> -> memref<2000xf32, #tpu.memory_space<hbm>>
        tpu.enqueue_dma source(%dma_start3A_206 : memref<2000xf32, #tpu.memory_space<hbm>>) target(%arg71 : memref<2000xf32, #tpu.memory_space<vmem>>) target_semaphore(%run_scoped3A : memref<!tpu.dma_semaphore, #tpu.memory_space<semaphore_mem>>)
        %dma_wait3A_207 = tpu.memref_slice %arg9[%add3A_98] : memref<6400000xf32, #tpu.memory_space<hbm>> -> memref<2000xf32, #tpu.memory_space<hbm>>
        %dma_wait3A_208 = tpu.memref_slice %arg9[%add3A_98] : memref<6400000xf32, #tpu.memory_space<hbm>> -> memref<2000xf32, #tpu.memory_space<hbm>>
        tpu.wait_dma2 semaphore(%run_scoped3A : memref<!tpu.dma_semaphore, #tpu.memory_space<semaphore_mem>>) src(%dma_wait3A_208 : memref<2000xf32, #tpu.memory_space<hbm>>) dst(%arg71 : memref<2000xf32, #tpu.memory_space<vmem>>)
        tpu.yield
      }) : () -> ()
      %dma_start3A_99 = arith.constant 0 : i32
      %dma_start3A_100 = tpu.memref_slice %arg2[%dma_start3A_99] : memref<100000xf32, #tpu.memory_space<hbm>> -> memref<100000xf32, #tpu.memory_space<hbm>>
      tpu.enqueue_indirect_dma source(%dma_start3A_100 : memref<100000xf32, #tpu.memory_space<hbm>>) target(%arg64 : memref<2000xf32, #tpu.memory_space<vmem>>) offsets(%arg62 : memref<2000xi32, #tpu.memory_space<vmem>>) semaphore(%arg73 : memref<!tpu.dma_semaphore, #tpu.memory_space<semaphore_mem>>)
      %dma_start3A_101 = arith.constant 0 : i32
      %dma_start3A_102 = tpu.memref_slice %arg2[%dma_start3A_101] : memref<100000xf32, #tpu.memory_space<hbm>> -> memref<100000xf32, #tpu.memory_space<hbm>>
      tpu.enqueue_indirect_dma source(%dma_start3A_102 : memref<100000xf32, #tpu.memory_space<hbm>>) target(%arg65 : memref<2000xf32, #tpu.memory_space<vmem>>) offsets(%arg63 : memref<2000xi32, #tpu.memory_space<vmem>>) semaphore(%arg74 : memref<!tpu.dma_semaphore, #tpu.memory_space<semaphore_mem>>)
      %dma_start3A_103 = arith.constant 0 : i32
      %dma_start3A_104 = tpu.memref_slice %arg3[%dma_start3A_103] : memref<100000xf32, #tpu.memory_space<hbm>> -> memref<100000xf32, #tpu.memory_space<hbm>>
      tpu.enqueue_indirect_dma source(%dma_start3A_104 : memref<100000xf32, #tpu.memory_space<hbm>>) target(%arg66 : memref<2000xf32, #tpu.memory_space<vmem>>) offsets(%arg62 : memref<2000xi32, #tpu.memory_space<vmem>>) semaphore(%arg75 : memref<!tpu.dma_semaphore, #tpu.memory_space<semaphore_mem>>)
      %dma_start3A_105 = arith.constant 0 : i32
      %dma_start3A_106 = tpu.memref_slice %arg3[%dma_start3A_105] : memref<100000xf32, #tpu.memory_space<hbm>> -> memref<100000xf32, #tpu.memory_space<hbm>>
      tpu.enqueue_indirect_dma source(%dma_start3A_106 : memref<100000xf32, #tpu.memory_space<hbm>>) target(%arg67 : memref<2000xf32, #tpu.memory_space<vmem>>) offsets(%arg63 : memref<2000xi32, #tpu.memory_space<vmem>>) semaphore(%arg76 : memref<!tpu.dma_semaphore, #tpu.memory_space<semaphore_mem>>)
      %dma_start3A_107 = arith.constant 0 : i32
      %dma_start3A_108 = tpu.memref_slice %arg4[%dma_start3A_107] : memref<100000xf32, #tpu.memory_space<hbm>> -> memref<100000xf32, #tpu.memory_space<hbm>>
      tpu.enqueue_indirect_dma source(%dma_start3A_108 : memref<100000xf32, #tpu.memory_space<hbm>>) target(%arg68 : memref<2000xf32, #tpu.memory_space<vmem>>) offsets(%arg62 : memref<2000xi32, #tpu.memory_space<vmem>>) semaphore(%arg77 : memref<!tpu.dma_semaphore, #tpu.memory_space<semaphore_mem>>)
      %dma_start3A_109 = arith.constant 0 : i32
      %dma_start3A_110 = tpu.memref_slice %arg4[%dma_start3A_109] : memref<100000xf32, #tpu.memory_space<hbm>> -> memref<100000xf32, #tpu.memory_space<hbm>>
      tpu.enqueue_indirect_dma source(%dma_start3A_110 : memref<100000xf32, #tpu.memory_space<hbm>>) target(%arg69 : memref<2000xf32, #tpu.memory_space<vmem>>) offsets(%arg63 : memref<2000xi32, #tpu.memory_space<vmem>>) semaphore(%arg78 : memref<!tpu.dma_semaphore, #tpu.memory_space<semaphore_mem>>)
      %dma_wait3A_111 = arith.constant 0 : i32
      %dma_wait3A_112 = tpu.memref_slice %arg2[%dma_wait3A_111] : memref<100000xf32, #tpu.memory_space<hbm>> -> memref<100000xf32, #tpu.memory_space<hbm>>
      tpu.wait_indirect_dma semaphore(%arg39 : memref<!tpu.dma_semaphore, #tpu.memory_space<semaphore_mem>>) src(%dma_wait3A_112 : memref<100000xf32, #tpu.memory_space<hbm>>) dst(%arg30 : memref<2000xf32, #tpu.memory_space<vmem>>)
      %dma_wait3A_113 = arith.constant 0 : i32
      %dma_wait3A_114 = tpu.memref_slice %arg2[%dma_wait3A_113] : memref<100000xf32, #tpu.memory_space<hbm>> -> memref<100000xf32, #tpu.memory_space<hbm>>
      tpu.wait_indirect_dma semaphore(%arg40 : memref<!tpu.dma_semaphore, #tpu.memory_space<semaphore_mem>>) src(%dma_wait3A_114 : memref<100000xf32, #tpu.memory_space<hbm>>) dst(%arg31 : memref<2000xf32, #tpu.memory_space<vmem>>)
      %dma_wait3A_115 = arith.constant 0 : i32
      %dma_wait3A_116 = tpu.memref_slice %arg3[%dma_wait3A_115] : memref<100000xf32, #tpu.memory_space<hbm>> -> memref<100000xf32, #tpu.memory_space<hbm>>
      tpu.wait_indirect_dma semaphore(%arg41 : memref<!tpu.dma_semaphore, #tpu.memory_space<semaphore_mem>>) src(%dma_wait3A_116 : memref<100000xf32, #tpu.memory_space<hbm>>) dst(%arg32 : memref<2000xf32, #tpu.memory_space<vmem>>)
      %dma_wait3A_117 = arith.constant 0 : i32
      %dma_wait3A_118 = tpu.memref_slice %arg3[%dma_wait3A_117] : memref<100000xf32, #tpu.memory_space<hbm>> -> memref<100000xf32, #tpu.memory_space<hbm>>
      tpu.wait_indirect_dma semaphore(%arg42 : memref<!tpu.dma_semaphore, #tpu.memory_space<semaphore_mem>>) src(%dma_wait3A_118 : memref<100000xf32, #tpu.memory_space<hbm>>) dst(%arg33 : memref<2000xf32, #tpu.memory_space<vmem>>)
      %dma_wait3A_119 = arith.constant 0 : i32
      %dma_wait3A_120 = tpu.memref_slice %arg4[%dma_wait3A_119] : memref<100000xf32, #tpu.memory_space<hbm>> -> memref<100000xf32, #tpu.memory_space<hbm>>
      tpu.wait_indirect_dma semaphore(%arg43 : memref<!tpu.dma_semaphore, #tpu.memory_space<semaphore_mem>>) src(%dma_wait3A_120 : memref<100000xf32, #tpu.memory_space<hbm>>) dst(%arg34 : memref<2000xf32, #tpu.memory_space<vmem>>)
      %dma_wait3A_121 = arith.constant 0 : i32
      %dma_wait3A_122 = tpu.memref_slice %arg4[%dma_wait3A_121] : memref<100000xf32, #tpu.memory_space<hbm>> -> memref<100000xf32, #tpu.memory_space<hbm>>
      tpu.wait_indirect_dma semaphore(%arg44 : memref<!tpu.dma_semaphore, #tpu.memory_space<semaphore_mem>>) src(%dma_wait3A_122 : memref<100000xf32, #tpu.memory_space<hbm>>) dst(%arg35 : memref<2000xf32, #tpu.memory_space<vmem>>)
      %add3A_123 = arith.constant 2000 : i32
      %add3A_124 = arith.addi %add3A_38, %add3A_123 : i32
      %scan3A_125 = arith.constant 0 : i32
      %scan3A_126 = arith.constant 0 : i32
      %scan3A_127 = arith.constant 125 : i32
      %scan3A_128 = arith.addi %scan3A_126, %scan3A_127 : i32
      %scan3A_129 = arith.constant 1 : i32
      scf.for %scan3A_205 = %scan3A_126 to %scan3A_128 step %scan3A_129  : i32 {
        %mul3A_206 = arith.constant 16 : i32
        %mul3A_207 = arith.muli %scan3A_205, %mul3A_206 : i32
        %get3A_208 = arith.index_cast %mul3A_207 : i32 to index
        %get3A_209 = tpu.vector_load %arg31[%get3A_208] {strides = array<i32>} : memref<2000xf32, #tpu.memory_space<vmem>>, vector<16xf32>,
        %get3A_210 = arith.index_cast %mul3A_207 : i32 to index
        %get3A_211 = tpu.vector_load %arg30[%get3A_210] {strides = array<i32>} : memref<2000xf32, #tpu.memory_space<vmem>>, vector<16xf32>,
        %sub3A = arith.subf %get3A_209, %get3A_211 : vector<16xf32>
        %get3A_212 = arith.index_cast %mul3A_207 : i32 to index
        %get3A_213 = tpu.vector_load %arg33[%get3A_212] {strides = array<i32>} : memref<2000xf32, #tpu.memory_space<vmem>>, vector<16xf32>,
        %get3A_214 = arith.index_cast %mul3A_207 : i32 to index
        %get3A_215 = tpu.vector_load %arg32[%get3A_214] {strides = array<i32>} : memref<2000xf32, #tpu.memory_space<vmem>>, vector<16xf32>,
        %sub3A_216 = arith.subf %get3A_213, %get3A_215 : vector<16xf32>
        %get3A_217 = arith.index_cast %mul3A_207 : i32 to index
        %get3A_218 = tpu.vector_load %arg35[%get3A_217] {strides = array<i32>} : memref<2000xf32, #tpu.memory_space<vmem>>, vector<16xf32>,
        %get3A_219 = arith.index_cast %mul3A_207 : i32 to index
        %get3A_220 = tpu.vector_load %arg34[%get3A_219] {strides = array<i32>} : memref<2000xf32, #tpu.memory_space<vmem>>, vector<16xf32>,
        %sub3A_221 = arith.subf %get3A_218, %get3A_220 : vector<16xf32>
        %mul3A_222 = arith.mulf %sub3A, %get3A_15 : vector<16xf32>
        %add3A_223 = arith.constant 0x4B400000 : f32
        %add3A_224 = vector.broadcast %add3A_223 : f32 to vector<16xf32>
        %add3A_225 = arith.addf %mul3A_222, %add3A_224 : vector<16xf32>
        %sub3A_226 = arith.constant 0x4B400000 : f32
        %sub3A_227 = vector.broadcast %sub3A_226 : f32 to vector<16xf32>
        %sub3A_228 = arith.subf %add3A_225, %sub3A_227 : vector<16xf32>
        %mul3A_229 = arith.mulf %sub3A_216, %get3A_19 : vector<16xf32>
        %add3A_230 = arith.constant 0x4B400000 : f32
        %add3A_231 = vector.broadcast %add3A_230 : f32 to vector<16xf32>
        %add3A_232 = arith.addf %mul3A_229, %add3A_231 : vector<16xf32>
        %sub3A_233 = arith.constant 0x4B400000 : f32
        %sub3A_234 = vector.broadcast %sub3A_233 : f32 to vector<16xf32>
        %sub3A_235 = arith.subf %add3A_232, %sub3A_234 : vector<16xf32>
        %mul3A_236 = arith.mulf %sub3A_221, %get3A_23 : vector<16xf32>
        %add3A_237 = arith.constant 0x4B400000 : f32
        %add3A_238 = vector.broadcast %add3A_237 : f32 to vector<16xf32>
        %add3A_239 = arith.addf %mul3A_236, %add3A_238 : vector<16xf32>
        %sub3A_240 = arith.constant 0x4B400000 : f32
        %sub3A_241 = vector.broadcast %sub3A_240 : f32 to vector<16xf32>
        %sub3A_242 = arith.subf %add3A_239, %sub3A_241 : vector<16xf32>
        %mul3A_243 = arith.mulf %get3A_3, %sub3A_228 : vector<16xf32>
        %sub3A_244 = arith.subf %sub3A, %mul3A_243 : vector<16xf32>
        %mul3A_245 = arith.mulf %get3A_7, %sub3A_235 : vector<16xf32>
        %sub3A_246 = arith.subf %sub3A_216, %mul3A_245 : vector<16xf32>
        %mul3A_247 = arith.mulf %get3A_11, %sub3A_242 : vector<16xf32>
        %sub3A_248 = arith.subf %sub3A_221, %mul3A_247 : vector<16xf32>
        %mul3A_249 = arith.mulf %sub3A_244, %sub3A_244 : vector<16xf32>
        %mul3A_250 = arith.mulf %sub3A_246, %sub3A_246 : vector<16xf32>
        %add3A_251 = arith.addf %mul3A_249, %mul3A_250 : vector<16xf32>
        %mul3A_252 = arith.mulf %sub3A_248, %sub3A_248 : vector<16xf32>
        %add3A_253 = arith.addf %add3A_251, %mul3A_252 : vector<16xf32>
        %bitcast3A = vector.bitcast %add3A_253 : vector<16xf32> to vector<16xi32>
        %shift_right_arithmetic3A = arith.constant 1 : i32
        %shift_right_arithmetic3A_254 = vector.broadcast %shift_right_arithmetic3A : i32 to vector<16xi32>
        %shift_right_arithmetic3A_255 = arith.shrsi %bitcast3A, %shift_right_arithmetic3A_254 : vector<16xi32>
        %sub3A_256 = arith.constant 1597463007 : i32
        %sub3A_257 = vector.broadcast %sub3A_256 : i32 to vector<16xi32>
        %sub3A_258 = arith.subi %sub3A_257, %shift_right_arithmetic3A_255 : vector<16xi32>
        %bitcast3A_259 = vector.bitcast %sub3A_258 : vector<16xi32> to vector<16xf32>
        %mul3A_260 = arith.constant 5.000000e-01 : f32
        %mul3A_261 = vector.broadcast %mul3A_260 : f32 to vector<16xf32>
        %mul3A_262 = arith.mulf %mul3A_261, %add3A_253 : vector<16xf32>
        %mul3A_263 = arith.mulf %mul3A_262, %bitcast3A_259 : vector<16xf32>
        %mul3A_264 = arith.mulf %mul3A_263, %bitcast3A_259 : vector<16xf32>
        %sub3A_265 = arith.constant 1.500000e+00 : f32
        %sub3A_266 = vector.broadcast %sub3A_265 : f32 to vector<16xf32>
        %sub3A_267 = arith.subf %sub3A_266, %mul3A_264 : vector<16xf32>
        %mul3A_268 = arith.mulf %bitcast3A_259, %sub3A_267 : vector<16xf32>
        %mul3A_269 = arith.mulf %mul3A_262, %mul3A_268 : vector<16xf32>
        %mul3A_270 = arith.mulf %mul3A_269, %mul3A_268 : vector<16xf32>
        %sub3A_271 = arith.constant 1.500000e+00 : f32
        %sub3A_272 = vector.broadcast %sub3A_271 : f32 to vector<16xf32>
        %sub3A_273 = arith.subf %sub3A_272, %mul3A_270 : vector<16xf32>
        %mul3A_274 = arith.mulf %mul3A_268, %sub3A_273 : vector<16xf32>
        %mul3A_275 = arith.mulf %mul3A_262, %mul3A_274 : vector<16xf32>
        %mul3A_276 = arith.mulf %mul3A_275, %mul3A_274 : vector<16xf32>
        %sub3A_277 = arith.constant 1.500000e+00 : f32
        %sub3A_278 = vector.broadcast %sub3A_277 : f32 to vector<16xf32>
        %sub3A_279 = arith.subf %sub3A_278, %mul3A_276 : vector<16xf32>
        %mul3A_280 = arith.mulf %mul3A_274, %sub3A_279 : vector<16xf32>
        %mul3A_281 = arith.mulf %add3A_253, %mul3A_280 : vector<16xf32>
        %get3A_282 = arith.index_cast %mul3A_207 : i32 to index
        %get3A_283 = tpu.vector_load %arg37[%get3A_282] {strides = array<i32>} : memref<2000xf32, #tpu.memory_space<vmem>>, vector<16xf32>,
        %get3A_284 = arith.index_cast %mul3A_207 : i32 to index
        %get3A_285 = tpu.vector_load %arg36[%get3A_284] {strides = array<i32>} : memref<2000xf32, #tpu.memory_space<vmem>>, vector<16xf32>,
        %mul3A_286 = arith.mulf %get3A_283, %mul3A_281 : vector<16xf32>
        %mul3A_287 = arith.constant 0.166666672 : f32
        %mul3A_288 = vector.broadcast %mul3A_287 : f32 to vector<16xf32>
        %mul3A_289 = arith.mulf %mul3A_286, %mul3A_288 : vector<16xf32>
        %add3A_290 = arith.constant 1.000000e+00 : f32
        %add3A_291 = vector.broadcast %add3A_290 : f32 to vector<16xf32>
        %add3A_292 = arith.addf %add3A_291, %mul3A_289 : vector<16xf32>
        %mul3A_293 = arith.constant 2.000000e-01 : f32
        %mul3A_294 = vector.broadcast %mul3A_293 : f32 to vector<16xf32>
        %mul3A_295 = arith.mulf %mul3A_286, %mul3A_294 : vector<16xf32>
        %mul3A_296 = arith.mulf %mul3A_295, %add3A_292 : vector<16xf32>
        %add3A_297 = arith.constant 1.000000e+00 : f32
        %add3A_298 = vector.broadcast %add3A_297 : f32 to vector<16xf32>
        %add3A_299 = arith.addf %add3A_298, %mul3A_296 : vector<16xf32>
        %mul3A_300 = arith.constant 2.500000e-01 : f32
        %mul3A_301 = vector.broadcast %mul3A_300 : f32 to vector<16xf32>
        %mul3A_302 = arith.mulf %mul3A_286, %mul3A_301 : vector<16xf32>
        %mul3A_303 = arith.mulf %mul3A_302, %add3A_299 : vector<16xf32>
        %add3A_304 = arith.constant 1.000000e+00 : f32
        %add3A_305 = vector.broadcast %add3A_304 : f32 to vector<16xf32>
        %add3A_306 = arith.addf %add3A_305, %mul3A_303 : vector<16xf32>
        %mul3A_307 = arith.constant 0.333333343 : f32
        %mul3A_308 = vector.broadcast %mul3A_307 : f32 to vector<16xf32>
        %mul3A_309 = arith.mulf %mul3A_286, %mul3A_308 : vector<16xf32>
        %mul3A_310 = arith.mulf %mul3A_309, %add3A_306 : vector<16xf32>
        %add3A_311 = arith.constant 1.000000e+00 : f32
        %add3A_312 = vector.broadcast %add3A_311 : f32 to vector<16xf32>
        %add3A_313 = arith.addf %add3A_312, %mul3A_310 : vector<16xf32>
        %mul3A_314 = arith.constant 5.000000e-01 : f32
        %mul3A_315 = vector.broadcast %mul3A_314 : f32 to vector<16xf32>
        %mul3A_316 = arith.mulf %mul3A_286, %mul3A_315 : vector<16xf32>
        %mul3A_317 = arith.mulf %mul3A_316, %add3A_313 : vector<16xf32>
        %add3A_318 = arith.constant 1.000000e+00 : f32
        %add3A_319 = vector.broadcast %add3A_318 : f32 to vector<16xf32>
        %add3A_320 = arith.addf %add3A_319, %mul3A_317 : vector<16xf32>
        %mul3A_321 = arith.mulf %mul3A_286, %add3A_320 : vector<16xf32>
        %add3A_322 = arith.constant 1.000000e+00 : f32
        %add3A_323 = vector.broadcast %add3A_322 : f32 to vector<16xf32>
        %add3A_324 = arith.addf %add3A_323, %mul3A_321 : vector<16xf32>
        %neg3A = arith.constant 0.000000e+00 : f32
        %neg3A_325 = vector.broadcast %neg3A : f32 to vector<16xf32>
        %neg3A_326 = arith.subf %neg3A_325, %mul3A_286 : vector<16xf32>
        %exp3A = math.exp %neg3A_326 : vector<16xf32>
        %mul3A_327 = arith.mulf %exp3A, %add3A_324 : vector<16xf32>
        %sub3A_328 = arith.constant 1.000000e+00 : f32
        %sub3A_329 = vector.broadcast %sub3A_328 : f32 to vector<16xf32>
        %sub3A_330 = arith.subf %sub3A_329, %mul3A_327 : vector<16xf32>
        %mul3A_331 = arith.mulf %get3A_285, %sub3A_330 : vector<16xf32>
        %neg3A_332 = arith.constant 0.000000e+00 : f32
        %neg3A_333 = vector.broadcast %neg3A_332 : f32 to vector<16xf32>
        %neg3A_334 = arith.subf %neg3A_333, %mul3A_331 : vector<16xf32>
        %mul3A_335 = arith.mulf %mul3A_281, %mul3A_281 : vector<16xf32>
        %mul3A_336 = arith.mulf %mul3A_335, %mul3A_335 : vector<16xf32>
        %mul3A_337 = arith.mulf %mul3A_335, %mul3A_336 : vector<16xf32>
        %div3A = arith.divf %neg3A_334, %mul3A_337 : vector<16xf32>
        %le3A = arith.cmpf ole, %mul3A_281, %get3A_27 : vector<16xf32>
        %jit3A = arith.constant 0.000000e+00 : f32
        %broadcast_in_dim3A = vector.broadcast %jit3A : f32 to vector<16xf32>
        %select_n3A = arith.select %le3A, %div3A, %broadcast_in_dim3A : vector<16xi1>, vector<16xf32>
        %swap3A = arith.index_cast %mul3A_207 : i32 to index
        %swap3A_338 = tpu.vector_load %arg38[%swap3A] {strides = array<i32>} : memref<2000xf32, #tpu.memory_space<vmem>>, vector<16xf32>,
        tpu.vector_store %arg38[%swap3A], %select_n3A {strides = array<i32>} : memref<2000xf32, #tpu.memory_space<vmem>>, vector<16xf32>,
      }
      %scan3A_130 = arith.constant 125 : i32
      "tpu.region"() ({
        %run_scoped3A = tpu.sem_alloc : memref<!tpu.dma_semaphore, #tpu.memory_space<semaphore_mem>>
        %dma_start3A_205 = tpu.memref_slice %arg10[%add3A_124] : memref<6400000xf32, #tpu.memory_space<hbm>> -> memref<2000xf32, #tpu.memory_space<hbm>>
        %dma_start3A_206 = tpu.memref_slice %arg10[%add3A_124] : memref<6400000xf32, #tpu.memory_space<hbm>> -> memref<2000xf32, #tpu.memory_space<hbm>>
        tpu.enqueue_dma source(%arg38 : memref<2000xf32, #tpu.memory_space<vmem>>) target(%dma_start3A_206 : memref<2000xf32, #tpu.memory_space<hbm>>) target_semaphore(%run_scoped3A : memref<!tpu.dma_semaphore, #tpu.memory_space<semaphore_mem>>)
        %dma_wait3A_207 = tpu.memref_slice %arg10[%add3A_124] : memref<6400000xf32, #tpu.memory_space<hbm>> -> memref<2000xf32, #tpu.memory_space<hbm>>
        %dma_wait3A_208 = tpu.memref_slice %arg10[%add3A_124] : memref<6400000xf32, #tpu.memory_space<hbm>> -> memref<2000xf32, #tpu.memory_space<hbm>>
        tpu.wait_dma2 semaphore(%run_scoped3A : memref<!tpu.dma_semaphore, #tpu.memory_space<semaphore_mem>>) src(%arg38 : memref<2000xf32, #tpu.memory_space<vmem>>) dst(%dma_wait3A_208 : memref<2000xf32, #tpu.memory_space<hbm>>)
        tpu.yield
      }) : () -> ()
      %add3A_131 = arith.constant 8000 : i32
      %add3A_132 = arith.addi %add3A_38, %add3A_131 : i32
      "tpu.region"() ({
        %run_scoped3A = tpu.sem_alloc : memref<!tpu.dma_semaphore, #tpu.memory_space<semaphore_mem>>
        %dma_start3A_205 = tpu.memref_slice %arg5[%add3A_132] : memref<6400000xi32, #tpu.memory_space<hbm>> -> memref<2000xi32, #tpu.memory_space<hbm>>
        %dma_start3A_206 = tpu.memref_slice %arg5[%add3A_132] : memref<6400000xi32, #tpu.memory_space<hbm>> -> memref<2000xi32, #tpu.memory_space<hbm>>
        tpu.enqueue_dma source(%dma_start3A_206 : memref<2000xi32, #tpu.memory_space<hbm>>) target(%arg79 : memref<2000xi32, #tpu.memory_space<vmem>>) target_semaphore(%run_scoped3A : memref<!tpu.dma_semaphore, #tpu.memory_space<semaphore_mem>>)
        %dma_wait3A_207 = tpu.memref_slice %arg5[%add3A_132] : memref<6400000xi32, #tpu.memory_space<hbm>> -> memref<2000xi32, #tpu.memory_space<hbm>>
        %dma_wait3A_208 = tpu.memref_slice %arg5[%add3A_132] : memref<6400000xi32, #tpu.memory_space<hbm>> -> memref<2000xi32, #tpu.memory_space<hbm>>
        tpu.wait_dma2 semaphore(%run_scoped3A : memref<!tpu.dma_semaphore, #tpu.memory_space<semaphore_mem>>) src(%dma_wait3A_208 : memref<2000xi32, #tpu.memory_space<hbm>>) dst(%arg79 : memref<2000xi32, #tpu.memory_space<vmem>>)
        tpu.yield
      }) : () -> ()
      "tpu.region"() ({
        %run_scoped3A = tpu.sem_alloc : memref<!tpu.dma_semaphore, #tpu.memory_space<semaphore_mem>>
        %dma_start3A_205 = tpu.memref_slice %arg6[%add3A_132] : memref<6400000xi32, #tpu.memory_space<hbm>> -> memref<2000xi32, #tpu.memory_space<hbm>>
        %dma_start3A_206 = tpu.memref_slice %arg6[%add3A_132] : memref<6400000xi32, #tpu.memory_space<hbm>> -> memref<2000xi32, #tpu.memory_space<hbm>>
        tpu.enqueue_dma source(%dma_start3A_206 : memref<2000xi32, #tpu.memory_space<hbm>>) target(%arg80 : memref<2000xi32, #tpu.memory_space<vmem>>) target_semaphore(%run_scoped3A : memref<!tpu.dma_semaphore, #tpu.memory_space<semaphore_mem>>)
        %dma_wait3A_207 = tpu.memref_slice %arg6[%add3A_132] : memref<6400000xi32, #tpu.memory_space<hbm>> -> memref<2000xi32, #tpu.memory_space<hbm>>
        %dma_wait3A_208 = tpu.memref_slice %arg6[%add3A_132] : memref<6400000xi32, #tpu.memory_space<hbm>> -> memref<2000xi32, #tpu.memory_space<hbm>>
        tpu.wait_dma2 semaphore(%run_scoped3A : memref<!tpu.dma_semaphore, #tpu.memory_space<semaphore_mem>>) src(%dma_wait3A_208 : memref<2000xi32, #tpu.memory_space<hbm>>) dst(%arg80 : memref<2000xi32, #tpu.memory_space<vmem>>)
        tpu.yield
      }) : () -> ()
      "tpu.region"() ({
        %run_scoped3A = tpu.sem_alloc : memref<!tpu.dma_semaphore, #tpu.memory_space<semaphore_mem>>
        %dma_start3A_205 = tpu.memref_slice %arg8[%add3A_132] : memref<6400000xf32, #tpu.memory_space<hbm>> -> memref<2000xf32, #tpu.memory_space<hbm>>
        %dma_start3A_206 = tpu.memref_slice %arg8[%add3A_132] : memref<6400000xf32, #tpu.memory_space<hbm>> -> memref<2000xf32, #tpu.memory_space<hbm>>
        tpu.enqueue_dma source(%dma_start3A_206 : memref<2000xf32, #tpu.memory_space<hbm>>) target(%arg87 : memref<2000xf32, #tpu.memory_space<vmem>>) target_semaphore(%run_scoped3A : memref<!tpu.dma_semaphore, #tpu.memory_space<semaphore_mem>>)
        %dma_wait3A_207 = tpu.memref_slice %arg8[%add3A_132] : memref<6400000xf32, #tpu.memory_space<hbm>> -> memref<2000xf32, #tpu.memory_space<hbm>>
        %dma_wait3A_208 = tpu.memref_slice %arg8[%add3A_132] : memref<6400000xf32, #tpu.memory_space<hbm>> -> memref<2000xf32, #tpu.memory_space<hbm>>
        tpu.wait_dma2 semaphore(%run_scoped3A : memref<!tpu.dma_semaphore, #tpu.memory_space<semaphore_mem>>) src(%dma_wait3A_208 : memref<2000xf32, #tpu.memory_space<hbm>>) dst(%arg87 : memref<2000xf32, #tpu.memory_space<vmem>>)
        tpu.yield
      }) : () -> ()
      "tpu.region"() ({
        %run_scoped3A = tpu.sem_alloc : memref<!tpu.dma_semaphore, #tpu.memory_space<semaphore_mem>>
        %dma_start3A_205 = tpu.memref_slice %arg9[%add3A_132] : memref<6400000xf32, #tpu.memory_space<hbm>> -> memref<2000xf32, #tpu.memory_space<hbm>>
        %dma_start3A_206 = tpu.memref_slice %arg9[%add3A_132] : memref<6400000xf32, #tpu.memory_space<hbm>> -> memref<2000xf32, #tpu.memory_space<hbm>>
        tpu.enqueue_dma source(%dma_start3A_206 : memref<2000xf32, #tpu.memory_space<hbm>>) target(%arg88 : memref<2000xf32, #tpu.memory_space<vmem>>) target_semaphore(%run_scoped3A : memref<!tpu.dma_semaphore, #tpu.memory_space<semaphore_mem>>)
        %dma_wait3A_207 = tpu.memref_slice %arg9[%add3A_132] : memref<6400000xf32, #tpu.memory_space<hbm>> -> memref<2000xf32, #tpu.memory_space<hbm>>
        %dma_wait3A_208 = tpu.memref_slice %arg9[%add3A_132] : memref<6400000xf32, #tpu.memory_space<hbm>> -> memref<2000xf32, #tpu.memory_space<hbm>>
        tpu.wait_dma2 semaphore(%run_scoped3A : memref<!tpu.dma_semaphore, #tpu.memory_space<semaphore_mem>>) src(%dma_wait3A_208 : memref<2000xf32, #tpu.memory_space<hbm>>) dst(%arg88 : memref<2000xf32, #tpu.memory_space<vmem>>)
        tpu.yield
      }) : () -> ()
      %dma_start3A_133 = arith.constant 0 : i32
      %dma_start3A_134 = tpu.memref_slice %arg2[%dma_start3A_133] : memref<100000xf32, #tpu.memory_space<hbm>> -> memref<100000xf32, #tpu.memory_space<hbm>>
      tpu.enqueue_indirect_dma source(%dma_start3A_134 : memref<100000xf32, #tpu.memory_space<hbm>>) target(%arg81 : memref<2000xf32, #tpu.memory_space<vmem>>) offsets(%arg79 : memref<2000xi32, #tpu.memory_space<vmem>>) semaphore(%arg90 : memref<!tpu.dma_semaphore, #tpu.memory_space<semaphore_mem>>)
      %dma_start3A_135 = arith.constant 0 : i32
      %dma_start3A_136 = tpu.memref_slice %arg2[%dma_start3A_135] : memref<100000xf32, #tpu.memory_space<hbm>> -> memref<100000xf32, #tpu.memory_space<hbm>>
      tpu.enqueue_indirect_dma source(%dma_start3A_136 : memref<100000xf32, #tpu.memory_space<hbm>>) target(%arg82 : memref<2000xf32, #tpu.memory_space<vmem>>) offsets(%arg80 : memref<2000xi32, #tpu.memory_space<vmem>>) semaphore(%arg91 : memref<!tpu.dma_semaphore, #tpu.memory_space<semaphore_mem>>)
      %dma_start3A_137 = arith.constant 0 : i32
      %dma_start3A_138 = tpu.memref_slice %arg3[%dma_start3A_137] : memref<100000xf32, #tpu.memory_space<hbm>> -> memref<100000xf32, #tpu.memory_space<hbm>>
      tpu.enqueue_indirect_dma source(%dma_start3A_138 : memref<100000xf32, #tpu.memory_space<hbm>>) target(%arg83 : memref<2000xf32, #tpu.memory_space<vmem>>) offsets(%arg79 : memref<2000xi32, #tpu.memory_space<vmem>>) semaphore(%arg92 : memref<!tpu.dma_semaphore, #tpu.memory_space<semaphore_mem>>)
      %dma_start3A_139 = arith.constant 0 : i32
      %dma_start3A_140 = tpu.memref_slice %arg3[%dma_start3A_139] : memref<100000xf32, #tpu.memory_space<hbm>> -> memref<100000xf32, #tpu.memory_space<hbm>>
      tpu.enqueue_indirect_dma source(%dma_start3A_140 : memref<100000xf32, #tpu.memory_space<hbm>>) target(%arg84 : memref<2000xf32, #tpu.memory_space<vmem>>) offsets(%arg80 : memref<2000xi32, #tpu.memory_space<vmem>>) semaphore(%arg93 : memref<!tpu.dma_semaphore, #tpu.memory_space<semaphore_mem>>)
      %dma_start3A_141 = arith.constant 0 : i32
      %dma_start3A_142 = tpu.memref_slice %arg4[%dma_start3A_141] : memref<100000xf32, #tpu.memory_space<hbm>> -> memref<100000xf32, #tpu.memory_space<hbm>>
      tpu.enqueue_indirect_dma source(%dma_start3A_142 : memref<100000xf32, #tpu.memory_space<hbm>>) target(%arg85 : memref<2000xf32, #tpu.memory_space<vmem>>) offsets(%arg79 : memref<2000xi32, #tpu.memory_space<vmem>>) semaphore(%arg94 : memref<!tpu.dma_semaphore, #tpu.memory_space<semaphore_mem>>)
      %dma_start3A_143 = arith.constant 0 : i32
      %dma_start3A_144 = tpu.memref_slice %arg4[%dma_start3A_143] : memref<100000xf32, #tpu.memory_space<hbm>> -> memref<100000xf32, #tpu.memory_space<hbm>>
      tpu.enqueue_indirect_dma source(%dma_start3A_144 : memref<100000xf32, #tpu.memory_space<hbm>>) target(%arg86 : memref<2000xf32, #tpu.memory_space<vmem>>) offsets(%arg80 : memref<2000xi32, #tpu.memory_space<vmem>>) semaphore(%arg95 : memref<!tpu.dma_semaphore, #tpu.memory_space<semaphore_mem>>)
      %dma_wait3A_145 = arith.constant 0 : i32
      %dma_wait3A_146 = tpu.memref_slice %arg2[%dma_wait3A_145] : memref<100000xf32, #tpu.memory_space<hbm>> -> memref<100000xf32, #tpu.memory_space<hbm>>
      tpu.wait_indirect_dma semaphore(%arg56 : memref<!tpu.dma_semaphore, #tpu.memory_space<semaphore_mem>>) src(%dma_wait3A_146 : memref<100000xf32, #tpu.memory_space<hbm>>) dst(%arg47 : memref<2000xf32, #tpu.memory_space<vmem>>)
      %dma_wait3A_147 = arith.constant 0 : i32
      %dma_wait3A_148 = tpu.memref_slice %arg2[%dma_wait3A_147] : memref<100000xf32, #tpu.memory_space<hbm>> -> memref<100000xf32, #tpu.memory_space<hbm>>
      tpu.wait_indirect_dma semaphore(%arg57 : memref<!tpu.dma_semaphore, #tpu.memory_space<semaphore_mem>>) src(%dma_wait3A_148 : memref<100000xf32, #tpu.memory_space<hbm>>) dst(%arg48 : memref<2000xf32, #tpu.memory_space<vmem>>)
      %dma_wait3A_149 = arith.constant 0 : i32
      %dma_wait3A_150 = tpu.memref_slice %arg3[%dma_wait3A_149] : memref<100000xf32, #tpu.memory_space<hbm>> -> memref<100000xf32, #tpu.memory_space<hbm>>
      tpu.wait_indirect_dma semaphore(%arg58 : memref<!tpu.dma_semaphore, #tpu.memory_space<semaphore_mem>>) src(%dma_wait3A_150 : memref<100000xf32, #tpu.memory_space<hbm>>) dst(%arg49 : memref<2000xf32, #tpu.memory_space<vmem>>)
      %dma_wait3A_151 = arith.constant 0 : i32
      %dma_wait3A_152 = tpu.memref_slice %arg3[%dma_wait3A_151] : memref<100000xf32, #tpu.memory_space<hbm>> -> memref<100000xf32, #tpu.memory_space<hbm>>
      tpu.wait_indirect_dma semaphore(%arg59 : memref<!tpu.dma_semaphore, #tpu.memory_space<semaphore_mem>>) src(%dma_wait3A_152 : memref<100000xf32, #tpu.memory_space<hbm>>) dst(%arg50 : memref<2000xf32, #tpu.memory_space<vmem>>)
      %dma_wait3A_153 = arith.constant 0 : i32
      %dma_wait3A_154 = tpu.memref_slice %arg4[%dma_wait3A_153] : memref<100000xf32, #tpu.memory_space<hbm>> -> memref<100000xf32, #tpu.memory_space<hbm>>
      tpu.wait_indirect_dma semaphore(%arg60 : memref<!tpu.dma_semaphore, #tpu.memory_space<semaphore_mem>>) src(%dma_wait3A_154 : memref<100000xf32, #tpu.memory_space<hbm>>) dst(%arg51 : memref<2000xf32, #tpu.memory_space<vmem>>)
      %dma_wait3A_155 = arith.constant 0 : i32
      %dma_wait3A_156 = tpu.memref_slice %arg4[%dma_wait3A_155] : memref<100000xf32, #tpu.memory_space<hbm>> -> memref<100000xf32, #tpu.memory_space<hbm>>
      tpu.wait_indirect_dma semaphore(%arg61 : memref<!tpu.dma_semaphore, #tpu.memory_space<semaphore_mem>>) src(%dma_wait3A_156 : memref<100000xf32, #tpu.memory_space<hbm>>) dst(%arg52 : memref<2000xf32, #tpu.memory_space<vmem>>)
      %add3A_157 = arith.constant 4000 : i32
      %add3A_158 = arith.addi %add3A_38, %add3A_157 : i32
      %scan3A_159 = arith.constant 0 : i32
      %scan3A_160 = arith.constant 0 : i32
      %scan3A_161 = arith.constant 125 : i32
      %scan3A_162 = arith.addi %scan3A_160, %scan3A_161 : i32
      %scan3A_163 = arith.constant 1 : i32
      scf.for %scan3A_205 = %scan3A_160 to %scan3A_162 step %scan3A_163  : i32 {
        %mul3A_206 = arith.constant 16 : i32
        %mul3A_207 = arith.muli %scan3A_205, %mul3A_206 : i32
        %get3A_208 = arith.index_cast %mul3A_207 : i32 to index
        %get3A_209 = tpu.vector_load %arg48[%get3A_208] {strides = array<i32>} : memref<2000xf32, #tpu.memory_space<vmem>>, vector<16xf32>,
        %get3A_210 = arith.index_cast %mul3A_207 : i32 to index
        %get3A_211 = tpu.vector_load %arg47[%get3A_210] {strides = array<i32>} : memref<2000xf32, #tpu.memory_space<vmem>>, vector<16xf32>,
        %sub3A = arith.subf %get3A_209, %get3A_211 : vector<16xf32>
        %get3A_212 = arith.index_cast %mul3A_207 : i32 to index
        %get3A_213 = tpu.vector_load %arg50[%get3A_212] {strides = array<i32>} : memref<2000xf32, #tpu.memory_space<vmem>>, vector<16xf32>,
        %get3A_214 = arith.index_cast %mul3A_207 : i32 to index
        %get3A_215 = tpu.vector_load %arg49[%get3A_214] {strides = array<i32>} : memref<2000xf32, #tpu.memory_space<vmem>>, vector<16xf32>,
        %sub3A_216 = arith.subf %get3A_213, %get3A_215 : vector<16xf32>
        %get3A_217 = arith.index_cast %mul3A_207 : i32 to index
        %get3A_218 = tpu.vector_load %arg52[%get3A_217] {strides = array<i32>} : memref<2000xf32, #tpu.memory_space<vmem>>, vector<16xf32>,
        %get3A_219 = arith.index_cast %mul3A_207 : i32 to index
        %get3A_220 = tpu.vector_load %arg51[%get3A_219] {strides = array<i32>} : memref<2000xf32, #tpu.memory_space<vmem>>, vector<16xf32>,
        %sub3A_221 = arith.subf %get3A_218, %get3A_220 : vector<16xf32>
        %mul3A_222 = arith.mulf %sub3A, %get3A_15 : vector<16xf32>
        %add3A_223 = arith.constant 0x4B400000 : f32
        %add3A_224 = vector.broadcast %add3A_223 : f32 to vector<16xf32>
        %add3A_225 = arith.addf %mul3A_222, %add3A_224 : vector<16xf32>
        %sub3A_226 = arith.constant 0x4B400000 : f32
        %sub3A_227 = vector.broadcast %sub3A_226 : f32 to vector<16xf32>
        %sub3A_228 = arith.subf %add3A_225, %sub3A_227 : vector<16xf32>
        %mul3A_229 = arith.mulf %sub3A_216, %get3A_19 : vector<16xf32>
        %add3A_230 = arith.constant 0x4B400000 : f32
        %add3A_231 = vector.broadcast %add3A_230 : f32 to vector<16xf32>
        %add3A_232 = arith.addf %mul3A_229, %add3A_231 : vector<16xf32>
        %sub3A_233 = arith.constant 0x4B400000 : f32
        %sub3A_234 = vector.broadcast %sub3A_233 : f32 to vector<16xf32>
        %sub3A_235 = arith.subf %add3A_232, %sub3A_234 : vector<16xf32>
        %mul3A_236 = arith.mulf %sub3A_221, %get3A_23 : vector<16xf32>
        %add3A_237 = arith.constant 0x4B400000 : f32
        %add3A_238 = vector.broadcast %add3A_237 : f32 to vector<16xf32>
        %add3A_239 = arith.addf %mul3A_236, %add3A_238 : vector<16xf32>
        %sub3A_240 = arith.constant 0x4B400000 : f32
        %sub3A_241 = vector.broadcast %sub3A_240 : f32 to vector<16xf32>
        %sub3A_242 = arith.subf %add3A_239, %sub3A_241 : vector<16xf32>
        %mul3A_243 = arith.mulf %get3A_3, %sub3A_228 : vector<16xf32>
        %sub3A_244 = arith.subf %sub3A, %mul3A_243 : vector<16xf32>
        %mul3A_245 = arith.mulf %get3A_7, %sub3A_235 : vector<16xf32>
        %sub3A_246 = arith.subf %sub3A_216, %mul3A_245 : vector<16xf32>
        %mul3A_247 = arith.mulf %get3A_11, %sub3A_242 : vector<16xf32>
        %sub3A_248 = arith.subf %sub3A_221, %mul3A_247 : vector<16xf32>
        %mul3A_249 = arith.mulf %sub3A_244, %sub3A_244 : vector<16xf32>
        %mul3A_250 = arith.mulf %sub3A_246, %sub3A_246 : vector<16xf32>
        %add3A_251 = arith.addf %mul3A_249, %mul3A_250 : vector<16xf32>
        %mul3A_252 = arith.mulf %sub3A_248, %sub3A_248 : vector<16xf32>
        %add3A_253 = arith.addf %add3A_251, %mul3A_252 : vector<16xf32>
        %bitcast3A = vector.bitcast %add3A_253 : vector<16xf32> to vector<16xi32>
        %shift_right_arithmetic3A = arith.constant 1 : i32
        %shift_right_arithmetic3A_254 = vector.broadcast %shift_right_arithmetic3A : i32 to vector<16xi32>
        %shift_right_arithmetic3A_255 = arith.shrsi %bitcast3A, %shift_right_arithmetic3A_254 : vector<16xi32>
        %sub3A_256 = arith.constant 1597463007 : i32
        %sub3A_257 = vector.broadcast %sub3A_256 : i32 to vector<16xi32>
        %sub3A_258 = arith.subi %sub3A_257, %shift_right_arithmetic3A_255 : vector<16xi32>
        %bitcast3A_259 = vector.bitcast %sub3A_258 : vector<16xi32> to vector<16xf32>
        %mul3A_260 = arith.constant 5.000000e-01 : f32
        %mul3A_261 = vector.broadcast %mul3A_260 : f32 to vector<16xf32>
        %mul3A_262 = arith.mulf %mul3A_261, %add3A_253 : vector<16xf32>
        %mul3A_263 = arith.mulf %mul3A_262, %bitcast3A_259 : vector<16xf32>
        %mul3A_264 = arith.mulf %mul3A_263, %bitcast3A_259 : vector<16xf32>
        %sub3A_265 = arith.constant 1.500000e+00 : f32
        %sub3A_266 = vector.broadcast %sub3A_265 : f32 to vector<16xf32>
        %sub3A_267 = arith.subf %sub3A_266, %mul3A_264 : vector<16xf32>
        %mul3A_268 = arith.mulf %bitcast3A_259, %sub3A_267 : vector<16xf32>
        %mul3A_269 = arith.mulf %mul3A_262, %mul3A_268 : vector<16xf32>
        %mul3A_270 = arith.mulf %mul3A_269, %mul3A_268 : vector<16xf32>
        %sub3A_271 = arith.constant 1.500000e+00 : f32
        %sub3A_272 = vector.broadcast %sub3A_271 : f32 to vector<16xf32>
        %sub3A_273 = arith.subf %sub3A_272, %mul3A_270 : vector<16xf32>
        %mul3A_274 = arith.mulf %mul3A_268, %sub3A_273 : vector<16xf32>
        %mul3A_275 = arith.mulf %mul3A_262, %mul3A_274 : vector<16xf32>
        %mul3A_276 = arith.mulf %mul3A_275, %mul3A_274 : vector<16xf32>
        %sub3A_277 = arith.constant 1.500000e+00 : f32
        %sub3A_278 = vector.broadcast %sub3A_277 : f32 to vector<16xf32>
        %sub3A_279 = arith.subf %sub3A_278, %mul3A_276 : vector<16xf32>
        %mul3A_280 = arith.mulf %mul3A_274, %sub3A_279 : vector<16xf32>
        %mul3A_281 = arith.mulf %add3A_253, %mul3A_280 : vector<16xf32>
        %get3A_282 = arith.index_cast %mul3A_207 : i32 to index
        %get3A_283 = tpu.vector_load %arg54[%get3A_282] {strides = array<i32>} : memref<2000xf32, #tpu.memory_space<vmem>>, vector<16xf32>,
        %get3A_284 = arith.index_cast %mul3A_207 : i32 to index
        %get3A_285 = tpu.vector_load %arg53[%get3A_284] {strides = array<i32>} : memref<2000xf32, #tpu.memory_space<vmem>>, vector<16xf32>,
        %mul3A_286 = arith.mulf %get3A_283, %mul3A_281 : vector<16xf32>
        %mul3A_287 = arith.constant 0.166666672 : f32
        %mul3A_288 = vector.broadcast %mul3A_287 : f32 to vector<16xf32>
        %mul3A_289 = arith.mulf %mul3A_286, %mul3A_288 : vector<16xf32>
        %add3A_290 = arith.constant 1.000000e+00 : f32
        %add3A_291 = vector.broadcast %add3A_290 : f32 to vector<16xf32>
        %add3A_292 = arith.addf %add3A_291, %mul3A_289 : vector<16xf32>
        %mul3A_293 = arith.constant 2.000000e-01 : f32
        %mul3A_294 = vector.broadcast %mul3A_293 : f32 to vector<16xf32>
        %mul3A_295 = arith.mulf %mul3A_286, %mul3A_294 : vector<16xf32>
        %mul3A_296 = arith.mulf %mul3A_295, %add3A_292 : vector<16xf32>
        %add3A_297 = arith.constant 1.000000e+00 : f32
        %add3A_298 = vector.broadcast %add3A_297 : f32 to vector<16xf32>
        %add3A_299 = arith.addf %add3A_298, %mul3A_296 : vector<16xf32>
        %mul3A_300 = arith.constant 2.500000e-01 : f32
        %mul3A_301 = vector.broadcast %mul3A_300 : f32 to vector<16xf32>
        %mul3A_302 = arith.mulf %mul3A_286, %mul3A_301 : vector<16xf32>
        %mul3A_303 = arith.mulf %mul3A_302, %add3A_299 : vector<16xf32>
        %add3A_304 = arith.constant 1.000000e+00 : f32
        %add3A_305 = vector.broadcast %add3A_304 : f32 to vector<16xf32>
        %add3A_306 = arith.addf %add3A_305, %mul3A_303 : vector<16xf32>
        %mul3A_307 = arith.constant 0.333333343 : f32
        %mul3A_308 = vector.broadcast %mul3A_307 : f32 to vector<16xf32>
        %mul3A_309 = arith.mulf %mul3A_286, %mul3A_308 : vector<16xf32>
        %mul3A_310 = arith.mulf %mul3A_309, %add3A_306 : vector<16xf32>
        %add3A_311 = arith.constant 1.000000e+00 : f32
        %add3A_312 = vector.broadcast %add3A_311 : f32 to vector<16xf32>
        %add3A_313 = arith.addf %add3A_312, %mul3A_310 : vector<16xf32>
        %mul3A_314 = arith.constant 5.000000e-01 : f32
        %mul3A_315 = vector.broadcast %mul3A_314 : f32 to vector<16xf32>
        %mul3A_316 = arith.mulf %mul3A_286, %mul3A_315 : vector<16xf32>
        %mul3A_317 = arith.mulf %mul3A_316, %add3A_313 : vector<16xf32>
        %add3A_318 = arith.constant 1.000000e+00 : f32
        %add3A_319 = vector.broadcast %add3A_318 : f32 to vector<16xf32>
        %add3A_320 = arith.addf %add3A_319, %mul3A_317 : vector<16xf32>
        %mul3A_321 = arith.mulf %mul3A_286, %add3A_320 : vector<16xf32>
        %add3A_322 = arith.constant 1.000000e+00 : f32
        %add3A_323 = vector.broadcast %add3A_322 : f32 to vector<16xf32>
        %add3A_324 = arith.addf %add3A_323, %mul3A_321 : vector<16xf32>
        %neg3A = arith.constant 0.000000e+00 : f32
        %neg3A_325 = vector.broadcast %neg3A : f32 to vector<16xf32>
        %neg3A_326 = arith.subf %neg3A_325, %mul3A_286 : vector<16xf32>
        %exp3A = math.exp %neg3A_326 : vector<16xf32>
        %mul3A_327 = arith.mulf %exp3A, %add3A_324 : vector<16xf32>
        %sub3A_328 = arith.constant 1.000000e+00 : f32
        %sub3A_329 = vector.broadcast %sub3A_328 : f32 to vector<16xf32>
        %sub3A_330 = arith.subf %sub3A_329, %mul3A_327 : vector<16xf32>
        %mul3A_331 = arith.mulf %get3A_285, %sub3A_330 : vector<16xf32>
        %neg3A_332 = arith.constant 0.000000e+00 : f32
        %neg3A_333 = vector.broadcast %neg3A_332 : f32 to vector<16xf32>
        %neg3A_334 = arith.subf %neg3A_333, %mul3A_331 : vector<16xf32>
        %mul3A_335 = arith.mulf %mul3A_281, %mul3A_281 : vector<16xf32>
        %mul3A_336 = arith.mulf %mul3A_335, %mul3A_335 : vector<16xf32>
        %mul3A_337 = arith.mulf %mul3A_335, %mul3A_336 : vector<16xf32>
        %div3A = arith.divf %neg3A_334, %mul3A_337 : vector<16xf32>
        %le3A = arith.cmpf ole, %mul3A_281, %get3A_27 : vector<16xf32>
        %jit3A = arith.constant 0.000000e+00 : f32
        %broadcast_in_dim3A = vector.broadcast %jit3A : f32 to vector<16xf32>
        %select_n3A = arith.select %le3A, %div3A, %broadcast_in_dim3A : vector<16xi1>, vector<16xf32>
        %swap3A = arith.index_cast %mul3A_207 : i32 to index
        %swap3A_338 = tpu.vector_load %arg55[%swap3A] {strides = array<i32>} : memref<2000xf32, #tpu.memory_space<vmem>>, vector<16xf32>,
        tpu.vector_store %arg55[%swap3A], %select_n3A {strides = array<i32>} : memref<2000xf32, #tpu.memory_space<vmem>>, vector<16xf32>,
      }
      %scan3A_164 = arith.constant 125 : i32
      "tpu.region"() ({
        %run_scoped3A = tpu.sem_alloc : memref<!tpu.dma_semaphore, #tpu.memory_space<semaphore_mem>>
        %dma_start3A_205 = tpu.memref_slice %arg10[%add3A_158] : memref<6400000xf32, #tpu.memory_space<hbm>> -> memref<2000xf32, #tpu.memory_space<hbm>>
        %dma_start3A_206 = tpu.memref_slice %arg10[%add3A_158] : memref<6400000xf32, #tpu.memory_space<hbm>> -> memref<2000xf32, #tpu.memory_space<hbm>>
        tpu.enqueue_dma source(%arg55 : memref<2000xf32, #tpu.memory_space<vmem>>) target(%dma_start3A_206 : memref<2000xf32, #tpu.memory_space<hbm>>) target_semaphore(%run_scoped3A : memref<!tpu.dma_semaphore, #tpu.memory_space<semaphore_mem>>)
        %dma_wait3A_207 = tpu.memref_slice %arg10[%add3A_158] : memref<6400000xf32, #tpu.memory_space<hbm>> -> memref<2000xf32, #tpu.memory_space<hbm>>
        %dma_wait3A_208 = tpu.memref_slice %arg10[%add3A_158] : memref<6400000xf32, #tpu.memory_space<hbm>> -> memref<2000xf32, #tpu.memory_space<hbm>>
        tpu.wait_dma2 semaphore(%run_scoped3A : memref<!tpu.dma_semaphore, #tpu.memory_space<semaphore_mem>>) src(%arg55 : memref<2000xf32, #tpu.memory_space<vmem>>) dst(%dma_wait3A_208 : memref<2000xf32, #tpu.memory_space<hbm>>)
        tpu.yield
      }) : () -> ()
      %dma_wait3A_165 = arith.constant 0 : i32
      %dma_wait3A_166 = tpu.memref_slice %arg2[%dma_wait3A_165] : memref<100000xf32, #tpu.memory_space<hbm>> -> memref<100000xf32, #tpu.memory_space<hbm>>
      tpu.wait_indirect_dma semaphore(%arg73 : memref<!tpu.dma_semaphore, #tpu.memory_space<semaphore_mem>>) src(%dma_wait3A_166 : memref<100000xf32, #tpu.memory_space<hbm>>) dst(%arg64 : memref<2000xf32, #tpu.memory_space<vmem>>)
      %dma_wait3A_167 = arith.constant 0 : i32
      %dma_wait3A_168 = tpu.memref_slice %arg2[%dma_wait3A_167] : memref<100000xf32, #tpu.memory_space<hbm>> -> memref<100000xf32, #tpu.memory_space<hbm>>
      tpu.wait_indirect_dma semaphore(%arg74 : memref<!tpu.dma_semaphore, #tpu.memory_space<semaphore_mem>>) src(%dma_wait3A_168 : memref<100000xf32, #tpu.memory_space<hbm>>) dst(%arg65 : memref<2000xf32, #tpu.memory_space<vmem>>)
      %dma_wait3A_169 = arith.constant 0 : i32
      %dma_wait3A_170 = tpu.memref_slice %arg3[%dma_wait3A_169] : memref<100000xf32, #tpu.memory_space<hbm>> -> memref<100000xf32, #tpu.memory_space<hbm>>
      tpu.wait_indirect_dma semaphore(%arg75 : memref<!tpu.dma_semaphore, #tpu.memory_space<semaphore_mem>>) src(%dma_wait3A_170 : memref<100000xf32, #tpu.memory_space<hbm>>) dst(%arg66 : memref<2000xf32, #tpu.memory_space<vmem>>)
      %dma_wait3A_171 = arith.constant 0 : i32
      %dma_wait3A_172 = tpu.memref_slice %arg3[%dma_wait3A_171] : memref<100000xf32, #tpu.memory_space<hbm>> -> memref<100000xf32, #tpu.memory_space<hbm>>
      tpu.wait_indirect_dma semaphore(%arg76 : memref<!tpu.dma_semaphore, #tpu.memory_space<semaphore_mem>>) src(%dma_wait3A_172 : memref<100000xf32, #tpu.memory_space<hbm>>) dst(%arg67 : memref<2000xf32, #tpu.memory_space<vmem>>)
      %dma_wait3A_173 = arith.constant 0 : i32
      %dma_wait3A_174 = tpu.memref_slice %arg4[%dma_wait3A_173] : memref<100000xf32, #tpu.memory_space<hbm>> -> memref<100000xf32, #tpu.memory_space<hbm>>
      tpu.wait_indirect_dma semaphore(%arg77 : memref<!tpu.dma_semaphore, #tpu.memory_space<semaphore_mem>>) src(%dma_wait3A_174 : memref<100000xf32, #tpu.memory_space<hbm>>) dst(%arg68 : memref<2000xf32, #tpu.memory_space<vmem>>)
      %dma_wait3A_175 = arith.constant 0 : i32
      %dma_wait3A_176 = tpu.memref_slice %arg4[%dma_wait3A_175] : memref<100000xf32, #tpu.memory_space<hbm>> -> memref<100000xf32, #tpu.memory_space<hbm>>
      tpu.wait_indirect_dma semaphore(%arg78 : memref<!tpu.dma_semaphore, #tpu.memory_space<semaphore_mem>>) src(%dma_wait3A_176 : memref<100000xf32, #tpu.memory_space<hbm>>) dst(%arg69 : memref<2000xf32, #tpu.memory_space<vmem>>)
      %add3A_177 = arith.constant 6000 : i32
      %add3A_178 = arith.addi %add3A_38, %add3A_177 : i32
      %scan3A_179 = arith.constant 0 : i32
      %scan3A_180 = arith.constant 0 : i32
      %scan3A_181 = arith.constant 125 : i32
      %scan3A_182 = arith.addi %scan3A_180, %scan3A_181 : i32
      %scan3A_183 = arith.constant 1 : i32
      scf.for %scan3A_205 = %scan3A_180 to %scan3A_182 step %scan3A_183  : i32 {
        %mul3A_206 = arith.constant 16 : i32
        %mul3A_207 = arith.muli %scan3A_205, %mul3A_206 : i32
        %get3A_208 = arith.index_cast %mul3A_207 : i32 to index
        %get3A_209 = tpu.vector_load %arg65[%get3A_208] {strides = array<i32>} : memref<2000xf32, #tpu.memory_space<vmem>>, vector<16xf32>,
        %get3A_210 = arith.index_cast %mul3A_207 : i32 to index
        %get3A_211 = tpu.vector_load %arg64[%get3A_210] {strides = array<i32>} : memref<2000xf32, #tpu.memory_space<vmem>>, vector<16xf32>,
        %sub3A = arith.subf %get3A_209, %get3A_211 : vector<16xf32>
        %get3A_212 = arith.index_cast %mul3A_207 : i32 to index
        %get3A_213 = tpu.vector_load %arg67[%get3A_212] {strides = array<i32>} : memref<2000xf32, #tpu.memory_space<vmem>>, vector<16xf32>,
        %get3A_214 = arith.index_cast %mul3A_207 : i32 to index
        %get3A_215 = tpu.vector_load %arg66[%get3A_214] {strides = array<i32>} : memref<2000xf32, #tpu.memory_space<vmem>>, vector<16xf32>,
        %sub3A_216 = arith.subf %get3A_213, %get3A_215 : vector<16xf32>
        %get3A_217 = arith.index_cast %mul3A_207 : i32 to index
        %get3A_218 = tpu.vector_load %arg69[%get3A_217] {strides = array<i32>} : memref<2000xf32, #tpu.memory_space<vmem>>, vector<16xf32>,
        %get3A_219 = arith.index_cast %mul3A_207 : i32 to index
        %get3A_220 = tpu.vector_load %arg68[%get3A_219] {strides = array<i32>} : memref<2000xf32, #tpu.memory_space<vmem>>, vector<16xf32>,
        %sub3A_221 = arith.subf %get3A_218, %get3A_220 : vector<16xf32>
        %mul3A_222 = arith.mulf %sub3A, %get3A_15 : vector<16xf32>
        %add3A_223 = arith.constant 0x4B400000 : f32
        %add3A_224 = vector.broadcast %add3A_223 : f32 to vector<16xf32>
        %add3A_225 = arith.addf %mul3A_222, %add3A_224 : vector<16xf32>
        %sub3A_226 = arith.constant 0x4B400000 : f32
        %sub3A_227 = vector.broadcast %sub3A_226 : f32 to vector<16xf32>
        %sub3A_228 = arith.subf %add3A_225, %sub3A_227 : vector<16xf32>
        %mul3A_229 = arith.mulf %sub3A_216, %get3A_19 : vector<16xf32>
        %add3A_230 = arith.constant 0x4B400000 : f32
        %add3A_231 = vector.broadcast %add3A_230 : f32 to vector<16xf32>
        %add3A_232 = arith.addf %mul3A_229, %add3A_231 : vector<16xf32>
        %sub3A_233 = arith.constant 0x4B400000 : f32
        %sub3A_234 = vector.broadcast %sub3A_233 : f32 to vector<16xf32>
        %sub3A_235 = arith.subf %add3A_232, %sub3A_234 : vector<16xf32>
        %mul3A_236 = arith.mulf %sub3A_221, %get3A_23 : vector<16xf32>
        %add3A_237 = arith.constant 0x4B400000 : f32
        %add3A_238 = vector.broadcast %add3A_237 : f32 to vector<16xf32>
        %add3A_239 = arith.addf %mul3A_236, %add3A_238 : vector<16xf32>
        %sub3A_240 = arith.constant 0x4B400000 : f32
        %sub3A_241 = vector.broadcast %sub3A_240 : f32 to vector<16xf32>
        %sub3A_242 = arith.subf %add3A_239, %sub3A_241 : vector<16xf32>
        %mul3A_243 = arith.mulf %get3A_3, %sub3A_228 : vector<16xf32>
        %sub3A_244 = arith.subf %sub3A, %mul3A_243 : vector<16xf32>
        %mul3A_245 = arith.mulf %get3A_7, %sub3A_235 : vector<16xf32>
        %sub3A_246 = arith.subf %sub3A_216, %mul3A_245 : vector<16xf32>
        %mul3A_247 = arith.mulf %get3A_11, %sub3A_242 : vector<16xf32>
        %sub3A_248 = arith.subf %sub3A_221, %mul3A_247 : vector<16xf32>
        %mul3A_249 = arith.mulf %sub3A_244, %sub3A_244 : vector<16xf32>
        %mul3A_250 = arith.mulf %sub3A_246, %sub3A_246 : vector<16xf32>
        %add3A_251 = arith.addf %mul3A_249, %mul3A_250 : vector<16xf32>
        %mul3A_252 = arith.mulf %sub3A_248, %sub3A_248 : vector<16xf32>
        %add3A_253 = arith.addf %add3A_251, %mul3A_252 : vector<16xf32>
        %bitcast3A = vector.bitcast %add3A_253 : vector<16xf32> to vector<16xi32>
        %shift_right_arithmetic3A = arith.constant 1 : i32
        %shift_right_arithmetic3A_254 = vector.broadcast %shift_right_arithmetic3A : i32 to vector<16xi32>
        %shift_right_arithmetic3A_255 = arith.shrsi %bitcast3A, %shift_right_arithmetic3A_254 : vector<16xi32>
        %sub3A_256 = arith.constant 1597463007 : i32
        %sub3A_257 = vector.broadcast %sub3A_256 : i32 to vector<16xi32>
        %sub3A_258 = arith.subi %sub3A_257, %shift_right_arithmetic3A_255 : vector<16xi32>
        %bitcast3A_259 = vector.bitcast %sub3A_258 : vector<16xi32> to vector<16xf32>
        %mul3A_260 = arith.constant 5.000000e-01 : f32
        %mul3A_261 = vector.broadcast %mul3A_260 : f32 to vector<16xf32>
        %mul3A_262 = arith.mulf %mul3A_261, %add3A_253 : vector<16xf32>
        %mul3A_263 = arith.mulf %mul3A_262, %bitcast3A_259 : vector<16xf32>
        %mul3A_264 = arith.mulf %mul3A_263, %bitcast3A_259 : vector<16xf32>
        %sub3A_265 = arith.constant 1.500000e+00 : f32
        %sub3A_266 = vector.broadcast %sub3A_265 : f32 to vector<16xf32>
        %sub3A_267 = arith.subf %sub3A_266, %mul3A_264 : vector<16xf32>
        %mul3A_268 = arith.mulf %bitcast3A_259, %sub3A_267 : vector<16xf32>
        %mul3A_269 = arith.mulf %mul3A_262, %mul3A_268 : vector<16xf32>
        %mul3A_270 = arith.mulf %mul3A_269, %mul3A_268 : vector<16xf32>
        %sub3A_271 = arith.constant 1.500000e+00 : f32
        %sub3A_272 = vector.broadcast %sub3A_271 : f32 to vector<16xf32>
        %sub3A_273 = arith.subf %sub3A_272, %mul3A_270 : vector<16xf32>
        %mul3A_274 = arith.mulf %mul3A_268, %sub3A_273 : vector<16xf32>
        %mul3A_275 = arith.mulf %mul3A_262, %mul3A_274 : vector<16xf32>
        %mul3A_276 = arith.mulf %mul3A_275, %mul3A_274 : vector<16xf32>
        %sub3A_277 = arith.constant 1.500000e+00 : f32
        %sub3A_278 = vector.broadcast %sub3A_277 : f32 to vector<16xf32>
        %sub3A_279 = arith.subf %sub3A_278, %mul3A_276 : vector<16xf32>
        %mul3A_280 = arith.mulf %mul3A_274, %sub3A_279 : vector<16xf32>
        %mul3A_281 = arith.mulf %add3A_253, %mul3A_280 : vector<16xf32>
        %get3A_282 = arith.index_cast %mul3A_207 : i32 to index
        %get3A_283 = tpu.vector_load %arg71[%get3A_282] {strides = array<i32>} : memref<2000xf32, #tpu.memory_space<vmem>>, vector<16xf32>,
        %get3A_284 = arith.index_cast %mul3A_207 : i32 to index
        %get3A_285 = tpu.vector_load %arg70[%get3A_284] {strides = array<i32>} : memref<2000xf32, #tpu.memory_space<vmem>>, vector<16xf32>,
        %mul3A_286 = arith.mulf %get3A_283, %mul3A_281 : vector<16xf32>
        %mul3A_287 = arith.constant 0.166666672 : f32
        %mul3A_288 = vector.broadcast %mul3A_287 : f32 to vector<16xf32>
        %mul3A_289 = arith.mulf %mul3A_286, %mul3A_288 : vector<16xf32>
        %add3A_290 = arith.constant 1.000000e+00 : f32
        %add3A_291 = vector.broadcast %add3A_290 : f32 to vector<16xf32>
        %add3A_292 = arith.addf %add3A_291, %mul3A_289 : vector<16xf32>
        %mul3A_293 = arith.constant 2.000000e-01 : f32
        %mul3A_294 = vector.broadcast %mul3A_293 : f32 to vector<16xf32>
        %mul3A_295 = arith.mulf %mul3A_286, %mul3A_294 : vector<16xf32>
        %mul3A_296 = arith.mulf %mul3A_295, %add3A_292 : vector<16xf32>
        %add3A_297 = arith.constant 1.000000e+00 : f32
        %add3A_298 = vector.broadcast %add3A_297 : f32 to vector<16xf32>
        %add3A_299 = arith.addf %add3A_298, %mul3A_296 : vector<16xf32>
        %mul3A_300 = arith.constant 2.500000e-01 : f32
        %mul3A_301 = vector.broadcast %mul3A_300 : f32 to vector<16xf32>
        %mul3A_302 = arith.mulf %mul3A_286, %mul3A_301 : vector<16xf32>
        %mul3A_303 = arith.mulf %mul3A_302, %add3A_299 : vector<16xf32>
        %add3A_304 = arith.constant 1.000000e+00 : f32
        %add3A_305 = vector.broadcast %add3A_304 : f32 to vector<16xf32>
        %add3A_306 = arith.addf %add3A_305, %mul3A_303 : vector<16xf32>
        %mul3A_307 = arith.constant 0.333333343 : f32
        %mul3A_308 = vector.broadcast %mul3A_307 : f32 to vector<16xf32>
        %mul3A_309 = arith.mulf %mul3A_286, %mul3A_308 : vector<16xf32>
        %mul3A_310 = arith.mulf %mul3A_309, %add3A_306 : vector<16xf32>
        %add3A_311 = arith.constant 1.000000e+00 : f32
        %add3A_312 = vector.broadcast %add3A_311 : f32 to vector<16xf32>
        %add3A_313 = arith.addf %add3A_312, %mul3A_310 : vector<16xf32>
        %mul3A_314 = arith.constant 5.000000e-01 : f32
        %mul3A_315 = vector.broadcast %mul3A_314 : f32 to vector<16xf32>
        %mul3A_316 = arith.mulf %mul3A_286, %mul3A_315 : vector<16xf32>
        %mul3A_317 = arith.mulf %mul3A_316, %add3A_313 : vector<16xf32>
        %add3A_318 = arith.constant 1.000000e+00 : f32
        %add3A_319 = vector.broadcast %add3A_318 : f32 to vector<16xf32>
        %add3A_320 = arith.addf %add3A_319, %mul3A_317 : vector<16xf32>
        %mul3A_321 = arith.mulf %mul3A_286, %add3A_320 : vector<16xf32>
        %add3A_322 = arith.constant 1.000000e+00 : f32
        %add3A_323 = vector.broadcast %add3A_322 : f32 to vector<16xf32>
        %add3A_324 = arith.addf %add3A_323, %mul3A_321 : vector<16xf32>
        %neg3A = arith.constant 0.000000e+00 : f32
        %neg3A_325 = vector.broadcast %neg3A : f32 to vector<16xf32>
        %neg3A_326 = arith.subf %neg3A_325, %mul3A_286 : vector<16xf32>
        %exp3A = math.exp %neg3A_326 : vector<16xf32>
        %mul3A_327 = arith.mulf %exp3A, %add3A_324 : vector<16xf32>
        %sub3A_328 = arith.constant 1.000000e+00 : f32
        %sub3A_329 = vector.broadcast %sub3A_328 : f32 to vector<16xf32>
        %sub3A_330 = arith.subf %sub3A_329, %mul3A_327 : vector<16xf32>
        %mul3A_331 = arith.mulf %get3A_285, %sub3A_330 : vector<16xf32>
        %neg3A_332 = arith.constant 0.000000e+00 : f32
        %neg3A_333 = vector.broadcast %neg3A_332 : f32 to vector<16xf32>
        %neg3A_334 = arith.subf %neg3A_333, %mul3A_331 : vector<16xf32>
        %mul3A_335 = arith.mulf %mul3A_281, %mul3A_281 : vector<16xf32>
        %mul3A_336 = arith.mulf %mul3A_335, %mul3A_335 : vector<16xf32>
        %mul3A_337 = arith.mulf %mul3A_335, %mul3A_336 : vector<16xf32>
        %div3A = arith.divf %neg3A_334, %mul3A_337 : vector<16xf32>
        %le3A = arith.cmpf ole, %mul3A_281, %get3A_27 : vector<16xf32>
        %jit3A = arith.constant 0.000000e+00 : f32
        %broadcast_in_dim3A = vector.broadcast %jit3A : f32 to vector<16xf32>
        %select_n3A = arith.select %le3A, %div3A, %broadcast_in_dim3A : vector<16xi1>, vector<16xf32>
        %swap3A = arith.index_cast %mul3A_207 : i32 to index
        %swap3A_338 = tpu.vector_load %arg72[%swap3A] {strides = array<i32>} : memref<2000xf32, #tpu.memory_space<vmem>>, vector<16xf32>,
        tpu.vector_store %arg72[%swap3A], %select_n3A {strides = array<i32>} : memref<2000xf32, #tpu.memory_space<vmem>>, vector<16xf32>,
      }
      %scan3A_184 = arith.constant 125 : i32
      "tpu.region"() ({
        %run_scoped3A = tpu.sem_alloc : memref<!tpu.dma_semaphore, #tpu.memory_space<semaphore_mem>>
        %dma_start3A_205 = tpu.memref_slice %arg10[%add3A_178] : memref<6400000xf32, #tpu.memory_space<hbm>> -> memref<2000xf32, #tpu.memory_space<hbm>>
        %dma_start3A_206 = tpu.memref_slice %arg10[%add3A_178] : memref<6400000xf32, #tpu.memory_space<hbm>> -> memref<2000xf32, #tpu.memory_space<hbm>>
        tpu.enqueue_dma source(%arg72 : memref<2000xf32, #tpu.memory_space<vmem>>) target(%dma_start3A_206 : memref<2000xf32, #tpu.memory_space<hbm>>) target_semaphore(%run_scoped3A : memref<!tpu.dma_semaphore, #tpu.memory_space<semaphore_mem>>)
        %dma_wait3A_207 = tpu.memref_slice %arg10[%add3A_178] : memref<6400000xf32, #tpu.memory_space<hbm>> -> memref<2000xf32, #tpu.memory_space<hbm>>
        %dma_wait3A_208 = tpu.memref_slice %arg10[%add3A_178] : memref<6400000xf32, #tpu.memory_space<hbm>> -> memref<2000xf32, #tpu.memory_space<hbm>>
        tpu.wait_dma2 semaphore(%run_scoped3A : memref<!tpu.dma_semaphore, #tpu.memory_space<semaphore_mem>>) src(%arg72 : memref<2000xf32, #tpu.memory_space<vmem>>) dst(%dma_wait3A_208 : memref<2000xf32, #tpu.memory_space<hbm>>)
        tpu.yield
      }) : () -> ()
      %dma_wait3A_185 = arith.constant 0 : i32
      %dma_wait3A_186 = tpu.memref_slice %arg2[%dma_wait3A_185] : memref<100000xf32, #tpu.memory_space<hbm>> -> memref<100000xf32, #tpu.memory_space<hbm>>
      tpu.wait_indirect_dma semaphore(%arg90 : memref<!tpu.dma_semaphore, #tpu.memory_space<semaphore_mem>>) src(%dma_wait3A_186 : memref<100000xf32, #tpu.memory_space<hbm>>) dst(%arg81 : memref<2000xf32, #tpu.memory_space<vmem>>)
      %dma_wait3A_187 = arith.constant 0 : i32
      %dma_wait3A_188 = tpu.memref_slice %arg2[%dma_wait3A_187] : memref<100000xf32, #tpu.memory_space<hbm>> -> memref<100000xf32, #tpu.memory_space<hbm>>
      tpu.wait_indirect_dma semaphore(%arg91 : memref<!tpu.dma_semaphore, #tpu.memory_space<semaphore_mem>>) src(%dma_wait3A_188 : memref<100000xf32, #tpu.memory_space<hbm>>) dst(%arg82 : memref<2000xf32, #tpu.memory_space<vmem>>)
      %dma_wait3A_189 = arith.constant 0 : i32
      %dma_wait3A_190 = tpu.memref_slice %arg3[%dma_wait3A_189] : memref<100000xf32, #tpu.memory_space<hbm>> -> memref<100000xf32, #tpu.memory_space<hbm>>
      tpu.wait_indirect_dma semaphore(%arg92 : memref<!tpu.dma_semaphore, #tpu.memory_space<semaphore_mem>>) src(%dma_wait3A_190 : memref<100000xf32, #tpu.memory_space<hbm>>) dst(%arg83 : memref<2000xf32, #tpu.memory_space<vmem>>)
      %dma_wait3A_191 = arith.constant 0 : i32
      %dma_wait3A_192 = tpu.memref_slice %arg3[%dma_wait3A_191] : memref<100000xf32, #tpu.memory_space<hbm>> -> memref<100000xf32, #tpu.memory_space<hbm>>
      tpu.wait_indirect_dma semaphore(%arg93 : memref<!tpu.dma_semaphore, #tpu.memory_space<semaphore_mem>>) src(%dma_wait3A_192 : memref<100000xf32, #tpu.memory_space<hbm>>) dst(%arg84 : memref<2000xf32, #tpu.memory_space<vmem>>)
      %dma_wait3A_193 = arith.constant 0 : i32
      %dma_wait3A_194 = tpu.memref_slice %arg4[%dma_wait3A_193] : memref<100000xf32, #tpu.memory_space<hbm>> -> memref<100000xf32, #tpu.memory_space<hbm>>
      tpu.wait_indirect_dma semaphore(%arg94 : memref<!tpu.dma_semaphore, #tpu.memory_space<semaphore_mem>>) src(%dma_wait3A_194 : memref<100000xf32, #tpu.memory_space<hbm>>) dst(%arg85 : memref<2000xf32, #tpu.memory_space<vmem>>)
      %dma_wait3A_195 = arith.constant 0 : i32
      %dma_wait3A_196 = tpu.memref_slice %arg4[%dma_wait3A_195] : memref<100000xf32, #tpu.memory_space<hbm>> -> memref<100000xf32, #tpu.memory_space<hbm>>
      tpu.wait_indirect_dma semaphore(%arg95 : memref<!tpu.dma_semaphore, #tpu.memory_space<semaphore_mem>>) src(%dma_wait3A_196 : memref<100000xf32, #tpu.memory_space<hbm>>) dst(%arg86 : memref<2000xf32, #tpu.memory_space<vmem>>)
      %add3A_197 = arith.constant 8000 : i32
      %add3A_198 = arith.addi %add3A_38, %add3A_197 : i32
      %scan3A_199 = arith.constant 0 : i32
      %scan3A_200 = arith.constant 0 : i32
      %scan3A_201 = arith.constant 125 : i32
      %scan3A_202 = arith.addi %scan3A_200, %scan3A_201 : i32
      %scan3A_203 = arith.constant 1 : i32
      scf.for %scan3A_205 = %scan3A_200 to %scan3A_202 step %scan3A_203  : i32 {
        %mul3A_206 = arith.constant 16 : i32
        %mul3A_207 = arith.muli %scan3A_205, %mul3A_206 : i32
        %get3A_208 = arith.index_cast %mul3A_207 : i32 to index
        %get3A_209 = tpu.vector_load %arg82[%get3A_208] {strides = array<i32>} : memref<2000xf32, #tpu.memory_space<vmem>>, vector<16xf32>,
        %get3A_210 = arith.index_cast %mul3A_207 : i32 to index
        %get3A_211 = tpu.vector_load %arg81[%get3A_210] {strides = array<i32>} : memref<2000xf32, #tpu.memory_space<vmem>>, vector<16xf32>,
        %sub3A = arith.subf %get3A_209, %get3A_211 : vector<16xf32>
        %get3A_212 = arith.index_cast %mul3A_207 : i32 to index
        %get3A_213 = tpu.vector_load %arg84[%get3A_212] {strides = array<i32>} : memref<2000xf32, #tpu.memory_space<vmem>>, vector<16xf32>,
        %get3A_214 = arith.index_cast %mul3A_207 : i32 to index
        %get3A_215 = tpu.vector_load %arg83[%get3A_214] {strides = array<i32>} : memref<2000xf32, #tpu.memory_space<vmem>>, vector<16xf32>,
        %sub3A_216 = arith.subf %get3A_213, %get3A_215 : vector<16xf32>
        %get3A_217 = arith.index_cast %mul3A_207 : i32 to index
        %get3A_218 = tpu.vector_load %arg86[%get3A_217] {strides = array<i32>} : memref<2000xf32, #tpu.memory_space<vmem>>, vector<16xf32>,
        %get3A_219 = arith.index_cast %mul3A_207 : i32 to index
        %get3A_220 = tpu.vector_load %arg85[%get3A_219] {strides = array<i32>} : memref<2000xf32, #tpu.memory_space<vmem>>, vector<16xf32>,
        %sub3A_221 = arith.subf %get3A_218, %get3A_220 : vector<16xf32>
        %mul3A_222 = arith.mulf %sub3A, %get3A_15 : vector<16xf32>
        %add3A_223 = arith.constant 0x4B400000 : f32
        %add3A_224 = vector.broadcast %add3A_223 : f32 to vector<16xf32>
        %add3A_225 = arith.addf %mul3A_222, %add3A_224 : vector<16xf32>
        %sub3A_226 = arith.constant 0x4B400000 : f32
        %sub3A_227 = vector.broadcast %sub3A_226 : f32 to vector<16xf32>
        %sub3A_228 = arith.subf %add3A_225, %sub3A_227 : vector<16xf32>
        %mul3A_229 = arith.mulf %sub3A_216, %get3A_19 : vector<16xf32>
        %add3A_230 = arith.constant 0x4B400000 : f32
        %add3A_231 = vector.broadcast %add3A_230 : f32 to vector<16xf32>
        %add3A_232 = arith.addf %mul3A_229, %add3A_231 : vector<16xf32>
        %sub3A_233 = arith.constant 0x4B400000 : f32
        %sub3A_234 = vector.broadcast %sub3A_233 : f32 to vector<16xf32>
        %sub3A_235 = arith.subf %add3A_232, %sub3A_234 : vector<16xf32>
        %mul3A_236 = arith.mulf %sub3A_221, %get3A_23 : vector<16xf32>
        %add3A_237 = arith.constant 0x4B400000 : f32
        %add3A_238 = vector.broadcast %add3A_237 : f32 to vector<16xf32>
        %add3A_239 = arith.addf %mul3A_236, %add3A_238 : vector<16xf32>
        %sub3A_240 = arith.constant 0x4B400000 : f32
        %sub3A_241 = vector.broadcast %sub3A_240 : f32 to vector<16xf32>
        %sub3A_242 = arith.subf %add3A_239, %sub3A_241 : vector<16xf32>
        %mul3A_243 = arith.mulf %get3A_3, %sub3A_228 : vector<16xf32>
        %sub3A_244 = arith.subf %sub3A, %mul3A_243 : vector<16xf32>
        %mul3A_245 = arith.mulf %get3A_7, %sub3A_235 : vector<16xf32>
        %sub3A_246 = arith.subf %sub3A_216, %mul3A_245 : vector<16xf32>
        %mul3A_247 = arith.mulf %get3A_11, %sub3A_242 : vector<16xf32>
        %sub3A_248 = arith.subf %sub3A_221, %mul3A_247 : vector<16xf32>
        %mul3A_249 = arith.mulf %sub3A_244, %sub3A_244 : vector<16xf32>
        %mul3A_250 = arith.mulf %sub3A_246, %sub3A_246 : vector<16xf32>
        %add3A_251 = arith.addf %mul3A_249, %mul3A_250 : vector<16xf32>
        %mul3A_252 = arith.mulf %sub3A_248, %sub3A_248 : vector<16xf32>
        %add3A_253 = arith.addf %add3A_251, %mul3A_252 : vector<16xf32>
        %bitcast3A = vector.bitcast %add3A_253 : vector<16xf32> to vector<16xi32>
        %shift_right_arithmetic3A = arith.constant 1 : i32
        %shift_right_arithmetic3A_254 = vector.broadcast %shift_right_arithmetic3A : i32 to vector<16xi32>
        %shift_right_arithmetic3A_255 = arith.shrsi %bitcast3A, %shift_right_arithmetic3A_254 : vector<16xi32>
        %sub3A_256 = arith.constant 1597463007 : i32
        %sub3A_257 = vector.broadcast %sub3A_256 : i32 to vector<16xi32>
        %sub3A_258 = arith.subi %sub3A_257, %shift_right_arithmetic3A_255 : vector<16xi32>
        %bitcast3A_259 = vector.bitcast %sub3A_258 : vector<16xi32> to vector<16xf32>
        %mul3A_260 = arith.constant 5.000000e-01 : f32
        %mul3A_261 = vector.broadcast %mul3A_260 : f32 to vector<16xf32>
        %mul3A_262 = arith.mulf %mul3A_261, %add3A_253 : vector<16xf32>
        %mul3A_263 = arith.mulf %mul3A_262, %bitcast3A_259 : vector<16xf32>
        %mul3A_264 = arith.mulf %mul3A_263, %bitcast3A_259 : vector<16xf32>
        %sub3A_265 = arith.constant 1.500000e+00 : f32
        %sub3A_266 = vector.broadcast %sub3A_265 : f32 to vector<16xf32>
        %sub3A_267 = arith.subf %sub3A_266, %mul3A_264 : vector<16xf32>
        %mul3A_268 = arith.mulf %bitcast3A_259, %sub3A_267 : vector<16xf32>
        %mul3A_269 = arith.mulf %mul3A_262, %mul3A_268 : vector<16xf32>
        %mul3A_270 = arith.mulf %mul3A_269, %mul3A_268 : vector<16xf32>
        %sub3A_271 = arith.constant 1.500000e+00 : f32
        %sub3A_272 = vector.broadcast %sub3A_271 : f32 to vector<16xf32>
        %sub3A_273 = arith.subf %sub3A_272, %mul3A_270 : vector<16xf32>
        %mul3A_274 = arith.mulf %mul3A_268, %sub3A_273 : vector<16xf32>
        %mul3A_275 = arith.mulf %mul3A_262, %mul3A_274 : vector<16xf32>
        %mul3A_276 = arith.mulf %mul3A_275, %mul3A_274 : vector<16xf32>
        %sub3A_277 = arith.constant 1.500000e+00 : f32
        %sub3A_278 = vector.broadcast %sub3A_277 : f32 to vector<16xf32>
        %sub3A_279 = arith.subf %sub3A_278, %mul3A_276 : vector<16xf32>
        %mul3A_280 = arith.mulf %mul3A_274, %sub3A_279 : vector<16xf32>
        %mul3A_281 = arith.mulf %add3A_253, %mul3A_280 : vector<16xf32>
        %get3A_282 = arith.index_cast %mul3A_207 : i32 to index
        %get3A_283 = tpu.vector_load %arg88[%get3A_282] {strides = array<i32>} : memref<2000xf32, #tpu.memory_space<vmem>>, vector<16xf32>,
        %get3A_284 = arith.index_cast %mul3A_207 : i32 to index
        %get3A_285 = tpu.vector_load %arg87[%get3A_284] {strides = array<i32>} : memref<2000xf32, #tpu.memory_space<vmem>>, vector<16xf32>,
        %mul3A_286 = arith.mulf %get3A_283, %mul3A_281 : vector<16xf32>
        %mul3A_287 = arith.constant 0.166666672 : f32
        %mul3A_288 = vector.broadcast %mul3A_287 : f32 to vector<16xf32>
        %mul3A_289 = arith.mulf %mul3A_286, %mul3A_288 : vector<16xf32>
        %add3A_290 = arith.constant 1.000000e+00 : f32
        %add3A_291 = vector.broadcast %add3A_290 : f32 to vector<16xf32>
        %add3A_292 = arith.addf %add3A_291, %mul3A_289 : vector<16xf32>
        %mul3A_293 = arith.constant 2.000000e-01 : f32
        %mul3A_294 = vector.broadcast %mul3A_293 : f32 to vector<16xf32>
        %mul3A_295 = arith.mulf %mul3A_286, %mul3A_294 : vector<16xf32>
        %mul3A_296 = arith.mulf %mul3A_295, %add3A_292 : vector<16xf32>
        %add3A_297 = arith.constant 1.000000e+00 : f32
        %add3A_298 = vector.broadcast %add3A_297 : f32 to vector<16xf32>
        %add3A_299 = arith.addf %add3A_298, %mul3A_296 : vector<16xf32>
        %mul3A_300 = arith.constant 2.500000e-01 : f32
        %mul3A_301 = vector.broadcast %mul3A_300 : f32 to vector<16xf32>
        %mul3A_302 = arith.mulf %mul3A_286, %mul3A_301 : vector<16xf32>
        %mul3A_303 = arith.mulf %mul3A_302, %add3A_299 : vector<16xf32>
        %add3A_304 = arith.constant 1.000000e+00 : f32
        %add3A_305 = vector.broadcast %add3A_304 : f32 to vector<16xf32>
        %add3A_306 = arith.addf %add3A_305, %mul3A_303 : vector<16xf32>
        %mul3A_307 = arith.constant 0.333333343 : f32
        %mul3A_308 = vector.broadcast %mul3A_307 : f32 to vector<16xf32>
        %mul3A_309 = arith.mulf %mul3A_286, %mul3A_308 : vector<16xf32>
        %mul3A_310 = arith.mulf %mul3A_309, %add3A_306 : vector<16xf32>
        %add3A_311 = arith.constant 1.000000e+00 : f32
        %add3A_312 = vector.broadcast %add3A_311 : f32 to vector<16xf32>
        %add3A_313 = arith.addf %add3A_312, %mul3A_310 : vector<16xf32>
        %mul3A_314 = arith.constant 5.000000e-01 : f32
        %mul3A_315 = vector.broadcast %mul3A_314 : f32 to vector<16xf32>
        %mul3A_316 = arith.mulf %mul3A_286, %mul3A_315 : vector<16xf32>
        %mul3A_317 = arith.mulf %mul3A_316, %add3A_313 : vector<16xf32>
        %add3A_318 = arith.constant 1.000000e+00 : f32
        %add3A_319 = vector.broadcast %add3A_318 : f32 to vector<16xf32>
        %add3A_320 = arith.addf %add3A_319, %mul3A_317 : vector<16xf32>
        %mul3A_321 = arith.mulf %mul3A_286, %add3A_320 : vector<16xf32>
        %add3A_322 = arith.constant 1.000000e+00 : f32
        %add3A_323 = vector.broadcast %add3A_322 : f32 to vector<16xf32>
        %add3A_324 = arith.addf %add3A_323, %mul3A_321 : vector<16xf32>
        %neg3A = arith.constant 0.000000e+00 : f32
        %neg3A_325 = vector.broadcast %neg3A : f32 to vector<16xf32>
        %neg3A_326 = arith.subf %neg3A_325, %mul3A_286 : vector<16xf32>
        %exp3A = math.exp %neg3A_326 : vector<16xf32>
        %mul3A_327 = arith.mulf %exp3A, %add3A_324 : vector<16xf32>
        %sub3A_328 = arith.constant 1.000000e+00 : f32
        %sub3A_329 = vector.broadcast %sub3A_328 : f32 to vector<16xf32>
        %sub3A_330 = arith.subf %sub3A_329, %mul3A_327 : vector<16xf32>
        %mul3A_331 = arith.mulf %get3A_285, %sub3A_330 : vector<16xf32>
        %neg3A_332 = arith.constant 0.000000e+00 : f32
        %neg3A_333 = vector.broadcast %neg3A_332 : f32 to vector<16xf32>
        %neg3A_334 = arith.subf %neg3A_333, %mul3A_331 : vector<16xf32>
        %mul3A_335 = arith.mulf %mul3A_281, %mul3A_281 : vector<16xf32>
        %mul3A_336 = arith.mulf %mul3A_335, %mul3A_335 : vector<16xf32>
        %mul3A_337 = arith.mulf %mul3A_335, %mul3A_336 : vector<16xf32>
        %div3A = arith.divf %neg3A_334, %mul3A_337 : vector<16xf32>
        %le3A = arith.cmpf ole, %mul3A_281, %get3A_27 : vector<16xf32>
        %jit3A = arith.constant 0.000000e+00 : f32
        %broadcast_in_dim3A = vector.broadcast %jit3A : f32 to vector<16xf32>
        %select_n3A = arith.select %le3A, %div3A, %broadcast_in_dim3A : vector<16xi1>, vector<16xf32>
        %swap3A = arith.index_cast %mul3A_207 : i32 to index
        %swap3A_338 = tpu.vector_load %arg89[%swap3A] {strides = array<i32>} : memref<2000xf32, #tpu.memory_space<vmem>>, vector<16xf32>,
        tpu.vector_store %arg89[%swap3A], %select_n3A {strides = array<i32>} : memref<2000xf32, #tpu.memory_space<vmem>>, vector<16xf32>,
      }
      %scan3A_204 = arith.constant 125 : i32
      "tpu.region"() ({
        %run_scoped3A = tpu.sem_alloc : memref<!tpu.dma_semaphore, #tpu.memory_space<semaphore_mem>>
        %dma_start3A_205 = tpu.memref_slice %arg10[%add3A_198] : memref<6400000xf32, #tpu.memory_space<hbm>> -> memref<2000xf32, #tpu.memory_space<hbm>>
        %dma_start3A_206 = tpu.memref_slice %arg10[%add3A_198] : memref<6400000xf32, #tpu.memory_space<hbm>> -> memref<2000xf32, #tpu.memory_space<hbm>>
        tpu.enqueue_dma source(%arg89 : memref<2000xf32, #tpu.memory_space<vmem>>) target(%dma_start3A_206 : memref<2000xf32, #tpu.memory_space<hbm>>) target_semaphore(%run_scoped3A : memref<!tpu.dma_semaphore, #tpu.memory_space<semaphore_mem>>)
        %dma_wait3A_207 = tpu.memref_slice %arg10[%add3A_198] : memref<6400000xf32, #tpu.memory_space<hbm>> -> memref<2000xf32, #tpu.memory_space<hbm>>
        %dma_wait3A_208 = tpu.memref_slice %arg10[%add3A_198] : memref<6400000xf32, #tpu.memory_space<hbm>> -> memref<2000xf32, #tpu.memory_space<hbm>>
        tpu.wait_dma2 semaphore(%run_scoped3A : memref<!tpu.dma_semaphore, #tpu.memory_space<semaphore_mem>>) src(%arg89 : memref<2000xf32, #tpu.memory_space<vmem>>) dst(%dma_wait3A_208 : memref<2000xf32, #tpu.memory_space<hbm>>)
        tpu.yield
      }) : () -> ()
    }
    %scan3A_34 = arith.constant 20 : i32
    return
  }
}

</mosaic_0001>

<sc_bundles>
// kernel: kernel.3.cloned.1.call-start
scs
__scs_entry_jumppad:
0x0: {  	(pc) =	sbr.rel $0x88, $3  }
0x1: {  	(tag) =	ssettag $0x0;
	lr =	simm.s32 $0x1  }
0x2: {  	[smem:$0x3F9B] =	sst lr;
	_ =	strace $0xD0000000  }
0x3: {  	_ = 	snop  }
0x4: {  	_ = 	snop  }
0x5: {  	_ = 	snop  }
0x6: {  	_ = 	snop  }
0x7: {  	_ = 	snop  }
__scs_overlays_trampoline_lowered:
0x8: {  	[smem:$0x3FAA] =	sst s0  }
0x9: {  	[smem:$0x3FAB] =	sst s1  }
0xa: {  	[smem:$0x3FAC] =	sst s2  }
0xb: {  	[smem:$0x3FAD] =	sst s3  }
0xc: {  	[smem:$0x3FAE] =	sst s4  }
0xd: {  	[smem:$0x3FAF] =	sst s5  }
0xe: {  	[smem:$0x3FB0] =	sst s6  }
0xf: {  	[smem:$0x3FB1] =	sst s7  }
0x10: {  	[smem:$0x3FB2] =	sst s8  }
0x11: {  	[smem:$0x3FB3] =	sst s9;
	s0 =	simm.s32 @!p0 $0x0  }
0x12: {  	s1 =	sld [smem:$0x3F99];
	s0 =	simm.s32 @p0 $0x1  }
0x13: {  	[smem:$0x3FB4] =	sst s0;
	s0 =	simm.s32 @!p1 $0x0  }
0x14: {  	s2 =	sld [smem:$0x3F98];
	s0 =	simm.s32 @p1 $0x1  }
0x15: {  	[smem:$0x3FB5] =	sst s0;
	s0 =	simm.s32 @!p2 $0x0  }
0x16: {  	s3 =	sld [smem:$0x3FDB];
	s0 =	simm.s32 @p2 $0x1  }
0x17: {  	s4 =	simm.s32 $0x1BF5;
	[smem:$0x3FB7] =	sst s0  }
0x18: {  	s0 =	sld [smem:$0x3F9A];
	_ =	swait.ge [sflag:s4], $0x0  }
0x19: {  	s7 =	sld [smem:$0x3F9B]  }
0x1a: {  	s8 =	sadd.s32 $0xFFFFE003, lr  }
0x1b: {  	s9 =	sadd.s32 $0xFFFFFEF7, lr;
	s5 =	simm.s32 $0xFFFFFFFF;
	p2 =	slt.u32 s8, $0xFFFFF086  }
0x1c: {  	p1 =	slt.u32 s9, $0xF7A;
	s5 =	simm.s32 @!p2 $0x0  }
0x1d: {  	s5 =	simm.s32 @p1 $0x1;
	p0 =	seq.s32 s7, s2  }
0x1e: {  	s7 =	smul.u32 @!p0 $0xF7A, s2;
	p2 =	seq.s32 @!p0 s5, $0x0  }
0x1f: {  	s9 =	smul.u32 $0xF7A, s1;
	s8 =	simm.s32 @!p0 $0x1BF5;
	p2 =	por !p2, p0  }
0x20: {  	[sflag:s8] =	ssyncset.s32 @!p0 $0xFFFFF086;
	s6 =	sadd.s32 @!p0 s3, s7;
	s7 =	simm.s32 @!p0 $0x108  }
0x21: {  	s3 =	sadd.s32 s3, s9;
	s6 =	sadd.s32 @!p0 $0x88, s6;
	s7 =	simm.s32 @p2 $0x1082  }
0x22: {  	[simem:s7], [sflag:s8] =	dma.local @!p0 [hbm:s6], $0xF7A  }
0x23: {  	s9 =	sor.u32 $0xD0000000, s2;
	s6 =	simm.s32 $0x108;
	_ =	swait.ge @!p0 [sflag:s8], $0x0  }
0x24: {  	s3 =	sadd.s32 $0x88, s3;
	s6 =	simm.s32 @!p1 $0x1082;
	[sflag:s4] =	ssyncset.s32 $0xFFFFF086  }
0x25: {  	[simem:s6], [sflag:s4] =	dma.local [hbm:s3], $0xF7A  }
0x26: {  	[smem:$0x3F9B] =	sst s1;
	(tag) =	ssettag s2;
	_ =	strace s9  }
0x27: {  	s1 =	sld [smem:$0x3FAB]  }
0x28: {  	s2 =	sld [smem:$0x3FAC]  }
0x29: {  	s4 =	sld [smem:$0x3FAE]  }
0x2a: {  	p0 =	seq.s32 s5, $0x0;
	s5 =	sld [smem:$0x3FAF]  }
0x2b: {  	s6 =	sld [smem:$0x3FB0]  }
0x2c: {  	s7 =	sld [smem:$0x3FB1]  }
0x2d: {  	s3 =	simm.s32 $0x108;
	s8 =	sld [smem:$0x3FB2]  }
0x2e: {  	s3 =	simm.s32 @!p0 $0x1082;
	s9 =	sld [smem:$0x3FB3]  }
0x2f: {  	lr =	sadd.s32 s0, s3;
	s0 =	sld [smem:$0x3FAA]  }
0x30: {  	s3 =	sld [smem:$0x3FAD]  }
0x31: {  	[smem:$0x3FB6] =	sst s10  }
0x32: {  	s10 =	sld [smem:$0x3FB4];
	_ =	sdelay $0x3  }
0x33: {  	p0 =	seq.s32 s10, $0x1;
	s10 =	sld [smem:$0x3FB6];
	_ =	sdelay $0x3  }
0x34: {  	[smem:$0x3FB6] =	sst s10  }
0x35: {  	s10 =	sld [smem:$0x3FB5];
	_ =	sdelay $0x3  }
0x36: {  	p1 =	seq.s32 s10, $0x1;
	s10 =	sld [smem:$0x3FB6];
	_ =	sdelay $0x3  }
0x37: {  	[smem:$0x3FB6] =	sst s10  }
0x38: {  	s10 =	sld [smem:$0x3FB7]  }
0x39: {  	_ = 	snop;
	(pc) =	sbr.ind lr, $3  }
0x3a: {  	_ = 	snop  }
0x3b: {  	_ = 	snop  }
0x3c: {  	p2 =	seq.s32 s10, $0x1;
	s10 =	sld [smem:$0x3FB6]  }
0x3d: {  	_ =	shalt  }
0x3e: {  	_ =	shalt  }
0x3f: {  	_ =	shalt  }
0x40: {  	_ =	shalt  }
0x41: {  	_ =	shalt  }
0x42: {  	_ =	shalt  }
0x43: {  	_ =	shalt  }
0x44: {  	_ =	shalt  }
0x45: {  	_ =	shalt  }
0x46: {  	_ =	shalt  }
0x47: {  	_ =	shalt  }
0x48: {  	_ =	shalt  }
0x49: {  	_ =	shalt  }
0x4a: {  	_ =	shalt  }
0x4b: {  	_ =	shalt  }
0x4c: {  	_ =	shalt  }
0x4d: {  	_ =	shalt  }
0x4e: {  	_ =	shalt  }
0x4f: {  	_ =	shalt  }
0x50: {  	_ =	shalt  }
0x51: {  	_ =	shalt  }
0x52: {  	_ =	shalt  }
0x53: {  	_ =	shalt  }
0x54: {  	_ =	shalt  }
0x55: {  	_ =	shalt  }
0x56: {  	_ =	shalt  }
0x57: {  	_ =	shalt  }
0x58: {  	_ =	shalt  }
0x59: {  	_ =	shalt  }
0x5a: {  	_ =	shalt  }
0x5b: {  	_ =	shalt  }
0x5c: {  	_ =	shalt  }
0x5d: {  	_ =	shalt  }
0x5e: {  	_ =	shalt  }
0x5f: {  	_ =	shalt  }
0x60: {  	_ =	shalt  }
0x61: {  	_ =	shalt  }
0x62: {  	_ =	shalt  }
0x63: {  	_ =	shalt  }
0x64: {  	_ =	shalt  }
0x65: {  	_ =	shalt  }
0x66: {  	_ =	shalt  }
0x67: {  	_ =	shalt  }
0x68: {  	_ =	shalt  }
0x69: {  	_ =	shalt  }
0x6a: {  	_ =	shalt  }
0x6b: {  	_ =	shalt  }
0x6c: {  	_ =	shalt  }
0x6d: {  	_ =	shalt  }
0x6e: {  	_ =	shalt  }
0x6f: {  	_ =	shalt  }
0x70: {  	_ =	shalt  }
0x71: {  	_ =	shalt  }
0x72: {  	_ =	shalt  }
0x73: {  	_ =	shalt  }
0x74: {  	_ =	shalt  }
0x75: {  	_ =	shalt  }
0x76: {  	_ =	shalt  }
0x77: {  	_ =	shalt  }
0x78: {  	_ =	shalt  }
0x79: {  	_ =	shalt  }
0x7a: {  	_ =	shalt  }
0x7b: {  	_ =	shalt  }
0x7c: {  	_ =	shalt  }
0x7d: {  	_ =	shalt  }
0x7e: {  	_ =	shalt  }
0x7f: {  	_ =	shalt  }
0x80: {  	_ =	shalt  }
0x81: {  	_ =	shalt  }
0x82: {  	_ =	shalt  }
0x83: {  	_ =	shalt  }
0x84: {  	_ =	shalt  }
0x85: {  	_ =	shalt  }
0x86: {  	_ =	shalt  }
0x87: {  	_ =	shalt  }
.Lfunc_end0:
.L_simem_size_0:
called_computation_lowered:
.L_overlay_start_0:
0x88: {  	s2 =	sld [smem:$0x3FD9]  }
0x89: {  	s3 =	sld [smem:$0x3FFE];
	_ =	sdelay $0x1  }
0x8a: {  	s1 =	srdreg.scid  }
0x8b: {  	s0 =	sand.u32 $0x1, s1  }
0x8c: {  	s17 =	sshll.u32 s0, $0xA;
	s2 =	sadd.s32 s3, s2  }
0x8d: {  	s2 =	sadd.s32 s2, s17  }
0x8e: {  	[smem:$0x3FC2] =	sst s2  }
0x8f: {  	_ = 	snop  }
0x90: {  	s2 =	sld [smem:$0x3FC6]  }
0x91: {  	s18 =	sld [smem:$0x3FC5]  }
0x92: {  	s4 =	sld [smem:$0x3FD0];
	(tm) =	ssettm $0x1  }
0x93: {  	s5 =	sld [smem:$0x3FFB];
	_ =	sdelay $0x3  }
0x94: {  	_ =	strace s5  }
0x95: {  	s5 =	sld [smem:$0x3FFC];
	_ =	sdelay $0x3  }
0x96: {  	_ =	strace s5  }
0x97: {  	s5 =	sld [smem:$0x3FFD];
	_ =	sdelay $0x3  }
0x98: {  	_ =	strace s5  }
0x99: {  	_ =	strace $0x8FFFFFFF  }
0x9a: {  	s19 =	sld [smem:$0x3FDB];
	_ =	sdelay $0x1  }
0x9b: {  	s6 =	simm.s32 $_scs_section_size  }
0x9c: {  	s7 =	simm.s32 $_size__tile_overlayer_lowered;
	s8 =	simm.s32 $_tile_overlayer_lowered  }
0x9d: {  	s22 =	simm.s32 $0x1BFF;
	s21 =	sshll.u32 s8, $0x1;
	s5 =	sadd.s32 s6, s19  }
0x9e: {  	s9 =	simm.s32 $0x0;
	s20 =	sshll.u32 s7, $0x1;
	s7 =	sadd.s32 s21, s5  }
0x9f: {  	[timem:s9], [sflag:s22] =	dma.local [hbm:s7], s20  }
0xa0: {  	_ =	swait.ge [sflag:s22], s20  }
0xa1: {  	s6 =	ssub.s32 $0x0, s20;
	[sflag:s22] =	ssyncset.done $0x0  }
0xa2: {  	[sflag:s22] =	ssyncadd.s32 s6;
	_ =	sdelay $0x1  }
0xa3: {  	s23 =	simm.s32 $0x1B8B  }
0xa4: {  	_ =	swait.ge [sflag:s23], $0x1  }
0xa5: {  	[sflag:s23] =	ssyncset.done $0x0  }
0xa6: {  	s25 =	simm.s32 $0x1B8E;
	s24 =	sld [smem:$0x3FFE];
	[sflag:s23] =	ssyncadd.s32 $0xFFFFFFFF  }
0xa7: {  	s26 =	simm.s32 $execute0_lowered;
	[smem:$0x3FD2] =	sst s25  }
0xa8: {  	s7 =	sshll.u32 s26, $0x1;
	_ =	strace $0x80000046;
	[dreg:$0x1] =	wrdreg $0xFFFFFFFF  }
0xa9: {  	s28 =	simm.s32 $_size_execute0_lowered;
	s5 =	sadd.s32 s5, s7;
	[dreg:$0x0] =	wrdreg $0x0  }
0xaa: {  	s7 =	sshll.u32 s28, $0x1;
	[dreg:$0x2] =	wrdreg s5  }
0xab: {  	[dreg:$0x3] =	wrdreg s7  }
0xac: {  	[dreg:$0x4] =	wrdreg $0xC0  }
0xad: {  	_ =	task [dreg:s9], $0x5FFFF  }
0xae: {  	[dreg:$0x1] =	wrdreg $0xFFFFFFFF  }
0xaf: {  	[dreg:$0x0] =	wrdreg $0x60  }
0xb0: {  	[dreg:$0x2] =	wrdreg s24  }
0xb1: {  	[dreg:$0x3] =	wrdreg s2  }
0xb2: {  	[dreg:$0x4] =	wrdreg s18  }
0xb3: {  	[dreg:$0x5] =	wrdreg s4  }
0xb4: {  	[dreg:$0x6] =	wrdreg $0x9  }
0xb5: {  	_ =	task.clear_ibuf [dreg:s9], $0x7FFFF;
	_ =	strace $0x90000046  }
0xb6: {  	s29 =	simm.s32 $0x9;
	_ =	strace $0x80000048  }
0xb7: {  	_ =	swait.ge [sflag:s29], $0x1  }
0xb8: {  	[sflag:s29] =	ssyncadd.s32 $0xFFFFFFFF  }
0xb9: {  	_ =	strace $0x90000048  }
0xba: {  	_ =	sfence  }
0xbb: {  	s30 =	sld [smem:$0x0];
	_ =	sdelay $0x2  }
0xbc: {  	s31 =	sshll.u32 s1, $0xD;
	s1 =	sshrl.u32 s1, $0x2  }
0xbd: {  	s3 =	sand.u32 $0x4000, s31;
	s1 =	sadd.s32 s1, s30  }
0xbe: {  	s0 =	sor.u32 s3, s0;
	s1 =	sshll.u32 s1, $0x11  }
0xbf: {  	s0 =	sor.u32 s1, s0  }
0xc0: {  	s0 =	sadd.s32 $0x8F2B, s0  }
0xc1: {  	[sflag:s0] =	ssyncadd.remote.s32 $0x1  }
0xc2: {  	_ =	sfence.sel $0xFFFF  }
0xc3: {  	[dreg:$0x0] =	wrdreg $0xFFFFFFFF;
	(pc) =	sbr.abs _section_cstart, $3  }
0xc4: {  	[dreg:$0x1] =	wrdreg $0xFFFFFFFF  }
0xc5: {  	_ =	task.clear_ibuf [dreg:s9], $0x2FFFF;
	_ =	strace $0x9FFFFFFF  }
0xc6: {  	(tm) =	ssettm $0x7FFFFFFF  }
0xc7: {  	_ =	shalt  }
tec
execute0_lowered:
.L_overlay_start_1:
0x0: {  	(tag) =	ssettag $0x1  }
0x1: {  	s11 =	rddreg [dreg:$0x0]  }
0x2: {  	s2 =	rddreg [dreg:$0x1]  }
0x3: {  	s3 =	rddreg [dreg:$0x2]  }
0x4: {  	s4 =	rddreg [dreg:$0x3]  }
0x5: {  	s0 =	simm.s32 $0x0;
	s29 =	srdreg.scid;
	s6 =	stileid.u32  }
0x6: {  	s15 =	simm.s32 $0x1F;
	s16 =	simm.s32 $0x7D0;
	s25 =	simm.s32 $0x55F0  }
0x7: {  	s26 =	simm.s32 $0x5DC0;
	s13 =	simm.s32 $0xABE0;
	s17 =	simm.s32 $0xB3B0  }
0x8: {  	s18 =	simm.s32 $0x101D0;
	s19 =	simm.s32 $0x109A0;
	s20 =	simm.s32 $0x157C0  }
0x9: {  	s31 =	simm.s32 $0x1D;
	[smem:$0x7FF] =	sst s0;
	s7 =	sadd.s32 $0x6600, s11  }
0xa: {  	s0 =	sand.u32 $0x1, s29;
	s8 =	sadd.s32 $0x3400, s11;
	s6 =	sshll.u32 s6, $0x1  }
0xb: {  	s9 =	sadd.s32 $0x200, s11;
	s1 =	ssub.s32 $0x2, s0;
	s0 =	sor.u32 s0, s6  }
0xc: {  	s10 =	sadd.s32 $0xCCE00, s11;
	s5 =	sshrl.u32 s1, $0x1;
	s0 =	smul.u32 $0x30D40, s0  }
0xd: {  	s11 =	sadd.s32 $0x9800, s11;
	_ =	strace $0x80000047;
	s1 =	ssub.s32 s1, s5  }
0xe: {  	s6 =	simm.s32 $0x0;
	[dreg:$0x5] =	wrdreg s0;
	s30 =	smax.u32 s1, $0x1  }
0xf: {  	s5 =	simm.s32 $0x15F90;
	s0 =	simm.s32 $0x1E;
	[dreg:$0x6] =	wrdreg s30  }
.LBB2_1:
0x10: {  	[dreg:$0x7] =	wrdreg s6  }
0x11: {  	s1 =	rddreg [dreg:$0x0];
	s30 =	simm.s32 $0x0;
	s12 =	simm.s32 $0x1ADB0  }
0x12: {  	[tilespmem:s12], [sflag:$0x1F] =	stream.linear.gather [hbm4b:s1+s30], $0x80, $0x38;
	[tilespmem:$0x1AE30] =	vst v63  }
0x13: {  	_ =	swait.ge [sflag:s15], $0x80  }
0x14: {  	[sflag:s15] =	ssyncset.done $0x0  }
0x15: {  	[sflag:s15] =	ssyncadd.s32 $0xFFFFFF80  }
0x16: {  	v0 =	vld [tilespmem:$0x1ADB0]  }
0x17: {  	v1 =	vld [tilespmem:$0x1ADC0]  }
0x18: {  	v2 =	vld [tilespmem:$0x1ADD0]  }
0x19: {  	v3 =	vld [tilespmem:$0x1ADE0]  }
0x1a: {  	v4 =	vld [tilespmem:$0x1ADF0]  }
0x1b: {  	v5 =	vld [tilespmem:$0x1AE00]  }
0x1c: {  	s6 =	simm.s32 $0x0;
	v6 =	vld [tilespmem:$0x1AE10]  }
.LBB2_2:
0x1d: {  	s1 =	smul.u32 $0x2710, s6  }
0x1e: {  	s12 =	rddreg [dreg:$0x5]  }
0x1f: {  	s1 =	sadd.s32 s12, s1  }
0x20: {  	s22 =	sshrl.u32 s1, $0x3  }
0x21: {  	s1 =	simm.s32 $0x0;
	s14 =	sadd.s32 s10, s22  }
0x22: {  	[tilespmem:s1], [sflag:$0x1F] =	stream.linear.gather [hbm4b:s14+s1], $0x7D0, $0x38;
	[tilespmem:$0x1AE30] =	vst v63  }
0x23: {  	_ =	swait.ge [sflag:s15], $0x7D0  }
0x24: {  	[sflag:s15] =	ssyncset.done $0x0  }
0x25: {  	s21 =	sadd.s32 s11, s22;
	[sflag:s15] =	ssyncadd.s32 $0xFFFFF830  }
0x26: {  	[tilespmem:s16], [sflag:$0x1F] =	stream.linear.gather [hbm4b:s21+s1], $0x7D0, $0x38;
	[tilespmem:$0x1AE30] =	vst v63  }
0x27: {  	_ =	swait.ge [sflag:s15], $0x7D0  }
0x28: {  	[sflag:s15] =	ssyncset.done $0x0  }
0x29: {  	s23 =	sadd.s32 s2, s22;
	s14 =	simm.s32 $0x3E80;
	[sflag:s15] =	ssyncadd.s32 $0xFFFFF830  }
0x2a: {  	[tilespmem:s14], [sflag:$0x1F] =	stream.linear.gather [hbm4b:s23+s1], $0x7D0, $0x38;
	[tilespmem:$0x1AE30] =	vst v63  }
0x2b: {  	_ =	swait.ge [sflag:s15], $0x7D0  }
0x2c: {  	[sflag:s15] =	ssyncset.done $0x0  }
0x2d: {  	s29 =	simm.s32 $0x4650;
	s24 =	sadd.s32 s3, s22;
	[sflag:s15] =	ssyncadd.s32 $0xFFFFF830  }
0x2e: {  	[tilespmem:s29], [sflag:$0x1F] =	stream.linear.gather [hbm4b:s24+s1], $0x7D0, $0x38;
	[tilespmem:$0x1AE30] =	vst v63  }
0x2f: {  	_ =	swait.ge [sflag:s15], $0x7D0  }
0x30: {  	[sflag:s15] =	ssyncset.done $0x0  }
0x31: {  	s30 =	simm.s32 $0xFA0;
	[sflag:s15] =	ssyncadd.s32 $0xFFFFF830  }
0x32: {  	[tilespmem:s30], [sflag:$0x1] =	stream.indirect.gather [hbm4b:s7+s16], $0x1, s1, s16, $0xb8;
	[tilespmem:$0x1AE30] =	vst v63  }
0x33: {  	s14 =	simm.s32 $0x1770  }
0x34: {  	[tilespmem:s14], [sflag:$0x2] =	stream.indirect.gather [hbm4b:s7+s16], $0x1, s16, s16, $0xb8;
	[tilespmem:$0x1AE30] =	vst v63  }
0x35: {  	s21 =	simm.s32 $0x1F40  }
0x36: {  	[tilespmem:s21], [sflag:$0x3] =	stream.indirect.gather [hbm4b:s8+s16], $0x1, s1, s16, $0xb8;
	[tilespmem:$0x1AE30] =	vst v63  }
0x37: {  	s23 =	simm.s32 $0x2710  }
0x38: {  	[tilespmem:s23], [sflag:$0x4] =	stream.indirect.gather [hbm4b:s8+s16], $0x1, s16, s16, $0xb8;
	[tilespmem:$0x1AE30] =	vst v63  }
0x39: {  	s24 =	simm.s32 $0x2EE0  }
0x3a: {  	[tilespmem:s24], [sflag:$0x5] =	stream.indirect.gather [hbm4b:s9+s16], $0x1, s1, s16, $0xb8;
	[tilespmem:$0x1AE30] =	vst v63  }
0x3b: {  	s29 =	simm.s32 $0x36B0;
	s23 =	sadd.s32 $0xFA, s22  }
0x3c: {  	[tilespmem:s29], [sflag:$0x6] =	stream.indirect.gather [hbm4b:s9+s16], $0x1, s16, s16, $0xb8;
	[tilespmem:$0x1AE30] =	vst v63  }
0x3d: {  	s30 =	sadd.s32 s10, s23  }
0x3e: {  	[tilespmem:s25], [sflag:$0x1F] =	stream.linear.gather [hbm4b:s30+s1], $0x7D0, $0x38;
	[tilespmem:$0x1AE30] =	vst v63  }
0x3f: {  	_ =	swait.ge [sflag:s15], $0x7D0  }
0x40: {  	[sflag:s15] =	ssyncset.done $0x0  }
0x41: {  	s14 =	sadd.s32 s11, s23;
	[sflag:s15] =	ssyncadd.s32 $0xFFFFF830  }
0x42: {  	[tilespmem:s26], [sflag:$0x1F] =	stream.linear.gather [hbm4b:s14+s1], $0x7D0, $0x38;
	[tilespmem:$0x1AE30] =	vst v63  }
0x43: {  	_ =	swait.ge [sflag:s15], $0x7D0  }
0x44: {  	[sflag:s15] =	ssyncset.done $0x0  }
0x45: {  	s21 =	sadd.s32 s2, s23;
	s24 =	simm.s32 $0x9470;
	[sflag:s15] =	ssyncadd.s32 $0xFFFFF830  }
0x46: {  	[tilespmem:s24], [sflag:$0x1F] =	stream.linear.gather [hbm4b:s21+s1], $0x7D0, $0x38;
	[tilespmem:$0x1AE30] =	vst v63  }
0x47: {  	_ =	swait.ge [sflag:s15], $0x7D0  }
0x48: {  	[sflag:s15] =	ssyncset.done $0x0  }
0x49: {  	s29 =	sadd.s32 s3, s23;
	s30 =	simm.s32 $0x9C40;
	[sflag:s15] =	ssyncadd.s32 $0xFFFFF830  }
0x4a: {  	[tilespmem:s30], [sflag:$0x1F] =	stream.linear.gather [hbm4b:s29+s1], $0x7D0, $0x38;
	[tilespmem:$0x1AE30] =	vst v63  }
0x4b: {  	_ =	swait.ge [sflag:s15], $0x7D0  }
0x4c: {  	[sflag:s15] =	ssyncset.done $0x0  }
0x4d: {  	s21 =	simm.s32 $0x6590;
	[sflag:s15] =	ssyncadd.s32 $0xFFFFF830  }
0x4e: {  	[tilespmem:s21], [sflag:$0x7] =	stream.indirect.gather [hbm4b:s7+s16], $0x1, s25, s16, $0xb8;
	[tilespmem:$0x1AE30] =	vst v63  }
0x4f: {  	s24 =	simm.s32 $0x6D60  }
0x50: {  	[tilespmem:s24], [sflag:$0x8] =	stream.indirect.gather [hbm4b:s7+s16], $0x1, s26, s16, $0xb8;
	[tilespmem:$0x1AE30] =	vst v63  }
0x51: {  	s29 =	simm.s32 $0x7530  }
0x52: {  	[tilespmem:s29], [sflag:$0x9] =	stream.indirect.gather [hbm4b:s8+s16], $0x1, s25, s16, $0xb8;
	[tilespmem:$0x1AE30] =	vst v63  }
0x53: {  	s30 =	simm.s32 $0x7D00  }
0x54: {  	[tilespmem:s30], [sflag:$0xA] =	stream.indirect.gather [hbm4b:s8+s16], $0x1, s26, s16, $0xb8;
	[tilespmem:$0x1AE30] =	vst v63  }
0x55: {  	s14 =	simm.s32 $0x84D0  }
0x56: {  	[tilespmem:s14], [sflag:$0xB] =	stream.indirect.gather [hbm4b:s9+s16], $0x1, s25, s16, $0xb8;
	[tilespmem:$0x1AE30] =	vst v63  }
0x57: {  	s21 =	simm.s32 $0x8CA0;
	s14 =	sadd.s32 $0x1F4, s22  }
0x58: {  	[tilespmem:s21], [sflag:$0xC] =	stream.indirect.gather [hbm4b:s9+s16], $0x1, s26, s16, $0xb8;
	[tilespmem:$0x1AE30] =	vst v63  }
0x59: {  	s24 =	sadd.s32 s10, s14  }
0x5a: {  	[tilespmem:s13], [sflag:$0x1F] =	stream.linear.gather [hbm4b:s24+s1], $0x7D0, $0x38;
	[tilespmem:$0x1AE30] =	vst v63  }
0x5b: {  	_ =	swait.ge [sflag:s15], $0x7D0  }
0x5c: {  	[sflag:s15] =	ssyncset.done $0x0  }
0x5d: {  	s29 =	sadd.s32 s11, s14;
	[sflag:s15] =	ssyncadd.s32 $0xFFFFF830  }
0x5e: {  	[tilespmem:s17], [sflag:$0x1F] =	stream.linear.gather [hbm4b:s29+s1], $0x7D0, $0x38;
	[tilespmem:$0x1AE30] =	vst v63  }
0x5f: {  	_ =	swait.ge [sflag:s15], $0x7D0  }
0x60: {  	[sflag:s15] =	ssyncset.done $0x0  }
0x61: {  	s30 =	sadd.s32 s2, s14;
	s21 =	simm.s32 $0xEA60;
	[sflag:s15] =	ssyncadd.s32 $0xFFFFF830  }
0x62: {  	[tilespmem:s21], [sflag:$0x1F] =	stream.linear.gather [hbm4b:s30+s1], $0x7D0, $0x38;
	[tilespmem:$0x1AE30] =	vst v63  }
0x63: {  	_ =	swait.ge [sflag:s15], $0x7D0  }
0x64: {  	[sflag:s15] =	ssyncset.done $0x0  }
0x65: {  	s24 =	simm.s32 $0xF230;
	s21 =	sadd.s32 s3, s14;
	[sflag:s15] =	ssyncadd.s32 $0xFFFFF830  }
0x66: {  	[tilespmem:s24], [sflag:$0x1F] =	stream.linear.gather [hbm4b:s21+s1], $0x7D0, $0x38;
	[tilespmem:$0x1AE30] =	vst v63  }
0x67: {  	_ =	swait.ge [sflag:s15], $0x7D0  }
0x68: {  	[sflag:s15] =	ssyncset.done $0x0  }
0x69: {  	s29 =	simm.s32 $0xBB80;
	[sflag:s15] =	ssyncadd.s32 $0xFFFFF830  }
0x6a: {  	[tilespmem:s29], [sflag:$0xD] =	stream.indirect.gather [hbm4b:s7+s16], $0x1, s13, s16, $0xb8;
	[tilespmem:$0x1AE30] =	vst v63  }
0x6b: {  	s30 =	simm.s32 $0xC350  }
0x6c: {  	[tilespmem:s30], [sflag:$0xE] =	stream.indirect.gather [hbm4b:s7+s16], $0x1, s17, s16, $0xb8;
	[tilespmem:$0x1AE30] =	vst v63  }
0x6d: {  	s12 =	simm.s32 $0xCB20  }
0x6e: {  	[tilespmem:s12], [sflag:$0xF] =	stream.indirect.gather [hbm4b:s8+s16], $0x1, s13, s16, $0xb8;
	[tilespmem:$0x1AE30] =	vst v63  }
0x6f: {  	s21 =	simm.s32 $0xD2F0  }
0x70: {  	[tilespmem:s21], [sflag:$0x10] =	stream.indirect.gather [hbm4b:s8+s16], $0x1, s17, s16, $0xb8;
	[tilespmem:$0x1AE30] =	vst v63  }
0x71: {  	s24 =	simm.s32 $0xDAC0  }
0x72: {  	[tilespmem:s24], [sflag:$0x11] =	stream.indirect.gather [hbm4b:s9+s16], $0x1, s13, s16, $0xb8;
	[tilespmem:$0x1AE30] =	vst v63  }
0x73: {  	s29 =	simm.s32 $0xE290;
	s30 =	simm.s32 $0x1  }
0x74: {  	[tilespmem:s29], [sflag:$0x12] =	stream.indirect.gather [hbm4b:s9+s16], $0x1, s17, s16, $0xb8;
	[tilespmem:$0x1AE30] =	vst v63  }
0x75: {  	_ =	swait.ge [sflag:s30], $0x7D0  }
0x76: {  	[sflag:s30] =	ssyncset.done $0x0  }
0x77: {  	s12 =	simm.s32 $0x2;
	[sflag:s30] =	ssyncadd.s32 $0xFFFFF830  }
0x78: {  	_ =	swait.ge [sflag:s12], $0x7D0  }
0x79: {  	[sflag:s12] =	ssyncset.done $0x0  }
0x7a: {  	s21 =	simm.s32 $0x3;
	[sflag:s12] =	ssyncadd.s32 $0xFFFFF830  }
0x7b: {  	_ =	swait.ge [sflag:s21], $0x7D0  }
0x7c: {  	[sflag:s21] =	ssyncset.done $0x0  }
0x7d: {  	s24 =	simm.s32 $0x4;
	[sflag:s21] =	ssyncadd.s32 $0xFFFFF830  }
0x7e: {  	_ =	swait.ge [sflag:s24], $0x7D0  }
0x7f: {  	[sflag:s24] =	ssyncset.done $0x0  }
0x80: {  	s29 =	simm.s32 $0x5;
	[sflag:s24] =	ssyncadd.s32 $0xFFFFF830  }
0x81: {  	_ =	swait.ge [sflag:s29], $0x7D0  }
0x82: {  	[sflag:s29] =	ssyncset.done $0x0  }
0x83: {  	s30 =	simm.s32 $0x6;
	[sflag:s29] =	ssyncadd.s32 $0xFFFFF830  }
0x84: {  	_ =	swait.ge [sflag:s30], $0x7D0  }
0x85: {  	[sflag:s30] =	ssyncset.done $0x0  }
0x86: {  	s28 =	simm.s32 $0x0;
	[sflag:s30] =	ssyncadd.s32 $0xFFFFF830  }
0x87: {  	v7 =	vld [tilespmem:s28+$0x36B0]  }
0x88: {  	v8 =	vld [tilespmem:s28+$0x1770]  }
0x89: {  	v9 =	vld [tilespmem:s28+$0xFA0]  }
0x8a: {  	v10 =	vld [tilespmem:s28+$0x2710]  }
0x8b: {  	v11 =	vld [tilespmem:s28+$0x1F40]  }
0x8c: {  	v12 =	vld [tilespmem:s28+$0x2EE0];
	_ =	sdelay $0x3  }
0x8d: {  	v8 =	vsub.f32 v8, v9;
	v9 =	vsub.f32 v10, v11  }
0x8e: {  	v7 =	vsub.f32 v7, v12  }
0x8f: {  	v10 =	vmul.f32 v8, v3;
	v11 =	vmul.f32 v9, v4  }
0x90: {  	v12 =	vmul.f32 v7, v5  }
0x91: {  	v10 =	vadd.f32 $1.258291200e+07, v10;
	v11 =	vadd.f32 $1.258291200e+07, v11  }
0x92: {  	v12 =	vadd.f32 $1.258291200e+07, v12  }
0x93: {  	v10 =	vadd.f32 $-1.258291200e+07, v10;
	v11 =	vadd.f32 $-1.258291200e+07, v11;
	_ =	sdelay $0x1  }
0x94: {  	v12 =	vadd.f32 $-1.258291200e+07, v12;
	v10 =	vmul.f32 v10, v0;
	v11 =	vmul.f32 v11, v1;
	_ =	sdelay $0x1  }
0x95: {  	v8 =	vsub.f32 v8, v10;
	v10 =	vmul.f32 v12, v2;
	v9 =	vsub.f32 v9, v11;
	_ =	sdelay $0x1  }
0x96: {  	v8 =	vmul.f32 v8, v8;
	v7 =	vsub.f32 v7, v10;
	v9 =	vmul.f32 v9, v9  }
0x97: {  	s24 =	simm.s32 $0x10  }
0x98: {  	v15 =	vld [tilespmem:s24+$0x2EE0];
	v8 =	vadd.f32 v9, v8;
	v7 =	vmul.f32 v7, v7  }
0x99: {  	v11 =	vld [tilespmem:s24+$0xFA0]  }
0x9a: {  	v12 =	vld [tilespmem:s24+$0x1F40];
	v7 =	vadd.f32 v7, v8  }
0x9b: {  	v9 =	vld [tilespmem:s24+$0x1770]  }
0x9c: {  	v8 =	vld [tilespmem:s24+$0x2710];
	v13 =	vshra.s32 v7, $0x1;
	v14 =	vmul.f32 $5.000000000e-01, v7  }
0x9d: {  	v10 =	vld [tilespmem:s24+$0x36B0];
	v13 =	vsub.s32 $0x5F3759DF, v13  }
0x9e: {  	v16 =	vmul.f32 v13, v14;
	_ =	sdelay $0x1  }
0x9f: {  	v16 =	vmul.f32 v13, v16  }
0xa0: {  	v9 =	vsub.f32 v9, v11;
	v8 =	vsub.f32 v8, v12  }
0xa1: {  	v10 =	vsub.f32 v10, v15;
	v11 =	vsub.f32 $1.500000000e+00, v16  }
0xa2: {  	v12 =	vmul.f32 v9, v3;
	v15 =	vmul.f32 v8, v4  }
0xa3: {  	v16 =	vmul.f32 v10, v5;
	v11 =	vmul.f32 v13, v11  }
0xa4: {  	v12 =	vadd.f32 $1.258291200e+07, v12;
	v13 =	vadd.f32 $1.258291200e+07, v15  }
0xa5: {  	v15 =	vadd.f32 $1.258291200e+07, v16;
	v16 =	vmul.f32 v11, v14  }
0xa6: {  	v12 =	vadd.f32 $-1.258291200e+07, v12;
	v13 =	vadd.f32 $-1.258291200e+07, v13  }
0xa7: {  	v16 =	vmul.f32 v16, v11  }
0xa8: {  	v12 =	vmul.f32 v12, v0;
	v15 =	vadd.f32 $-1.258291200e+07, v15;
	v13 =	vmul.f32 v13, v1  }
0xa9: {  	v16 =	vsub.f32 $1.500000000e+00, v16  }
0xaa: {  	v9 =	vsub.f32 v9, v12;
	v12 =	vmul.f32 v15, v2;
	v8 =	vsub.f32 v8, v13  }
0xab: {  	v11 =	vmul.f32 v16, v11  }
0xac: {  	v9 =	vmul.f32 v9, v9;
	v10 =	vsub.f32 v10, v12;
	v8 =	vmul.f32 v8, v8  }
0xad: {  	v12 =	vmul.f32 v11, v14  }
0xae: {  	s21 =	simm.s32 $0x20;
	v17 =	vld [tilespmem:s28+$0x4650];
	v8 =	vadd.f32 v8, v9;
	v9 =	vmul.f32 v10, v10  }
0xaf: {  	v18 =	vld [tilespmem:s21+$0x1F40];
	v12 =	vmul.f32 v12, v11  }
0xb0: {  	v10 =	vld [tilespmem:s21+$0x1770];
	v8 =	vadd.f32 v9, v8  }
0xb1: {  	v14 =	vld [tilespmem:s21+$0xFA0];
	v9 =	vsub.f32 $1.500000000e+00, v12  }
0xb2: {  	v15 =	vld [tilespmem:s21+$0x2710];
	v12 =	vshra.s32 v8, $0x1;
	v16 =	vmul.f32 $5.000000000e-01, v8  }
0xb3: {  	v13 =	vld [tilespmem:s21+$0x36B0];
	v9 =	vmul.f32 v9, v11;
	v11 =	vsub.s32 $0x5F3759DF, v12  }
0xb4: {  	v12 =	vld [tilespmem:s21+$0x2EE0];
	v19 =	vmul.f32 v11, v16  }
0xb5: {  	v7 =	vmul.f32 v9, v7  }
0xb6: {  	v10 =	vsub.f32 v10, v14;
	v14 =	vmul.f32 v11, v19  }
0xb7: {  	v9 =	vmul.f32 v7, v17  }
0xb8: {  	v15 =	vsub.f32 v15, v18;
	v17 =	vmul.f32 v10, v3;
	v14 =	vsub.f32 $1.500000000e+00, v14  }
0xb9: {  	v12 =	vsub.f32 v13, v12;
	v13 =	vmul.f32 $1.666666720e-01, v9  }
0xba: {  	v18 =	vmul.f32 v15, v4;
	v17 =	vadd.f32 $1.258291200e+07, v17;
	v11 =	vmul.f32 v11, v14  }
0xbb: {  	v19 =	vmul.f32 $2.000000030e-01, v9;
	v14 =	vmul.f32 v12, v5;
	v13 =	vadd.f32 $1.000000000e+00, v13  }
0xbc: {  	v18 =	vadd.f32 $1.258291200e+07, v18;
	v17 =	vadd.f32 $-1.258291200e+07, v17;
	v20 =	vmul.f32 v11, v16  }
0xbd: {  	v14 =	vadd.f32 $1.258291200e+07, v14;
	v13 =	vmul.f32 v13, v19  }
0xbe: {  	s1 =	simm.s32 $0x30;
	v18 =	vadd.f32 $-1.258291200e+07, v18;
	v17 =	vmul.f32 v17, v0;
	v19 =	vmul.f32 v20, v11  }
0xbf: {  	v21 =	vmul.f32 $2.500000000e-01, v9;
	v14 =	vadd.f32 $-1.258291200e+07, v14;
	v20 =	vld [tilespmem:s1+$0x36B0];
	v13 =	vadd.f32 $1.000000000e+00, v13  }
0xc0: {  	v10 =	vsub.f32 v10, v17;
	v17 =	vmul.f32 v18, v1;
	v18 =	vld [tilespmem:s1+$0x2EE0];
	v19 =	vsub.f32 $1.500000000e+00, v19  }
0xc1: {  	v14 =	vmul.f32 v14, v2;
	v13 =	vmul.f32 v13, v21  }
0xc2: {  	v21 =	vmul.f32 v10, v10;
	v10 =	vsub.f32 v15, v17;
	v22 =	vmul.f32 v19, v11  }
0xc3: {  	v15 =	vsub.f32 $0.0e+00, v9;
	v11 =	vmul.f32 $3.333333430e-01, v9;
	v13 =	vadd.f32 $1.000000000e+00, v13  }
0xc4: {  	v12 =	vsub.f32 v12, v14;
	v14 =	vmul.f32 v10, v10;
	v16 =	vmul.f32 v22, v16  }
0xc5: {  	v10 =	vsub.f32 v20, v18;
	v11 =	vmul.f32 v13, v11;
	v13 =	vmul.f32 $1.442695020e+00, v15  }
0xc6: {  	v17 =	vld [tilespmem:s1+$0xFA0];
	v12 =	vmul.f32 v12, v12;
	v14 =	vadd.f32 v14, v21;
	v16 =	vmul.f32 v16, v22  }
0xc7: {  	v18 =	vmul.f32 $5.000000000e-01, v9;
	v15 =	vld [tilespmem:s1+$0x1770];
	v11 =	vadd.f32 $1.000000000e+00, v11;
	(erf) = vpow2.f32 v13  }
0xc8: {  	v19 =	vld [tilespmem:s1+$0x1F40];
	v13 =	vmul.f32 v10, v5;
	v12 =	vadd.f32 v12, v14;
	v14 =	vsub.f32 $1.500000000e+00, v16  }
0xc9: {  	v16 =	vld [tilespmem:s1+$0x2710];
	v21 =	vmul.f32 v11, v18;
	v18 =	vmul.f32 v7, v7  }
0xca: {  	v20 =	vld [tilespmem:s24+$0x4650];
	v23 =	vshra.s32 v12, $0x1;
	v11 =	vmul.f32 $5.000000000e-01, v12;
	v22 =	vmul.f32 v14, v22  }
0xcb: {  	s12 =	simm.s32 $0x100;
	v14 =	vsub.s32 $0x5F3759DF, v23;
	v23 =	vadd.f32 $1.000000000e+00, v21;
	v21 =	vmul.f32 v18, v18  }
.LBB2_3:
0xcc: {  	p0 =	sne.s32 s12, $0x1F00;
	v15 =	vsub.f32 v15, v17;
	v17 =	vmul.f32 v14, v11;
	v22 =	vmul.f32 v22, v8;
	v8 =	vmovc v12  }
0xcd: {  	v12 =	vmul.f32 v23, v9;
	v18 =	vmul.f32 v21, v18  }
0xce: {  	v16 =	vsub.f32 v16, v19;
	v19 =	vmul.f32 v15, v3;
	v17 =	vmul.f32 v14, v17  }
0xcf: {  	v9 =	vmul.f32 v22, v20;
	v12 =	vadd.f32 $1.000000000e+00, v12;
	(erf) = vrcp.f32 v18  }
0xd0: {  	v18 =	vadd.f32 $1.258291200e+07, v19;
	v19 =	vmul.f32 v16, v4;
	v17 =	vsub.f32 $1.500000000e+00, v17;
	v20 =	vld [tilespmem:s28+$0x3E80];
	v21 =	vpop (erf)  }
0xd1: {  	v13 =	vadd.f32 $1.258291200e+07, v13;
	v23 =	vmul.f32 $1.666666720e-01, v9;
	v12 =	vmul.f32 v12, v21  }
0xd2: {  	v18 =	vadd.f32 $-1.258291200e+07, v18;
	v19 =	vadd.f32 $1.258291200e+07, v19;
	v14 =	vmul.f32 v14, v17  }
0xd3: {  	v21 =	vmul.f32 $2.000000030e-01, v9;
	v17 =	vadd.f32 $1.000000000e+00, v23;
	v12 =	vsub.f32 $1.000000000e+00, v12  }
0xd4: {  	v19 =	vadd.f32 $-1.258291200e+07, v19;
	v18 =	vmul.f32 v18, v0;
	v23 =	vmul.f32 v14, v11  }
0xd5: {  	v13 =	vadd.f32 $-1.258291200e+07, v13;
	v17 =	vmul.f32 v17, v21;
	v12 =	vmul.f32 v12, v20  }
0xd6: {  	s29 =	sshra.s32 s12, $0x2;
	v15 =	vsub.f32 v15, v18;
	v18 =	vmul.f32 v19, v1;
	v25 =	vmul.f32 v23, v14  }
0xd7: {  	v21 =	vmul.f32 $2.500000000e-01, v9;
	v20 =	vld [tilespmem:s29+$0x36B0];
	v17 =	vadd.f32 $1.000000000e+00, v17;
	v12 =	vsub.f32 $0.0e+00, v12  }
0xd8: {  	v13 =	vmul.f32 v13, v2;
	v23 =	vld [tilespmem:s29+$0x2EE0];
	v24 =	vmul.f32 v15, v15;
	v15 =	vsub.f32 $1.500000000e+00, v25;
	v19 =	vpop (erf)  }
0xd9: {  	v16 =	vsub.f32 v16, v18;
	v17 =	vmul.f32 v17, v21;
	v12 =	vmul.f32 v12, v19  }
0xda: {  	vm0 =	vle.f32 v7, v6;
	v7 =	vmovc v22;
	v14 =	vmul.f32 v15, v14;
	v15 =	vmul.f32 $3.333333430e-01, v9  }
0xdb: {  	v18 =	vsub.f32 $0.0e+00, v9;
	v17 =	vadd.f32 $1.000000000e+00, v17;
	v12 =	vnsel vm0, $0x0, v12  }
0xdc: {  	v13 =	vsub.f32 v10, v13;
	v16 =	vmul.f32 v16, v16;
	v11 =	vmul.f32 v14, v11;
	[tilespmem:s28+$0x4E20] =	vst v12;
	s28 =	smov.u32 s24;
	s24 =	smov.u32 s21;
	s21 =	smov.u32 s1  }
0xdd: {  	v18 =	vmul.f32 $1.442695020e+00, v18;
	s1 =	smov.u32 s29;
	v10 =	vsub.f32 v20, v23;
	v12 =	vmul.f32 v17, v15  }
0xde: {  	v19 =	vadd.f32 v16, v24;
	v20 =	vmul.f32 v13, v13;
	v15 =	vld [tilespmem:s1+$0x1770];
	v11 =	vmul.f32 v11, v14  }
.Ltmp0:
0xdf: {  	v23 =	vmul.f32 $5.000000000e-01, v9;
	v17 =	vld [tilespmem:s1+$0xFA0];
	v21 =	vadd.f32 $1.000000000e+00, v12;
	(erf) = vpow2.f32 v18;
	(pc) =	sbr.rel @p0 .LBB2_3-.Ltmp0, $4  }
0xe0: {  	v13 =	vmul.f32 v10, v5;
	v12 =	vadd.f32 v20, v19;
	v16 =	vld [tilespmem:s1+$0x2710];
	v20 =	vsub.f32 $1.500000000e+00, v11  }
0xe1: {  	v18 =	vmul.f32 v22, v7;
	v19 =	vld [tilespmem:s1+$0x1F40];
	v21 =	vmul.f32 v21, v23  }
0xe2: {  	v23 =	vshra.s32 v12, $0x1;
	v11 =	vmul.f32 $5.000000000e-01, v12;
	v22 =	vmul.f32 v20, v14;
	v20 =	vld [tilespmem:s24+$0x4650]  }
0xe3: {  	s12 =	sadd.s32 $0x40, s12;
	v14 =	vsub.s32 $0x5F3759DF, v23;
	v23 =	vadd.f32 $1.000000000e+00, v21;
	v21 =	vmul.f32 v18, v18  }
0xe4: {  	_ = 	snop  }
0xe5: {  	v15 =	vsub.f32 v15, v17;
	v8 =	vmul.f32 v22, v8  }
0xe6: {  	v16 =	vsub.f32 v16, v19  }
0xe7: {  	v17 =	vmul.f32 v15, v3;
	v19 =	vmul.f32 v8, v20  }
0xe8: {  	v13 =	vadd.f32 $1.258291200e+07, v13;
	v22 =	vmul.f32 v16, v4  }
0xe9: {  	v9 =	vmul.f32 v23, v9;
	v17 =	vadd.f32 $1.258291200e+07, v17;
	v23 =	vmul.f32 $1.666666720e-01, v19  }
0xea: {  	v18 =	vmul.f32 v21, v18;
	v20 =	vmul.f32 v14, v11;
	v21 =	vadd.f32 $1.258291200e+07, v22  }
0xeb: {  	v17 =	vadd.f32 $-1.258291200e+07, v17;
	v22 =	vadd.f32 $1.000000000e+00, v23;
	v23 =	vmul.f32 $2.000000030e-01, v19  }
0xec: {  	(erf) = vrcp.f32 v18;
	v20 =	vmul.f32 v14, v20;
	v18 =	vadd.f32 $-1.258291200e+07, v21  }
0xed: {  	v13 =	vadd.f32 $-1.258291200e+07, v13;
	v17 =	vmul.f32 v17, v0;
	v21 =	vmul.f32 v22, v23  }
0xee: {  	v9 =	vadd.f32 $1.000000000e+00, v9;
	v20 =	vsub.f32 $1.500000000e+00, v20;
	v18 =	vmul.f32 v18, v1  }
0xef: {  	v15 =	vsub.f32 v15, v17;
	v17 =	vadd.f32 $1.000000000e+00, v21;
	v21 =	vmul.f32 $2.500000000e-01, v19  }
0xf0: {  	v13 =	vmul.f32 v13, v2;
	v14 =	vmul.f32 v14, v20;
	v22 =	vpop (erf);
	v16 =	vsub.f32 v16, v18  }
0xf1: {  	v9 =	vmul.f32 v9, v22;
	v18 =	vld [tilespmem:s28+$0x3E80];
	v17 =	vmul.f32 v17, v21  }
0xf2: {  	v10 =	vsub.f32 v10, v13;
	v15 =	vmul.f32 v15, v15;
	v13 =	vmul.f32 v16, v16  }
0xf3: {  	v20 =	vmul.f32 $3.333333430e-01, v19;
	v16 =	vmul.f32 v14, v11;
	v17 =	vadd.f32 $1.000000000e+00, v17  }
0xf4: {  	v10 =	vmul.f32 v10, v10;
	v9 =	vsub.f32 $1.000000000e+00, v9;
	v13 =	vadd.f32 v13, v15  }
0xf5: {  	v15 =	vmul.f32 v16, v14;
	v16 =	vsub.f32 $0.0e+00, v19;
	v17 =	vmul.f32 v17, v20  }
0xf6: {  	v9 =	vmul.f32 v9, v18;
	v20 =	vmul.f32 $5.000000000e-01, v19  }
0xf7: {  	v10 =	vadd.f32 v10, v13;
	v13 =	vsub.f32 $1.500000000e+00, v15;
	v15 =	vmul.f32 $1.442695020e+00, v16  }
0xf8: {  	v16 =	vadd.f32 $1.000000000e+00, v17;
	v9 =	vsub.f32 $0.0e+00, v9  }
0xf9: {  	v17 =	vshra.s32 v10, $0x1;
	v18 =	vmul.f32 $5.000000000e-01, v10;
	(erf) = vpow2.f32 v15  }
0xfa: {  	v13 =	vmul.f32 v13, v14;
	v15 =	vsub.s32 $0x5F3759DF, v17;
	v16 =	vmul.f32 v16, v20  }
0xfb: {  	v17 =	vmul.f32 v8, v8;
	v20 =	vpop (erf);
	v14 =	vmul.f32 v15, v18  }
0xfc: {  	v11 =	vmul.f32 v13, v11;
	v9 =	vmul.f32 v9, v20  }
0xfd: {  	v16 =	vadd.f32 $1.000000000e+00, v16;
	v20 =	vmul.f32 v17, v17;
	v14 =	vmul.f32 v15, v14  }
0xfe: {  	vm0 =	vle.f32 v7, v6;
	v7 =	vmul.f32 v11, v13  }
0xff: {  	v11 =	vsub.f32 $1.500000000e+00, v14;
	v14 =	vmul.f32 v16, v19;
	v16 =	vmul.f32 v20, v17  }
0x100: {  	v9 =	vnsel vm0, $0x0, v9  }
0x101: {  	[tilespmem:s28+$0x4E20] =	vst v9;
	v9 =	vmul.f32 v15, v11  }
0x102: {  	v7 =	vsub.f32 $1.500000000e+00, v7;
	v11 =	vld [tilespmem:s21+$0x4650];
	v14 =	vadd.f32 $1.000000000e+00, v14;
	(erf) = vrcp.f32 v16  }
0x103: {  	v15 =	vld [tilespmem:s24+$0x3E80];
	v16 =	vpop (erf);
	v17 =	vmul.f32 v9, v18  }
0x104: {  	v7 =	vmul.f32 v7, v13;
	v13 =	vmul.f32 v14, v16  }
0x105: {  	v14 =	vmul.f32 v17, v9  }
0x106: {  	v7 =	vmul.f32 v7, v12;
	v12 =	vsub.f32 $1.000000000e+00, v13  }
0x107: {  	v13 =	vsub.f32 $1.500000000e+00, v14  }
0x108: {  	v11 =	vmul.f32 v7, v11;
	v12 =	vmul.f32 v12, v15  }
0x109: {  	v9 =	vmul.f32 v13, v9  }
0x10a: {  	v13 =	vmul.f32 $1.666666720e-01, v11;
	v12 =	vsub.f32 $0.0e+00, v12  }
0x10b: {  	v14 =	vpop (erf);
	v15 =	vmul.f32 v9, v18  }
0x10c: {  	v16 =	vmul.f32 $2.000000030e-01, v11;
	v13 =	vadd.f32 $1.000000000e+00, v13;
	v12 =	vmul.f32 v12, v14  }
0x10d: {  	vm13 =	vle.f32 v8, v6;
	v8 =	vmul.f32 v15, v9  }
0x10e: {  	v13 =	vmul.f32 v13, v16;
	v12 =	vnsel vm13, $0x0, v12  }
0x10f: {  	[tilespmem:s24+$0x4E20] =	vst v12;
	v8 =	vsub.f32 $1.500000000e+00, v8  }
0x110: {  	v12 =	vadd.f32 $1.000000000e+00, v13;
	v13 =	vmul.f32 $2.500000000e-01, v11;
	v14 =	vld [tilespmem:s1+$0x4650]  }
0x111: {  	v8 =	vmul.f32 v8, v9  }
0x112: {  	v9 =	vmul.f32 v12, v13  }
0x113: {  	v8 =	vmul.f32 v8, v10  }
0x114: {  	v12 =	vsub.f32 $0.0e+00, v11;
	v10 =	vmul.f32 $3.333333430e-01, v11;
	v9 =	vadd.f32 $1.000000000e+00, v9  }
0x115: {  	v13 =	vmul.f32 v8, v14  }
0x116: {  	v9 =	vmul.f32 v9, v10;
	v10 =	vmul.f32 $1.442695020e+00, v12  }
0x117: {  	v12 =	vmul.f32 $1.666666720e-01, v13  }
0x118: {  	v14 =	vmul.f32 $5.000000000e-01, v11;
	v9 =	vadd.f32 $1.000000000e+00, v9;
	(erf) = vpow2.f32 v10  }
0x119: {  	v10 =	vadd.f32 $1.000000000e+00, v12;
	v12 =	vmul.f32 $2.000000030e-01, v13  }
0x11a: {  	v9 =	vmul.f32 v9, v14;
	v14 =	vmul.f32 v7, v7  }
0x11b: {  	v10 =	vmul.f32 v10, v12  }
0x11c: {  	v9 =	vadd.f32 $1.000000000e+00, v9;
	v12 =	vmul.f32 v14, v14  }
0x11d: {  	v15 =	vmul.f32 $2.500000000e-01, v13;
	v10 =	vadd.f32 $1.000000000e+00, v10  }
0x11e: {  	v9 =	vmul.f32 v9, v11;
	v11 =	vmul.f32 v12, v14  }
0x11f: {  	v10 =	vmul.f32 v10, v15  }
0x120: {  	v9 =	vadd.f32 $1.000000000e+00, v9;
	(erf) = vrcp.f32 v11  }
0x121: {  	v14 =	vmul.f32 $3.333333430e-01, v13;
	v11 =	vld [tilespmem:s21+$0x3E80];
	v12 =	vpop (erf);
	v10 =	vadd.f32 $1.000000000e+00, v10  }
0x122: {  	v15 =	vsub.f32 $0.0e+00, v13;
	v9 =	vmul.f32 v9, v12  }
0x123: {  	v10 =	vmul.f32 v10, v14  }
0x124: {  	v12 =	vmul.f32 $1.442695020e+00, v15;
	v9 =	vsub.f32 $1.000000000e+00, v9  }
0x125: {  	v14 =	vmul.f32 $5.000000000e-01, v13;
	v10 =	vadd.f32 $1.000000000e+00, v10  }
0x126: {  	(erf) = vpow2.f32 v12;
	v9 =	vmul.f32 v9, v11  }
0x127: {  	v11 =	vmul.f32 v8, v8;
	v10 =	vmul.f32 v10, v14  }
0x128: {  	v9 =	vsub.f32 $0.0e+00, v9  }
0x129: {  	v14 =	vmul.f32 v11, v11;
	v12 =	vpop (erf);
	v10 =	vadd.f32 $1.000000000e+00, v10  }
0x12a: {  	v9 =	vmul.f32 v9, v12  }
0x12b: {  	vm14 =	vle.f32 v7, v6;
	v7 =	vmul.f32 v10, v13;
	v10 =	vmul.f32 v14, v11;
	_ =	sdelay $0x1  }
0x12c: {  	v9 =	vnsel vm14, $0x0, v9  }
0x12d: {  	[tilespmem:s21+$0x4E20] =	vst v9;
	v7 =	vadd.f32 $1.000000000e+00, v7;
	(erf) = vrcp.f32 v10  }
0x12e: {  	v9 =	vld [tilespmem:s1+$0x3E80];
	v10 =	vpop (erf)  }
0x12f: {  	v7 =	vmul.f32 v7, v10;
	_ =	sdelay $0x1  }
0x130: {  	v7 =	vsub.f32 $1.000000000e+00, v7;
	_ =	sdelay $0x1  }
0x131: {  	v7 =	vmul.f32 v7, v9;
	_ =	sdelay $0x1  }
0x132: {  	v7 =	vsub.f32 $0.0e+00, v7  }
0x133: {  	v9 =	vpop (erf)  }
0x134: {  	v7 =	vmul.f32 v7, v9  }
0x135: {  	vm15 =	vle.f32 v8, v6  }
0x136: {  	v7 =	vnsel vm15, $0x0, v7  }
0x137: {  	s12 =	simm.s32 $0x0;
	s30 =	simm.s32 $0x4E20;
	s24 =	sadd.s32 s4, s22;
	[tilespmem:s1+$0x4E20] =	vst v7  }
0x138: {  	[hbm4b:s24+s12] =	stream.linear.scatter [tilespmem:s30], [sflag:$0x1F], $0x7D0, $0x38;
	[tilespmem:$0x1AE30] =	vst v63  }
0x139: {  	_ =	swait.ge [sflag:s15], $0x7D0  }
0x13a: {  	s21 =	sadd.s32 $0x2EE, s22;
	[sflag:s15] =	ssyncset.done $0x0  }
0x13b: {  	s24 =	sadd.s32 s10, s21;
	[sflag:s15] =	ssyncadd.s32 $0xFFFFF830  }
0x13c: {  	[tilespmem:s18], [sflag:$0x1F] =	stream.linear.gather [hbm4b:s24+s12], $0x7D0, $0x38;
	[tilespmem:$0x1AE30] =	vst v63  }
0x13d: {  	_ =	swait.ge [sflag:s15], $0x7D0  }
0x13e: {  	[sflag:s15] =	ssyncset.done $0x0  }
0x13f: {  	s30 =	sadd.s32 s11, s21;
	[sflag:s15] =	ssyncadd.s32 $0xFFFFF830  }
0x140: {  	[tilespmem:s19], [sflag:$0x1F] =	stream.linear.gather [hbm4b:s30+s12], $0x7D0, $0x38;
	[tilespmem:$0x1AE30] =	vst v63  }
0x141: {  	_ =	swait.ge [sflag:s15], $0x7D0  }
0x142: {  	[sflag:s15] =	ssyncset.done $0x0  }
0x143: {  	s24 =	sadd.s32 s2, s21;
	s30 =	simm.s32 $0x14050;
	[sflag:s15] =	ssyncadd.s32 $0xFFFFF830  }
0x144: {  	[tilespmem:s30], [sflag:$0x1F] =	stream.linear.gather [hbm4b:s24+s12], $0x7D0, $0x38;
	[tilespmem:$0x1AE30] =	vst v63  }
0x145: {  	_ =	swait.ge [sflag:s15], $0x7D0  }
0x146: {  	[sflag:s15] =	ssyncset.done $0x0  }
0x147: {  	s24 =	sadd.s32 s3, s21;
	s30 =	simm.s32 $0x14820;
	[sflag:s15] =	ssyncadd.s32 $0xFFFFF830  }
0x148: {  	[tilespmem:s30], [sflag:$0x1F] =	stream.linear.gather [hbm4b:s24+s12], $0x7D0, $0x38;
	[tilespmem:$0x1AE30] =	vst v63  }
0x149: {  	_ =	swait.ge [sflag:s15], $0x7D0  }
0x14a: {  	[sflag:s15] =	ssyncset.done $0x0  }
0x14b: {  	s12 =	simm.s32 $0x11170;
	[sflag:s15] =	ssyncadd.s32 $0xFFFFF830  }
0x14c: {  	[tilespmem:s12], [sflag:$0x13] =	stream.indirect.gather [hbm4b:s7+s16], $0x1, s18, s16, $0xb8;
	[tilespmem:$0x1AE30] =	vst v63  }
0x14d: {  	s24 =	simm.s32 $0x11940  }
0x14e: {  	[tilespmem:s24], [sflag:$0x14] =	stream.indirect.gather [hbm4b:s7+s16], $0x1, s19, s16, $0xb8;
	[tilespmem:$0x1AE30] =	vst v63  }
0x14f: {  	s30 =	simm.s32 $0x12110  }
0x150: {  	[tilespmem:s30], [sflag:$0x15] =	stream.indirect.gather [hbm4b:s8+s16], $0x1, s18, s16, $0xb8;
	[tilespmem:$0x1AE30] =	vst v63  }
0x151: {  	s12 =	simm.s32 $0x128E0  }
0x152: {  	[tilespmem:s12], [sflag:$0x16] =	stream.indirect.gather [hbm4b:s8+s16], $0x1, s19, s16, $0xb8;
	[tilespmem:$0x1AE30] =	vst v63  }
0x153: {  	s24 =	simm.s32 $0x130B0  }
0x154: {  	[tilespmem:s24], [sflag:$0x17] =	stream.indirect.gather [hbm4b:s9+s16], $0x1, s18, s16, $0xb8;
	[tilespmem:$0x1AE30] =	vst v63  }
0x155: {  	s30 =	simm.s32 $0x13880;
	s12 =	simm.s32 $0x7  }
0x156: {  	[tilespmem:s30], [sflag:$0x18] =	stream.indirect.gather [hbm4b:s9+s16], $0x1, s19, s16, $0xb8;
	[tilespmem:$0x1AE30] =	vst v63  }
0x157: {  	_ =	swait.ge [sflag:s12], $0x7D0  }
0x158: {  	[sflag:s12] =	ssyncset.done $0x0  }
0x159: {  	s24 =	simm.s32 $0x8;
	[sflag:s12] =	ssyncadd.s32 $0xFFFFF830  }
0x15a: {  	_ =	swait.ge [sflag:s24], $0x7D0  }
0x15b: {  	[sflag:s24] =	ssyncset.done $0x0  }
0x15c: {  	s30 =	simm.s32 $0x9;
	[sflag:s24] =	ssyncadd.s32 $0xFFFFF830  }
0x15d: {  	_ =	swait.ge [sflag:s30], $0x7D0  }
0x15e: {  	[sflag:s30] =	ssyncset.done $0x0  }
0x15f: {  	s12 =	simm.s32 $0xA;
	[sflag:s30] =	ssyncadd.s32 $0xFFFFF830  }
0x160: {  	_ =	swait.ge [sflag:s12], $0x7D0  }
0x161: {  	[sflag:s12] =	ssyncset.done $0x0  }
0x162: {  	s24 =	simm.s32 $0xB;
	[sflag:s12] =	ssyncadd.s32 $0xFFFFF830  }
0x163: {  	_ =	swait.ge [sflag:s24], $0x7D0  }
0x164: {  	[sflag:s24] =	ssyncset.done $0x0  }
0x165: {  	s30 =	simm.s32 $0xC;
	[sflag:s24] =	ssyncadd.s32 $0xFFFFF830  }
0x166: {  	_ =	swait.ge [sflag:s30], $0x7D0  }
0x167: {  	[sflag:s30] =	ssyncset.done $0x0  }
0x168: {  	s1 =	simm.s32 $0x0;
	[sflag:s30] =	ssyncadd.s32 $0xFFFFF830  }
0x169: {  	v7 =	vld [tilespmem:s1+$0x8CA0]  }
0x16a: {  	v8 =	vld [tilespmem:s1+$0x6D60]  }
0x16b: {  	v9 =	vld [tilespmem:s1+$0x6590]  }
0x16c: {  	v10 =	vld [tilespmem:s1+$0x7D00]  }
0x16d: {  	v11 =	vld [tilespmem:s1+$0x7530]  }
0x16e: {  	v12 =	vld [tilespmem:s1+$0x84D0];
	_ =	sdelay $0x3  }
0x16f: {  	v8 =	vsub.f32 v8, v9;
	v9 =	vsub.f32 v10, v11  }
0x170: {  	v7 =	vsub.f32 v7, v12  }
0x171: {  	v10 =	vmul.f32 v8, v3;
	v11 =	vmul.f32 v9, v4  }
0x172: {  	v12 =	vmul.f32 v7, v5  }
0x173: {  	v10 =	vadd.f32 $1.258291200e+07, v10;
	v11 =	vadd.f32 $1.258291200e+07, v11  }
0x174: {  	v12 =	vadd.f32 $1.258291200e+07, v12  }
0x175: {  	v10 =	vadd.f32 $-1.258291200e+07, v10;
	v11 =	vadd.f32 $-1.258291200e+07, v11;
	_ =	sdelay $0x1  }
0x176: {  	v12 =	vadd.f32 $-1.258291200e+07, v12;
	v10 =	vmul.f32 v10, v0;
	v11 =	vmul.f32 v11, v1;
	_ =	sdelay $0x1  }
0x177: {  	v8 =	vsub.f32 v8, v10;
	v10 =	vmul.f32 v12, v2;
	v9 =	vsub.f32 v9, v11;
	_ =	sdelay $0x1  }
0x178: {  	v8 =	vmul.f32 v8, v8;
	v7 =	vsub.f32 v7, v10;
	v9 =	vmul.f32 v9, v9  }
0x179: {  	s28 =	simm.s32 $0x10  }
0x17a: {  	v15 =	vld [tilespmem:s28+$0x84D0];
	v8 =	vadd.f32 v9, v8;
	v7 =	vmul.f32 v7, v7  }
0x17b: {  	v11 =	vld [tilespmem:s28+$0x6590]  }
0x17c: {  	v12 =	vld [tilespmem:s28+$0x7530];
	v7 =	vadd.f32 v7, v8  }
0x17d: {  	v9 =	vld [tilespmem:s28+$0x6D60]  }
0x17e: {  	v8 =	vld [tilespmem:s28+$0x7D00];
	v13 =	vshra.s32 v7, $0x1;
	v14 =	vmul.f32 $5.000000000e-01, v7  }
0x17f: {  	v10 =	vld [tilespmem:s28+$0x8CA0];
	v13 =	vsub.s32 $0x5F3759DF, v13  }
0x180: {  	v16 =	vmul.f32 v13, v14;
	_ =	sdelay $0x1  }
0x181: {  	v16 =	vmul.f32 v13, v16  }
0x182: {  	v9 =	vsub.f32 v9, v11;
	v8 =	vsub.f32 v8, v12  }
0x183: {  	v10 =	vsub.f32 v10, v15;
	v11 =	vsub.f32 $1.500000000e+00, v16  }
0x184: {  	v12 =	vmul.f32 v9, v3;
	v15 =	vmul.f32 v8, v4  }
0x185: {  	v16 =	vmul.f32 v10, v5;
	v11 =	vmul.f32 v13, v11  }
0x186: {  	v12 =	vadd.f32 $1.258291200e+07, v12;
	v13 =	vadd.f32 $1.258291200e+07, v15  }
0x187: {  	v15 =	vadd.f32 $1.258291200e+07, v16;
	v16 =	vmul.f32 v11, v14  }
0x188: {  	v12 =	vadd.f32 $-1.258291200e+07, v12;
	v13 =	vadd.f32 $-1.258291200e+07, v13  }
0x189: {  	v16 =	vmul.f32 v16, v11  }
0x18a: {  	v12 =	vmul.f32 v12, v0;
	v15 =	vadd.f32 $-1.258291200e+07, v15;
	v13 =	vmul.f32 v13, v1  }
0x18b: {  	v16 =	vsub.f32 $1.500000000e+00, v16  }
0x18c: {  	v9 =	vsub.f32 v9, v12;
	v12 =	vmul.f32 v15, v2;
	v8 =	vsub.f32 v8, v13  }
0x18d: {  	v11 =	vmul.f32 v16, v11  }
0x18e: {  	v9 =	vmul.f32 v9, v9;
	v10 =	vsub.f32 v10, v12;
	v8 =	vmul.f32 v8, v8  }
0x18f: {  	v12 =	vmul.f32 v11, v14  }
0x190: {  	s24 =	simm.s32 $0x20;
	v17 =	vld [tilespmem:s1+$0x9C40];
	v8 =	vadd.f32 v8, v9;
	v9 =	vmul.f32 v10, v10  }
0x191: {  	v18 =	vld [tilespmem:s24+$0x7530];
	v12 =	vmul.f32 v12, v11  }
0x192: {  	v10 =	vld [tilespmem:s24+$0x6D60];
	v8 =	vadd.f32 v9, v8  }
0x193: {  	v14 =	vld [tilespmem:s24+$0x6590];
	v9 =	vsub.f32 $1.500000000e+00, v12  }
0x194: {  	v15 =	vld [tilespmem:s24+$0x7D00];
	v12 =	vshra.s32 v8, $0x1;
	v16 =	vmul.f32 $5.000000000e-01, v8  }
0x195: {  	v13 =	vld [tilespmem:s24+$0x8CA0];
	v9 =	vmul.f32 v9, v11;
	v11 =	vsub.s32 $0x5F3759DF, v12  }
0x196: {  	v12 =	vld [tilespmem:s24+$0x84D0];
	v19 =	vmul.f32 v11, v16  }
0x197: {  	v7 =	vmul.f32 v9, v7  }
0x198: {  	v10 =	vsub.f32 v10, v14;
	v14 =	vmul.f32 v11, v19  }
0x199: {  	v9 =	vmul.f32 v7, v17  }
0x19a: {  	v15 =	vsub.f32 v15, v18;
	v17 =	vmul.f32 v10, v3;
	v14 =	vsub.f32 $1.500000000e+00, v14  }
0x19b: {  	v12 =	vsub.f32 v13, v12;
	v13 =	vmul.f32 $1.666666720e-01, v9  }
0x19c: {  	v18 =	vmul.f32 v15, v4;
	v17 =	vadd.f32 $1.258291200e+07, v17;
	v11 =	vmul.f32 v11, v14  }
0x19d: {  	v19 =	vmul.f32 $2.000000030e-01, v9;
	v14 =	vmul.f32 v12, v5;
	v13 =	vadd.f32 $1.000000000e+00, v13  }
0x19e: {  	v18 =	vadd.f32 $1.258291200e+07, v18;
	v17 =	vadd.f32 $-1.258291200e+07, v17;
	v20 =	vmul.f32 v11, v16  }
0x19f: {  	v14 =	vadd.f32 $1.258291200e+07, v14;
	v13 =	vmul.f32 v13, v19  }
0x1a0: {  	s12 =	simm.s32 $0x30;
	v18 =	vadd.f32 $-1.258291200e+07, v18;
	v17 =	vmul.f32 v17, v0;
	v19 =	vmul.f32 v20, v11  }
0x1a1: {  	v21 =	vmul.f32 $2.500000000e-01, v9;
	v14 =	vadd.f32 $-1.258291200e+07, v14;
	v20 =	vld [tilespmem:s12+$0x8CA0];
	v13 =	vadd.f32 $1.000000000e+00, v13  }
0x1a2: {  	v10 =	vsub.f32 v10, v17;
	v17 =	vmul.f32 v18, v1;
	v18 =	vld [tilespmem:s12+$0x84D0];
	v19 =	vsub.f32 $1.500000000e+00, v19  }
0x1a3: {  	v14 =	vmul.f32 v14, v2;
	v13 =	vmul.f32 v13, v21  }
0x1a4: {  	v21 =	vmul.f32 v10, v10;
	v10 =	vsub.f32 v15, v17;
	v22 =	vmul.f32 v19, v11  }
0x1a5: {  	v15 =	vsub.f32 $0.0e+00, v9;
	v11 =	vmul.f32 $3.333333430e-01, v9;
	v13 =	vadd.f32 $1.000000000e+00, v13  }
0x1a6: {  	v12 =	vsub.f32 v12, v14;
	v14 =	vmul.f32 v10, v10;
	v16 =	vmul.f32 v22, v16  }
0x1a7: {  	v10 =	vsub.f32 v20, v18;
	v11 =	vmul.f32 v13, v11;
	v13 =	vmul.f32 $1.442695020e+00, v15  }
0x1a8: {  	v17 =	vld [tilespmem:s12+$0x6590];
	v12 =	vmul.f32 v12, v12;
	v14 =	vadd.f32 v14, v21;
	v16 =	vmul.f32 v16, v22  }
0x1a9: {  	v18 =	vmul.f32 $5.000000000e-01, v9;
	v15 =	vld [tilespmem:s12+$0x6D60];
	v11 =	vadd.f32 $1.000000000e+00, v11;
	(erf) = vpow2.f32 v13  }
0x1aa: {  	v19 =	vld [tilespmem:s12+$0x7530];
	v13 =	vmul.f32 v10, v5;
	v12 =	vadd.f32 v12, v14;
	v14 =	vsub.f32 $1.500000000e+00, v16  }
0x1ab: {  	v16 =	vld [tilespmem:s12+$0x7D00];
	v21 =	vmul.f32 v11, v18;
	v18 =	vmul.f32 v7, v7  }
0x1ac: {  	v20 =	vld [tilespmem:s28+$0x9C40];
	v23 =	vshra.s32 v12, $0x1;
	v11 =	vmul.f32 $5.000000000e-01, v12;
	v22 =	vmul.f32 v14, v22  }
0x1ad: {  	s29 =	simm.s32 $0x100;
	v14 =	vsub.s32 $0x5F3759DF, v23;
	v23 =	vadd.f32 $1.000000000e+00, v21;
	v21 =	vmul.f32 v18, v18  }
.LBB2_5:
0x1ae: {  	p0 =	sne.s32 s29, $0x1F00;
	v15 =	vsub.f32 v15, v17;
	v17 =	vmul.f32 v14, v11;
	v22 =	vmul.f32 v22, v8;
	v8 =	vmovc v12  }
0x1af: {  	v12 =	vmul.f32 v23, v9;
	v18 =	vmul.f32 v21, v18  }
0x1b0: {  	v16 =	vsub.f32 v16, v19;
	v19 =	vmul.f32 v15, v3;
	v17 =	vmul.f32 v14, v17  }
0x1b1: {  	v9 =	vmul.f32 v22, v20;
	v12 =	vadd.f32 $1.000000000e+00, v12;
	(erf) = vrcp.f32 v18  }
0x1b2: {  	v18 =	vadd.f32 $1.258291200e+07, v19;
	v19 =	vmul.f32 v16, v4;
	v17 =	vsub.f32 $1.500000000e+00, v17;
	v20 =	vld [tilespmem:s1+$0x9470];
	v21 =	vpop (erf)  }
0x1b3: {  	v13 =	vadd.f32 $1.258291200e+07, v13;
	v23 =	vmul.f32 $1.666666720e-01, v9;
	v12 =	vmul.f32 v12, v21  }
0x1b4: {  	v18 =	vadd.f32 $-1.258291200e+07, v18;
	v19 =	vadd.f32 $1.258291200e+07, v19;
	v14 =	vmul.f32 v14, v17  }
0x1b5: {  	v21 =	vmul.f32 $2.000000030e-01, v9;
	v17 =	vadd.f32 $1.000000000e+00, v23;
	v12 =	vsub.f32 $1.000000000e+00, v12  }
0x1b6: {  	v19 =	vadd.f32 $-1.258291200e+07, v19;
	v18 =	vmul.f32 v18, v0;
	v23 =	vmul.f32 v14, v11  }
0x1b7: {  	v13 =	vadd.f32 $-1.258291200e+07, v13;
	v17 =	vmul.f32 v17, v21;
	v12 =	vmul.f32 v12, v20  }
0x1b8: {  	s30 =	sshra.s32 s29, $0x2;
	v15 =	vsub.f32 v15, v18;
	v18 =	vmul.f32 v19, v1;
	v25 =	vmul.f32 v23, v14  }
0x1b9: {  	v21 =	vmul.f32 $2.500000000e-01, v9;
	v20 =	vld [tilespmem:s30+$0x8CA0];
	v17 =	vadd.f32 $1.000000000e+00, v17;
	v12 =	vsub.f32 $0.0e+00, v12  }
0x1ba: {  	v13 =	vmul.f32 v13, v2;
	v23 =	vld [tilespmem:s30+$0x84D0];
	v24 =	vmul.f32 v15, v15;
	v15 =	vsub.f32 $1.500000000e+00, v25;
	v19 =	vpop (erf)  }
0x1bb: {  	v16 =	vsub.f32 v16, v18;
	v17 =	vmul.f32 v17, v21;
	v12 =	vmul.f32 v12, v19  }
0x1bc: {  	vm0 =	vle.f32 v7, v6;
	v7 =	vmovc v22;
	v14 =	vmul.f32 v15, v14;
	v15 =	vmul.f32 $3.333333430e-01, v9  }
0x1bd: {  	v18 =	vsub.f32 $0.0e+00, v9;
	v17 =	vadd.f32 $1.000000000e+00, v17;
	v12 =	vnsel vm0, $0x0, v12  }
0x1be: {  	v13 =	vsub.f32 v10, v13;
	v16 =	vmul.f32 v16, v16;
	v11 =	vmul.f32 v14, v11;
	[tilespmem:s1+$0xA410] =	vst v12;
	s1 =	smov.u32 s28;
	s28 =	smov.u32 s24;
	s24 =	smov.u32 s12  }
0x1bf: {  	v18 =	vmul.f32 $1.442695020e+00, v18;
	s12 =	smov.u32 s30;
	v10 =	vsub.f32 v20, v23;
	v12 =	vmul.f32 v17, v15  }
0x1c0: {  	v19 =	vadd.f32 v16, v24;
	v20 =	vmul.f32 v13, v13;
	v15 =	vld [tilespmem:s12+$0x6D60];
	v11 =	vmul.f32 v11, v14  }
.Ltmp1:
0x1c1: {  	v23 =	vmul.f32 $5.000000000e-01, v9;
	v17 =	vld [tilespmem:s12+$0x6590];
	v21 =	vadd.f32 $1.000000000e+00, v12;
	(erf) = vpow2.f32 v18;
	(pc) =	sbr.rel @p0 .LBB2_5-.Ltmp1, $4  }
0x1c2: {  	v13 =	vmul.f32 v10, v5;
	v12 =	vadd.f32 v20, v19;
	v16 =	vld [tilespmem:s12+$0x7D00];
	v20 =	vsub.f32 $1.500000000e+00, v11  }
0x1c3: {  	v18 =	vmul.f32 v22, v7;
	v19 =	vld [tilespmem:s12+$0x7530];
	v21 =	vmul.f32 v21, v23  }
0x1c4: {  	v23 =	vshra.s32 v12, $0x1;
	v11 =	vmul.f32 $5.000000000e-01, v12;
	v22 =	vmul.f32 v20, v14;
	v20 =	vld [tilespmem:s28+$0x9C40]  }
0x1c5: {  	s29 =	sadd.s32 $0x40, s29;
	v14 =	vsub.s32 $0x5F3759DF, v23;
	v23 =	vadd.f32 $1.000000000e+00, v21;
	v21 =	vmul.f32 v18, v18  }
0x1c6: {  	_ = 	snop  }
0x1c7: {  	v15 =	vsub.f32 v15, v17;
	v8 =	vmul.f32 v22, v8  }
0x1c8: {  	v16 =	vsub.f32 v16, v19  }
0x1c9: {  	v17 =	vmul.f32 v15, v3;
	v19 =	vmul.f32 v8, v20  }
0x1ca: {  	v13 =	vadd.f32 $1.258291200e+07, v13;
	v22 =	vmul.f32 v16, v4  }
0x1cb: {  	v9 =	vmul.f32 v23, v9;
	v17 =	vadd.f32 $1.258291200e+07, v17;
	v23 =	vmul.f32 $1.666666720e-01, v19  }
0x1cc: {  	v18 =	vmul.f32 v21, v18;
	v20 =	vmul.f32 v14, v11;
	v21 =	vadd.f32 $1.258291200e+07, v22  }
0x1cd: {  	v17 =	vadd.f32 $-1.258291200e+07, v17;
	v22 =	vadd.f32 $1.000000000e+00, v23;
	v23 =	vmul.f32 $2.000000030e-01, v19  }
0x1ce: {  	(erf) = vrcp.f32 v18;
	v20 =	vmul.f32 v14, v20;
	v18 =	vadd.f32 $-1.258291200e+07, v21  }
0x1cf: {  	v13 =	vadd.f32 $-1.258291200e+07, v13;
	v17 =	vmul.f32 v17, v0;
	v21 =	vmul.f32 v22, v23  }
0x1d0: {  	v9 =	vadd.f32 $1.000000000e+00, v9;
	v20 =	vsub.f32 $1.500000000e+00, v20;
	v18 =	vmul.f32 v18, v1  }
0x1d1: {  	v15 =	vsub.f32 v15, v17;
	v17 =	vadd.f32 $1.000000000e+00, v21;
	v21 =	vmul.f32 $2.500000000e-01, v19  }
0x1d2: {  	v13 =	vmul.f32 v13, v2;
	v14 =	vmul.f32 v14, v20;
	v22 =	vpop (erf);
	v16 =	vsub.f32 v16, v18  }
0x1d3: {  	v9 =	vmul.f32 v9, v22;
	v18 =	vld [tilespmem:s1+$0x9470];
	v17 =	vmul.f32 v17, v21  }
0x1d4: {  	v10 =	vsub.f32 v10, v13;
	v15 =	vmul.f32 v15, v15;
	v13 =	vmul.f32 v16, v16  }
0x1d5: {  	v20 =	vmul.f32 $3.333333430e-01, v19;
	v16 =	vmul.f32 v14, v11;
	v17 =	vadd.f32 $1.000000000e+00, v17  }
0x1d6: {  	v10 =	vmul.f32 v10, v10;
	v9 =	vsub.f32 $1.000000000e+00, v9;
	v13 =	vadd.f32 v13, v15  }
0x1d7: {  	v15 =	vmul.f32 v16, v14;
	v16 =	vsub.f32 $0.0e+00, v19;
	v17 =	vmul.f32 v17, v20  }
0x1d8: {  	v9 =	vmul.f32 v9, v18;
	v20 =	vmul.f32 $5.000000000e-01, v19  }
0x1d9: {  	v10 =	vadd.f32 v10, v13;
	v13 =	vsub.f32 $1.500000000e+00, v15;
	v15 =	vmul.f32 $1.442695020e+00, v16  }
0x1da: {  	v16 =	vadd.f32 $1.000000000e+00, v17;
	v9 =	vsub.f32 $0.0e+00, v9  }
0x1db: {  	v17 =	vshra.s32 v10, $0x1;
	v18 =	vmul.f32 $5.000000000e-01, v10;
	(erf) = vpow2.f32 v15  }
0x1dc: {  	v13 =	vmul.f32 v13, v14;
	v15 =	vsub.s32 $0x5F3759DF, v17;
	v16 =	vmul.f32 v16, v20  }
0x1dd: {  	v17 =	vmul.f32 v8, v8;
	v20 =	vpop (erf);
	v14 =	vmul.f32 v15, v18  }
0x1de: {  	v11 =	vmul.f32 v13, v11;
	v9 =	vmul.f32 v9, v20  }
0x1df: {  	v16 =	vadd.f32 $1.000000000e+00, v16;
	v20 =	vmul.f32 v17, v17;
	v14 =	vmul.f32 v15, v14  }
0x1e0: {  	vm0 =	vle.f32 v7, v6;
	v7 =	vmul.f32 v11, v13  }
0x1e1: {  	v11 =	vsub.f32 $1.500000000e+00, v14;
	v14 =	vmul.f32 v16, v19;
	v16 =	vmul.f32 v20, v17  }
0x1e2: {  	v9 =	vnsel vm0, $0x0, v9  }
0x1e3: {  	[tilespmem:s1+$0xA410] =	vst v9;
	v9 =	vmul.f32 v15, v11  }
0x1e4: {  	v7 =	vsub.f32 $1.500000000e+00, v7;
	v11 =	vld [tilespmem:s24+$0x9C40];
	v14 =	vadd.f32 $1.000000000e+00, v14;
	(erf) = vrcp.f32 v16  }
0x1e5: {  	v15 =	vld [tilespmem:s28+$0x9470];
	v16 =	vpop (erf);
	v17 =	vmul.f32 v9, v18  }
0x1e6: {  	v7 =	vmul.f32 v7, v13;
	v13 =	vmul.f32 v14, v16  }
0x1e7: {  	v14 =	vmul.f32 v17, v9  }
0x1e8: {  	v7 =	vmul.f32 v7, v12;
	v12 =	vsub.f32 $1.000000000e+00, v13  }
0x1e9: {  	v13 =	vsub.f32 $1.500000000e+00, v14  }
0x1ea: {  	v11 =	vmul.f32 v7, v11;
	v12 =	vmul.f32 v12, v15  }
0x1eb: {  	v9 =	vmul.f32 v13, v9  }
0x1ec: {  	v13 =	vmul.f32 $1.666666720e-01, v11;
	v12 =	vsub.f32 $0.0e+00, v12  }
0x1ed: {  	v14 =	vpop (erf);
	v15 =	vmul.f32 v9, v18  }
0x1ee: {  	v16 =	vmul.f32 $2.000000030e-01, v11;
	v13 =	vadd.f32 $1.000000000e+00, v13;
	v12 =	vmul.f32 v12, v14  }
0x1ef: {  	vm13 =	vle.f32 v8, v6;
	v8 =	vmul.f32 v15, v9  }
0x1f0: {  	v13 =	vmul.f32 v13, v16;
	v12 =	vnsel vm13, $0x0, v12  }
0x1f1: {  	[tilespmem:s28+$0xA410] =	vst v12;
	v8 =	vsub.f32 $1.500000000e+00, v8  }
0x1f2: {  	v12 =	vadd.f32 $1.000000000e+00, v13;
	v13 =	vmul.f32 $2.500000000e-01, v11;
	v14 =	vld [tilespmem:s12+$0x9C40]  }
0x1f3: {  	v8 =	vmul.f32 v8, v9  }
0x1f4: {  	v9 =	vmul.f32 v12, v13  }
0x1f5: {  	v8 =	vmul.f32 v8, v10  }
0x1f6: {  	v12 =	vsub.f32 $0.0e+00, v11;
	v10 =	vmul.f32 $3.333333430e-01, v11;
	v9 =	vadd.f32 $1.000000000e+00, v9  }
0x1f7: {  	v13 =	vmul.f32 v8, v14  }
0x1f8: {  	v9 =	vmul.f32 v9, v10;
	v10 =	vmul.f32 $1.442695020e+00, v12  }
0x1f9: {  	v12 =	vmul.f32 $1.666666720e-01, v13  }
0x1fa: {  	v14 =	vmul.f32 $5.000000000e-01, v11;
	v9 =	vadd.f32 $1.000000000e+00, v9;
	(erf) = vpow2.f32 v10  }
0x1fb: {  	v10 =	vadd.f32 $1.000000000e+00, v12;
	v12 =	vmul.f32 $2.000000030e-01, v13  }
0x1fc: {  	v9 =	vmul.f32 v9, v14;
	v14 =	vmul.f32 v7, v7  }
0x1fd: {  	v10 =	vmul.f32 v10, v12  }
0x1fe: {  	v9 =	vadd.f32 $1.000000000e+00, v9;
	v12 =	vmul.f32 v14, v14  }
0x1ff: {  	v15 =	vmul.f32 $2.500000000e-01, v13;
	v10 =	vadd.f32 $1.000000000e+00, v10  }
0x200: {  	v9 =	vmul.f32 v9, v11;
	v11 =	vmul.f32 v12, v14  }
0x201: {  	v10 =	vmul.f32 v10, v15  }
0x202: {  	v9 =	vadd.f32 $1.000000000e+00, v9;
	(erf) = vrcp.f32 v11  }
0x203: {  	v14 =	vmul.f32 $3.333333430e-01, v13;
	v11 =	vld [tilespmem:s24+$0x9470];
	v12 =	vpop (erf);
	v10 =	vadd.f32 $1.000000000e+00, v10  }
0x204: {  	v15 =	vsub.f32 $0.0e+00, v13;
	v9 =	vmul.f32 v9, v12  }
0x205: {  	v10 =	vmul.f32 v10, v14  }
0x206: {  	v12 =	vmul.f32 $1.442695020e+00, v15;
	v9 =	vsub.f32 $1.000000000e+00, v9  }
0x207: {  	v14 =	vmul.f32 $5.000000000e-01, v13;
	v10 =	vadd.f32 $1.000000000e+00, v10  }
0x208: {  	(erf) = vpow2.f32 v12;
	v9 =	vmul.f32 v9, v11  }
0x209: {  	v11 =	vmul.f32 v8, v8;
	v10 =	vmul.f32 v10, v14  }
0x20a: {  	v9 =	vsub.f32 $0.0e+00, v9  }
0x20b: {  	v14 =	vmul.f32 v11, v11;
	v12 =	vpop (erf);
	v10 =	vadd.f32 $1.000000000e+00, v10  }
0x20c: {  	v9 =	vmul.f32 v9, v12  }
0x20d: {  	vm14 =	vle.f32 v7, v6;
	v7 =	vmul.f32 v10, v13;
	v10 =	vmul.f32 v14, v11;
	_ =	sdelay $0x1  }
0x20e: {  	v9 =	vnsel vm14, $0x0, v9  }
0x20f: {  	[tilespmem:s24+$0xA410] =	vst v9;
	v7 =	vadd.f32 $1.000000000e+00, v7;
	(erf) = vrcp.f32 v10  }
0x210: {  	v9 =	vld [tilespmem:s12+$0x9470];
	v10 =	vpop (erf)  }
0x211: {  	v7 =	vmul.f32 v7, v10;
	_ =	sdelay $0x1  }
0x212: {  	v7 =	vsub.f32 $1.000000000e+00, v7;
	_ =	sdelay $0x1  }
0x213: {  	v7 =	vmul.f32 v7, v9;
	_ =	sdelay $0x1  }
0x214: {  	v7 =	vsub.f32 $0.0e+00, v7  }
0x215: {  	v9 =	vpop (erf)  }
0x216: {  	v7 =	vmul.f32 v7, v9  }
0x217: {  	vm15 =	vle.f32 v8, v6  }
0x218: {  	v7 =	vnsel vm15, $0x0, v7  }
0x219: {  	s29 =	sadd.s32 s4, s23;
	s30 =	simm.s32 $0xA410;
	[tilespmem:s12+$0xA410] =	vst v7;
	s12 =	simm.s32 $0x0  }
0x21a: {  	[hbm4b:s29+s12] =	stream.linear.scatter [tilespmem:s30], [sflag:$0x1F], $0x7D0, $0x38;
	[tilespmem:$0x1AE30] =	vst v63  }
0x21b: {  	_ =	swait.ge [sflag:s15], $0x7D0  }
0x21c: {  	s22 =	sadd.s32 $0x3E8, s22;
	[sflag:s15] =	ssyncset.done $0x0  }
0x21d: {  	s23 =	sadd.s32 s10, s22;
	[sflag:s15] =	ssyncadd.s32 $0xFFFFF830  }
0x21e: {  	[tilespmem:s20], [sflag:$0x1F] =	stream.linear.gather [hbm4b:s23+s12], $0x7D0, $0x38;
	[tilespmem:$0x1AE30] =	vst v63  }
0x21f: {  	_ =	swait.ge [sflag:s15], $0x7D0  }
0x220: {  	[sflag:s15] =	ssyncset.done $0x0  }
0x221: {  	s24 =	sadd.s32 s11, s22;
	[sflag:s15] =	ssyncadd.s32 $0xFFFFF830  }
0x222: {  	[tilespmem:s5], [sflag:$0x1F] =	stream.linear.gather [hbm4b:s24+s12], $0x7D0, $0x38;
	[tilespmem:$0x1AE30] =	vst v63  }
0x223: {  	_ =	swait.ge [sflag:s15], $0x7D0  }
0x224: {  	[sflag:s15] =	ssyncset.done $0x0  }
0x225: {  	s29 =	sadd.s32 s2, s22;
	s30 =	simm.s32 $0x19640;
	[sflag:s15] =	ssyncadd.s32 $0xFFFFF830  }
0x226: {  	[tilespmem:s30], [sflag:$0x1F] =	stream.linear.gather [hbm4b:s29+s12], $0x7D0, $0x38;
	[tilespmem:$0x1AE30] =	vst v63  }
0x227: {  	_ =	swait.ge [sflag:s15], $0x7D0  }
0x228: {  	[sflag:s15] =	ssyncset.done $0x0  }
0x229: {  	s23 =	sadd.s32 s3, s22;
	s24 =	simm.s32 $0x19E10;
	[sflag:s15] =	ssyncadd.s32 $0xFFFFF830  }
0x22a: {  	[tilespmem:s24], [sflag:$0x1F] =	stream.linear.gather [hbm4b:s23+s12], $0x7D0, $0x38;
	[tilespmem:$0x1AE30] =	vst v63  }
0x22b: {  	_ =	swait.ge [sflag:s15], $0x7D0  }
0x22c: {  	[sflag:s15] =	ssyncset.done $0x0  }
0x22d: {  	s29 =	simm.s32 $0x16760;
	[sflag:s15] =	ssyncadd.s32 $0xFFFFF830  }
0x22e: {  	[tilespmem:s29], [sflag:$0x19] =	stream.indirect.gather [hbm4b:s7+s16], $0x1, s20, s16, $0xb8;
	[tilespmem:$0x1AE30] =	vst v63  }
0x22f: {  	s30 =	simm.s32 $0x16F30  }
0x230: {  	[tilespmem:s30], [sflag:$0x1A] =	stream.indirect.gather [hbm4b:s7+s16], $0x1, s5, s16, $0xb8;
	[tilespmem:$0x1AE30] =	vst v63  }
0x231: {  	s12 =	simm.s32 $0x17700  }
0x232: {  	[tilespmem:s12], [sflag:$0x1B] =	stream.indirect.gather [hbm4b:s8+s16], $0x1, s20, s16, $0xb8;
	[tilespmem:$0x1AE30] =	vst v63  }
0x233: {  	s23 =	simm.s32 $0x17ED0  }
0x234: {  	[tilespmem:s23], [sflag:$0x1C] =	stream.indirect.gather [hbm4b:s8+s16], $0x1, s5, s16, $0xb8;
	[tilespmem:$0x1AE30] =	vst v63  }
0x235: {  	s24 =	simm.s32 $0x186A0  }
0x236: {  	[tilespmem:s24], [sflag:$0x1D] =	stream.indirect.gather [hbm4b:s9+s16], $0x1, s20, s16, $0xb8;
	[tilespmem:$0x1AE30] =	vst v63  }
0x237: {  	s29 =	simm.s32 $0x18E70;
	s30 =	simm.s32 $0xD  }
0x238: {  	[tilespmem:s29], [sflag:$0x1E] =	stream.indirect.gather [hbm4b:s9+s16], $0x1, s5, s16, $0xb8;
	[tilespmem:$0x1AE30] =	vst v63  }
0x239: {  	_ =	swait.ge [sflag:s30], $0x7D0  }
0x23a: {  	[sflag:s30] =	ssyncset.done $0x0  }
0x23b: {  	s12 =	simm.s32 $0xE;
	[sflag:s30] =	ssyncadd.s32 $0xFFFFF830  }
0x23c: {  	_ =	swait.ge [sflag:s12], $0x7D0  }
0x23d: {  	[sflag:s12] =	ssyncset.done $0x0  }
0x23e: {  	s23 =	simm.s32 $0xF;
	[sflag:s12] =	ssyncadd.s32 $0xFFFFF830  }
0x23f: {  	_ =	swait.ge [sflag:s23], $0x7D0  }
0x240: {  	[sflag:s23] =	ssyncset.done $0x0  }
0x241: {  	s24 =	simm.s32 $0x10;
	[sflag:s23] =	ssyncadd.s32 $0xFFFFF830  }
0x242: {  	_ =	swait.ge [sflag:s24], $0x7D0  }
0x243: {  	[sflag:s24] =	ssyncset.done $0x0  }
0x244: {  	s29 =	simm.s32 $0x11;
	[sflag:s24] =	ssyncadd.s32 $0xFFFFF830  }
0x245: {  	_ =	swait.ge [sflag:s29], $0x7D0  }
0x246: {  	[sflag:s29] =	ssyncset.done $0x0  }
0x247: {  	s30 =	simm.s32 $0x12;
	[sflag:s29] =	ssyncadd.s32 $0xFFFFF830  }
0x248: {  	_ =	swait.ge [sflag:s30], $0x7D0  }
0x249: {  	[sflag:s30] =	ssyncset.done $0x0  }
0x24a: {  	s1 =	simm.s32 $0x0;
	[sflag:s30] =	ssyncadd.s32 $0xFFFFF830  }
0x24b: {  	v7 =	vld [tilespmem:s1+$0xE290]  }
0x24c: {  	v8 =	vld [tilespmem:s1+$0xC350]  }
0x24d: {  	v9 =	vld [tilespmem:s1+$0xBB80]  }
0x24e: {  	v10 =	vld [tilespmem:s1+$0xD2F0]  }
0x24f: {  	v11 =	vld [tilespmem:s1+$0xCB20]  }
0x250: {  	v12 =	vld [tilespmem:s1+$0xDAC0];
	_ =	sdelay $0x3  }
0x251: {  	v8 =	vsub.f32 v8, v9;
	v9 =	vsub.f32 v10, v11  }
0x252: {  	v7 =	vsub.f32 v7, v12  }
0x253: {  	v10 =	vmul.f32 v8, v3;
	v11 =	vmul.f32 v9, v4  }
0x254: {  	v12 =	vmul.f32 v7, v5  }
0x255: {  	v10 =	vadd.f32 $1.258291200e+07, v10;
	v11 =	vadd.f32 $1.258291200e+07, v11  }
0x256: {  	v12 =	vadd.f32 $1.258291200e+07, v12  }
0x257: {  	v10 =	vadd.f32 $-1.258291200e+07, v10;
	v11 =	vadd.f32 $-1.258291200e+07, v11;
	_ =	sdelay $0x1  }
0x258: {  	v12 =	vadd.f32 $-1.258291200e+07, v12;
	v10 =	vmul.f32 v10, v0;
	v11 =	vmul.f32 v11, v1;
	_ =	sdelay $0x1  }
0x259: {  	v8 =	vsub.f32 v8, v10;
	v10 =	vmul.f32 v12, v2;
	v9 =	vsub.f32 v9, v11;
	_ =	sdelay $0x1  }
0x25a: {  	v8 =	vmul.f32 v8, v8;
	v7 =	vsub.f32 v7, v10;
	v9 =	vmul.f32 v9, v9  }
0x25b: {  	s24 =	simm.s32 $0x10  }
0x25c: {  	v15 =	vld [tilespmem:s24+$0xDAC0];
	v8 =	vadd.f32 v9, v8;
	v7 =	vmul.f32 v7, v7  }
0x25d: {  	v11 =	vld [tilespmem:s24+$0xBB80]  }
0x25e: {  	v12 =	vld [tilespmem:s24+$0xCB20];
	v7 =	vadd.f32 v7, v8  }
0x25f: {  	v9 =	vld [tilespmem:s24+$0xC350]  }
0x260: {  	v8 =	vld [tilespmem:s24+$0xD2F0];
	v13 =	vshra.s32 v7, $0x1;
	v14 =	vmul.f32 $5.000000000e-01, v7  }
0x261: {  	v10 =	vld [tilespmem:s24+$0xE290];
	v13 =	vsub.s32 $0x5F3759DF, v13  }
0x262: {  	v16 =	vmul.f32 v13, v14;
	_ =	sdelay $0x1  }
0x263: {  	v16 =	vmul.f32 v13, v16  }
0x264: {  	v9 =	vsub.f32 v9, v11;
	v8 =	vsub.f32 v8, v12  }
0x265: {  	v10 =	vsub.f32 v10, v15;
	v11 =	vsub.f32 $1.500000000e+00, v16  }
0x266: {  	v12 =	vmul.f32 v9, v3;
	v15 =	vmul.f32 v8, v4  }
0x267: {  	v16 =	vmul.f32 v10, v5;
	v11 =	vmul.f32 v13, v11  }
0x268: {  	v12 =	vadd.f32 $1.258291200e+07, v12;
	v13 =	vadd.f32 $1.258291200e+07, v15  }
0x269: {  	v15 =	vadd.f32 $1.258291200e+07, v16;
	v16 =	vmul.f32 v11, v14  }
0x26a: {  	v12 =	vadd.f32 $-1.258291200e+07, v12;
	v13 =	vadd.f32 $-1.258291200e+07, v13  }
0x26b: {  	v16 =	vmul.f32 v16, v11  }
0x26c: {  	v12 =	vmul.f32 v12, v0;
	v15 =	vadd.f32 $-1.258291200e+07, v15;
	v13 =	vmul.f32 v13, v1  }
0x26d: {  	v16 =	vsub.f32 $1.500000000e+00, v16  }
0x26e: {  	v9 =	vsub.f32 v9, v12;
	v12 =	vmul.f32 v15, v2;
	v8 =	vsub.f32 v8, v13  }
0x26f: {  	v11 =	vmul.f32 v16, v11  }
0x270: {  	v9 =	vmul.f32 v9, v9;
	v10 =	vsub.f32 v10, v12;
	v8 =	vmul.f32 v8, v8  }
0x271: {  	v12 =	vmul.f32 v11, v14  }
0x272: {  	s23 =	simm.s32 $0x20;
	v17 =	vld [tilespmem:s1+$0xF230];
	v8 =	vadd.f32 v8, v9;
	v9 =	vmul.f32 v10, v10  }
0x273: {  	v18 =	vld [tilespmem:s23+$0xCB20];
	v12 =	vmul.f32 v12, v11  }
0x274: {  	v10 =	vld [tilespmem:s23+$0xC350];
	v8 =	vadd.f32 v9, v8  }
0x275: {  	v14 =	vld [tilespmem:s23+$0xBB80];
	v9 =	vsub.f32 $1.500000000e+00, v12  }
0x276: {  	v15 =	vld [tilespmem:s23+$0xD2F0];
	v12 =	vshra.s32 v8, $0x1;
	v16 =	vmul.f32 $5.000000000e-01, v8  }
0x277: {  	v13 =	vld [tilespmem:s23+$0xE290];
	v9 =	vmul.f32 v9, v11;
	v11 =	vsub.s32 $0x5F3759DF, v12  }
0x278: {  	v12 =	vld [tilespmem:s23+$0xDAC0];
	v19 =	vmul.f32 v11, v16  }
0x279: {  	v7 =	vmul.f32 v9, v7  }
0x27a: {  	v10 =	vsub.f32 v10, v14;
	v14 =	vmul.f32 v11, v19  }
0x27b: {  	v9 =	vmul.f32 v7, v17  }
0x27c: {  	v15 =	vsub.f32 v15, v18;
	v17 =	vmul.f32 v10, v3;
	v14 =	vsub.f32 $1.500000000e+00, v14  }
0x27d: {  	v12 =	vsub.f32 v13, v12;
	v13 =	vmul.f32 $1.666666720e-01, v9  }
0x27e: {  	v18 =	vmul.f32 v15, v4;
	v17 =	vadd.f32 $1.258291200e+07, v17;
	v11 =	vmul.f32 v11, v14  }
0x27f: {  	v19 =	vmul.f32 $2.000000030e-01, v9;
	v14 =	vmul.f32 v12, v5;
	v13 =	vadd.f32 $1.000000000e+00, v13  }
0x280: {  	v18 =	vadd.f32 $1.258291200e+07, v18;
	v17 =	vadd.f32 $-1.258291200e+07, v17;
	v20 =	vmul.f32 v11, v16  }
0x281: {  	v14 =	vadd.f32 $1.258291200e+07, v14;
	v13 =	vmul.f32 v13, v19  }
0x282: {  	s12 =	simm.s32 $0x30;
	v18 =	vadd.f32 $-1.258291200e+07, v18;
	v17 =	vmul.f32 v17, v0;
	v19 =	vmul.f32 v20, v11  }
0x283: {  	v21 =	vmul.f32 $2.500000000e-01, v9;
	v14 =	vadd.f32 $-1.258291200e+07, v14;
	v20 =	vld [tilespmem:s12+$0xE290];
	v13 =	vadd.f32 $1.000000000e+00, v13  }
0x284: {  	v10 =	vsub.f32 v10, v17;
	v17 =	vmul.f32 v18, v1;
	v18 =	vld [tilespmem:s12+$0xDAC0];
	v19 =	vsub.f32 $1.500000000e+00, v19  }
0x285: {  	v14 =	vmul.f32 v14, v2;
	v13 =	vmul.f32 v13, v21  }
0x286: {  	v21 =	vmul.f32 v10, v10;
	v10 =	vsub.f32 v15, v17;
	v22 =	vmul.f32 v19, v11  }
0x287: {  	v15 =	vsub.f32 $0.0e+00, v9;
	v11 =	vmul.f32 $3.333333430e-01, v9;
	v13 =	vadd.f32 $1.000000000e+00, v13  }
0x288: {  	v12 =	vsub.f32 v12, v14;
	v14 =	vmul.f32 v10, v10;
	v16 =	vmul.f32 v22, v16  }
0x289: {  	v10 =	vsub.f32 v20, v18;
	v11 =	vmul.f32 v13, v11;
	v13 =	vmul.f32 $1.442695020e+00, v15  }
0x28a: {  	v17 =	vld [tilespmem:s12+$0xBB80];
	v12 =	vmul.f32 v12, v12;
	v14 =	vadd.f32 v14, v21;
	v16 =	vmul.f32 v16, v22  }
0x28b: {  	v18 =	vmul.f32 $5.000000000e-01, v9;
	v15 =	vld [tilespmem:s12+$0xC350];
	v11 =	vadd.f32 $1.000000000e+00, v11;
	(erf) = vpow2.f32 v13  }
0x28c: {  	v19 =	vld [tilespmem:s12+$0xCB20];
	v13 =	vmul.f32 v10, v5;
	v12 =	vadd.f32 v12, v14;
	v14 =	vsub.f32 $1.500000000e+00, v16  }
0x28d: {  	v16 =	vld [tilespmem:s12+$0xD2F0];
	v21 =	vmul.f32 v11, v18;
	v18 =	vmul.f32 v7, v7  }
0x28e: {  	v20 =	vld [tilespmem:s24+$0xF230];
	v23 =	vshra.s32 v12, $0x1;
	v11 =	vmul.f32 $5.000000000e-01, v12;
	v22 =	vmul.f32 v14, v22  }
0x28f: {  	s28 =	simm.s32 $0x100;
	v14 =	vsub.s32 $0x5F3759DF, v23;
	v23 =	vadd.f32 $1.000000000e+00, v21;
	v21 =	vmul.f32 v18, v18  }
.LBB2_7:
0x290: {  	p0 =	sne.s32 s28, $0x1F00;
	v15 =	vsub.f32 v15, v17;
	v17 =	vmul.f32 v14, v11;
	v22 =	vmul.f32 v22, v8;
	v8 =	vmovc v12  }
0x291: {  	v12 =	vmul.f32 v23, v9;
	v18 =	vmul.f32 v21, v18  }
0x292: {  	v16 =	vsub.f32 v16, v19;
	v19 =	vmul.f32 v15, v3;
	v17 =	vmul.f32 v14, v17  }
0x293: {  	v9 =	vmul.f32 v22, v20;
	v12 =	vadd.f32 $1.000000000e+00, v12;
	(erf) = vrcp.f32 v18  }
0x294: {  	v18 =	vadd.f32 $1.258291200e+07, v19;
	v19 =	vmul.f32 v16, v4;
	v17 =	vsub.f32 $1.500000000e+00, v17;
	v20 =	vld [tilespmem:s1+$0xEA60];
	v21 =	vpop (erf)  }
0x295: {  	v13 =	vadd.f32 $1.258291200e+07, v13;
	v23 =	vmul.f32 $1.666666720e-01, v9;
	v12 =	vmul.f32 v12, v21  }
0x296: {  	v18 =	vadd.f32 $-1.258291200e+07, v18;
	v19 =	vadd.f32 $1.258291200e+07, v19;
	v14 =	vmul.f32 v14, v17  }
0x297: {  	v21 =	vmul.f32 $2.000000030e-01, v9;
	v17 =	vadd.f32 $1.000000000e+00, v23;
	v12 =	vsub.f32 $1.000000000e+00, v12  }
0x298: {  	v19 =	vadd.f32 $-1.258291200e+07, v19;
	v18 =	vmul.f32 v18, v0;
	v23 =	vmul.f32 v14, v11  }
0x299: {  	v13 =	vadd.f32 $-1.258291200e+07, v13;
	v17 =	vmul.f32 v17, v21;
	v12 =	vmul.f32 v12, v20  }
0x29a: {  	s29 =	sshra.s32 s28, $0x2;
	v15 =	vsub.f32 v15, v18;
	v18 =	vmul.f32 v19, v1;
	v25 =	vmul.f32 v23, v14  }
0x29b: {  	v21 =	vmul.f32 $2.500000000e-01, v9;
	v20 =	vld [tilespmem:s29+$0xE290];
	v17 =	vadd.f32 $1.000000000e+00, v17;
	v12 =	vsub.f32 $0.0e+00, v12  }
0x29c: {  	v13 =	vmul.f32 v13, v2;
	v23 =	vld [tilespmem:s29+$0xDAC0];
	v24 =	vmul.f32 v15, v15;
	v15 =	vsub.f32 $1.500000000e+00, v25;
	v19 =	vpop (erf)  }
0x29d: {  	v16 =	vsub.f32 v16, v18;
	v17 =	vmul.f32 v17, v21;
	v12 =	vmul.f32 v12, v19  }
0x29e: {  	vm0 =	vle.f32 v7, v6;
	v7 =	vmovc v22;
	v14 =	vmul.f32 v15, v14;
	v15 =	vmul.f32 $3.333333430e-01, v9  }
0x29f: {  	v18 =	vsub.f32 $0.0e+00, v9;
	v17 =	vadd.f32 $1.000000000e+00, v17;
	v12 =	vnsel vm0, $0x0, v12  }
0x2a0: {  	v13 =	vsub.f32 v10, v13;
	v16 =	vmul.f32 v16, v16;
	v11 =	vmul.f32 v14, v11;
	[tilespmem:s1+$0xFA00] =	vst v12;
	s1 =	smov.u32 s24;
	s24 =	smov.u32 s23;
	s23 =	smov.u32 s12  }
0x2a1: {  	v18 =	vmul.f32 $1.442695020e+00, v18;
	s12 =	smov.u32 s29;
	v10 =	vsub.f32 v20, v23;
	v12 =	vmul.f32 v17, v15  }
0x2a2: {  	v19 =	vadd.f32 v16, v24;
	v20 =	vmul.f32 v13, v13;
	v15 =	vld [tilespmem:s12+$0xC350];
	v11 =	vmul.f32 v11, v14  }
.Ltmp2:
0x2a3: {  	v23 =	vmul.f32 $5.000000000e-01, v9;
	v17 =	vld [tilespmem:s12+$0xBB80];
	v21 =	vadd.f32 $1.000000000e+00, v12;
	(erf) = vpow2.f32 v18;
	(pc) =	sbr.rel @p0 .LBB2_7-.Ltmp2, $4  }
0x2a4: {  	v13 =	vmul.f32 v10, v5;
	v12 =	vadd.f32 v20, v19;
	v16 =	vld [tilespmem:s12+$0xD2F0];
	v20 =	vsub.f32 $1.500000000e+00, v11  }
0x2a5: {  	v18 =	vmul.f32 v22, v7;
	v19 =	vld [tilespmem:s12+$0xCB20];
	v21 =	vmul.f32 v21, v23  }
0x2a6: {  	v23 =	vshra.s32 v12, $0x1;
	v11 =	vmul.f32 $5.000000000e-01, v12;
	v22 =	vmul.f32 v20, v14;
	v20 =	vld [tilespmem:s24+$0xF230]  }
0x2a7: {  	s28 =	sadd.s32 $0x40, s28;
	v14 =	vsub.s32 $0x5F3759DF, v23;
	v23 =	vadd.f32 $1.000000000e+00, v21;
	v21 =	vmul.f32 v18, v18  }
0x2a8: {  	_ = 	snop  }
0x2a9: {  	v15 =	vsub.f32 v15, v17;
	v8 =	vmul.f32 v22, v8  }
0x2aa: {  	v16 =	vsub.f32 v16, v19  }
0x2ab: {  	v17 =	vmul.f32 v15, v3;
	v19 =	vmul.f32 v8, v20  }
0x2ac: {  	v13 =	vadd.f32 $1.258291200e+07, v13;
	v22 =	vmul.f32 v16, v4  }
0x2ad: {  	v9 =	vmul.f32 v23, v9;
	v17 =	vadd.f32 $1.258291200e+07, v17;
	v23 =	vmul.f32 $1.666666720e-01, v19  }
0x2ae: {  	v18 =	vmul.f32 v21, v18;
	v20 =	vmul.f32 v14, v11;
	v21 =	vadd.f32 $1.258291200e+07, v22  }
0x2af: {  	v17 =	vadd.f32 $-1.258291200e+07, v17;
	v22 =	vadd.f32 $1.000000000e+00, v23;
	v23 =	vmul.f32 $2.000000030e-01, v19  }
0x2b0: {  	(erf) = vrcp.f32 v18;
	v20 =	vmul.f32 v14, v20;
	v18 =	vadd.f32 $-1.258291200e+07, v21  }
0x2b1: {  	v13 =	vadd.f32 $-1.258291200e+07, v13;
	v17 =	vmul.f32 v17, v0;
	v21 =	vmul.f32 v22, v23  }
0x2b2: {  	v9 =	vadd.f32 $1.000000000e+00, v9;
	v20 =	vsub.f32 $1.500000000e+00, v20;
	v18 =	vmul.f32 v18, v1  }
0x2b3: {  	v15 =	vsub.f32 v15, v17;
	v17 =	vadd.f32 $1.000000000e+00, v21;
	v21 =	vmul.f32 $2.500000000e-01, v19  }
0x2b4: {  	v13 =	vmul.f32 v13, v2;
	v14 =	vmul.f32 v14, v20;
	v22 =	vpop (erf);
	v16 =	vsub.f32 v16, v18  }
0x2b5: {  	v9 =	vmul.f32 v9, v22;
	v18 =	vld [tilespmem:s1+$0xEA60];
	v17 =	vmul.f32 v17, v21  }
0x2b6: {  	v10 =	vsub.f32 v10, v13;
	v15 =	vmul.f32 v15, v15;
	v13 =	vmul.f32 v16, v16  }
0x2b7: {  	v20 =	vmul.f32 $3.333333430e-01, v19;
	v16 =	vmul.f32 v14, v11;
	v17 =	vadd.f32 $1.000000000e+00, v17  }
0x2b8: {  	v10 =	vmul.f32 v10, v10;
	v9 =	vsub.f32 $1.000000000e+00, v9;
	v13 =	vadd.f32 v13, v15  }
0x2b9: {  	v15 =	vmul.f32 v16, v14;
	v16 =	vsub.f32 $0.0e+00, v19;
	v17 =	vmul.f32 v17, v20  }
0x2ba: {  	v9 =	vmul.f32 v9, v18;
	v20 =	vmul.f32 $5.000000000e-01, v19  }
0x2bb: {  	v10 =	vadd.f32 v10, v13;
	v13 =	vsub.f32 $1.500000000e+00, v15;
	v15 =	vmul.f32 $1.442695020e+00, v16  }
0x2bc: {  	v16 =	vadd.f32 $1.000000000e+00, v17;
	v9 =	vsub.f32 $0.0e+00, v9  }
0x2bd: {  	v17 =	vshra.s32 v10, $0x1;
	v18 =	vmul.f32 $5.000000000e-01, v10;
	(erf) = vpow2.f32 v15  }
0x2be: {  	v13 =	vmul.f32 v13, v14;
	v15 =	vsub.s32 $0x5F3759DF, v17;
	v16 =	vmul.f32 v16, v20  }
0x2bf: {  	v17 =	vmul.f32 v8, v8;
	v20 =	vpop (erf);
	v14 =	vmul.f32 v15, v18  }
0x2c0: {  	v11 =	vmul.f32 v13, v11;
	v9 =	vmul.f32 v9, v20  }
0x2c1: {  	v16 =	vadd.f32 $1.000000000e+00, v16;
	v20 =	vmul.f32 v17, v17;
	v14 =	vmul.f32 v15, v14  }
0x2c2: {  	vm0 =	vle.f32 v7, v6;
	v7 =	vmul.f32 v11, v13  }
0x2c3: {  	v11 =	vsub.f32 $1.500000000e+00, v14;
	v14 =	vmul.f32 v16, v19;
	v16 =	vmul.f32 v20, v17  }
0x2c4: {  	v9 =	vnsel vm0, $0x0, v9  }
0x2c5: {  	[tilespmem:s1+$0xFA00] =	vst v9;
	v9 =	vmul.f32 v15, v11  }
0x2c6: {  	v7 =	vsub.f32 $1.500000000e+00, v7;
	v11 =	vld [tilespmem:s23+$0xF230];
	v14 =	vadd.f32 $1.000000000e+00, v14;
	(erf) = vrcp.f32 v16  }
0x2c7: {  	v15 =	vld [tilespmem:s24+$0xEA60];
	v16 =	vpop (erf);
	v17 =	vmul.f32 v9, v18  }
0x2c8: {  	v7 =	vmul.f32 v7, v13;
	v13 =	vmul.f32 v14, v16  }
0x2c9: {  	v14 =	vmul.f32 v17, v9  }
0x2ca: {  	v7 =	vmul.f32 v7, v12;
	v12 =	vsub.f32 $1.000000000e+00, v13  }
0x2cb: {  	v13 =	vsub.f32 $1.500000000e+00, v14  }
0x2cc: {  	v11 =	vmul.f32 v7, v11;
	v12 =	vmul.f32 v12, v15  }
0x2cd: {  	v9 =	vmul.f32 v13, v9  }
0x2ce: {  	v13 =	vmul.f32 $1.666666720e-01, v11;
	v12 =	vsub.f32 $0.0e+00, v12  }
0x2cf: {  	v14 =	vpop (erf);
	v15 =	vmul.f32 v9, v18  }
0x2d0: {  	v16 =	vmul.f32 $2.000000030e-01, v11;
	v13 =	vadd.f32 $1.000000000e+00, v13;
	v12 =	vmul.f32 v12, v14  }
0x2d1: {  	vm13 =	vle.f32 v8, v6;
	v8 =	vmul.f32 v15, v9  }
0x2d2: {  	v13 =	vmul.f32 v13, v16;
	v12 =	vnsel vm13, $0x0, v12  }
0x2d3: {  	[tilespmem:s24+$0xFA00] =	vst v12;
	v8 =	vsub.f32 $1.500000000e+00, v8  }
0x2d4: {  	v12 =	vadd.f32 $1.000000000e+00, v13;
	v13 =	vmul.f32 $2.500000000e-01, v11;
	v14 =	vld [tilespmem:s12+$0xF230]  }
0x2d5: {  	v8 =	vmul.f32 v8, v9  }
0x2d6: {  	v9 =	vmul.f32 v12, v13  }
0x2d7: {  	v8 =	vmul.f32 v8, v10  }
0x2d8: {  	v12 =	vsub.f32 $0.0e+00, v11;
	v10 =	vmul.f32 $3.333333430e-01, v11;
	v9 =	vadd.f32 $1.000000000e+00, v9  }
0x2d9: {  	v13 =	vmul.f32 v8, v14  }
0x2da: {  	v9 =	vmul.f32 v9, v10;
	v10 =	vmul.f32 $1.442695020e+00, v12  }
0x2db: {  	v12 =	vmul.f32 $1.666666720e-01, v13  }
0x2dc: {  	v14 =	vmul.f32 $5.000000000e-01, v11;
	v9 =	vadd.f32 $1.000000000e+00, v9;
	(erf) = vpow2.f32 v10  }
0x2dd: {  	v10 =	vadd.f32 $1.000000000e+00, v12;
	v12 =	vmul.f32 $2.000000030e-01, v13  }
0x2de: {  	v9 =	vmul.f32 v9, v14;
	v14 =	vmul.f32 v7, v7  }
0x2df: {  	v10 =	vmul.f32 v10, v12  }
0x2e0: {  	v9 =	vadd.f32 $1.000000000e+00, v9;
	v12 =	vmul.f32 v14, v14  }
0x2e1: {  	v15 =	vmul.f32 $2.500000000e-01, v13;
	v10 =	vadd.f32 $1.000000000e+00, v10  }
0x2e2: {  	v9 =	vmul.f32 v9, v11;
	v11 =	vmul.f32 v12, v14  }
0x2e3: {  	v10 =	vmul.f32 v10, v15  }
0x2e4: {  	v9 =	vadd.f32 $1.000000000e+00, v9;
	(erf) = vrcp.f32 v11  }
0x2e5: {  	v14 =	vmul.f32 $3.333333430e-01, v13;
	v11 =	vld [tilespmem:s23+$0xEA60];
	v12 =	vpop (erf);
	v10 =	vadd.f32 $1.000000000e+00, v10  }
0x2e6: {  	v15 =	vsub.f32 $0.0e+00, v13;
	v9 =	vmul.f32 v9, v12  }
0x2e7: {  	v10 =	vmul.f32 v10, v14  }
0x2e8: {  	v12 =	vmul.f32 $1.442695020e+00, v15;
	v9 =	vsub.f32 $1.000000000e+00, v9  }
0x2e9: {  	v14 =	vmul.f32 $5.000000000e-01, v13;
	v10 =	vadd.f32 $1.000000000e+00, v10  }
0x2ea: {  	(erf) = vpow2.f32 v12;
	v9 =	vmul.f32 v9, v11  }
0x2eb: {  	v11 =	vmul.f32 v8, v8;
	v10 =	vmul.f32 v10, v14  }
0x2ec: {  	v9 =	vsub.f32 $0.0e+00, v9  }
0x2ed: {  	v14 =	vmul.f32 v11, v11;
	v12 =	vpop (erf);
	v10 =	vadd.f32 $1.000000000e+00, v10  }
0x2ee: {  	v9 =	vmul.f32 v9, v12  }
0x2ef: {  	vm14 =	vle.f32 v7, v6;
	v7 =	vmul.f32 v10, v13;
	v10 =	vmul.f32 v14, v11;
	_ =	sdelay $0x1  }
0x2f0: {  	v9 =	vnsel vm14, $0x0, v9  }
0x2f1: {  	[tilespmem:s23+$0xFA00] =	vst v9;
	v7 =	vadd.f32 $1.000000000e+00, v7;
	(erf) = vrcp.f32 v10  }
0x2f2: {  	v9 =	vld [tilespmem:s12+$0xEA60];
	v10 =	vpop (erf)  }
0x2f3: {  	v7 =	vmul.f32 v7, v10;
	_ =	sdelay $0x1  }
0x2f4: {  	v7 =	vsub.f32 $1.000000000e+00, v7;
	_ =	sdelay $0x1  }
0x2f5: {  	v7 =	vmul.f32 v7, v9;
	_ =	sdelay $0x1  }
0x2f6: {  	v7 =	vsub.f32 $0.0e+00, v7  }
0x2f7: {  	v9 =	vpop (erf)  }
0x2f8: {  	v7 =	vmul.f32 v7, v9  }
0x2f9: {  	vm15 =	vle.f32 v8, v6  }
0x2fa: {  	v7 =	vnsel vm15, $0x0, v7  }
0x2fb: {  	s28 =	sadd.s32 s4, s14;
	s29 =	simm.s32 $0x0;
	s30 =	simm.s32 $0xFA00;
	[tilespmem:s12+$0xFA00] =	vst v7  }
0x2fc: {  	[hbm4b:s28+s29] =	stream.linear.scatter [tilespmem:s30], [sflag:$0x1F], $0x7D0, $0x38;
	[tilespmem:$0x1AE30] =	vst v63  }
0x2fd: {  	_ =	swait.ge [sflag:s15], $0x7D0  }
0x2fe: {  	[sflag:s15] =	ssyncset.done $0x0  }
0x2ff: {  	s14 =	simm.s32 $0x13;
	[sflag:s15] =	ssyncadd.s32 $0xFFFFF830  }
0x300: {  	_ =	swait.ge [sflag:s14], $0x7D0  }
0x301: {  	[sflag:s14] =	ssyncset.done $0x0  }
0x302: {  	s23 =	simm.s32 $0x14;
	[sflag:s14] =	ssyncadd.s32 $0xFFFFF830  }
0x303: {  	_ =	swait.ge [sflag:s23], $0x7D0  }
0x304: {  	[sflag:s23] =	ssyncset.done $0x0  }
0x305: {  	s24 =	simm.s32 $0x15;
	[sflag:s23] =	ssyncadd.s32 $0xFFFFF830  }
0x306: {  	_ =	swait.ge [sflag:s24], $0x7D0  }
0x307: {  	[sflag:s24] =	ssyncset.done $0x0  }
0x308: {  	s28 =	simm.s32 $0x16;
	[sflag:s24] =	ssyncadd.s32 $0xFFFFF830  }
0x309: {  	_ =	swait.ge [sflag:s28], $0x7D0  }
0x30a: {  	[sflag:s28] =	ssyncset.done $0x0  }
0x30b: {  	s29 =	simm.s32 $0x17;
	[sflag:s28] =	ssyncadd.s32 $0xFFFFF830  }
0x30c: {  	_ =	swait.ge [sflag:s29], $0x7D0  }
0x30d: {  	[sflag:s29] =	ssyncset.done $0x0  }
0x30e: {  	s30 =	simm.s32 $0x18;
	[sflag:s29] =	ssyncadd.s32 $0xFFFFF830  }
0x30f: {  	_ =	swait.ge [sflag:s30], $0x7D0  }
0x310: {  	[sflag:s30] =	ssyncset.done $0x0  }
0x311: {  	s1 =	simm.s32 $0x0;
	[sflag:s30] =	ssyncadd.s32 $0xFFFFF830  }
0x312: {  	v7 =	vld [tilespmem:s1+$0x13880]  }
0x313: {  	v8 =	vld [tilespmem:s1+$0x11940]  }
0x314: {  	v9 =	vld [tilespmem:s1+$0x11170]  }
0x315: {  	v10 =	vld [tilespmem:s1+$0x128E0]  }
0x316: {  	v11 =	vld [tilespmem:s1+$0x12110]  }
0x317: {  	v12 =	vld [tilespmem:s1+$0x130B0];
	_ =	sdelay $0x3  }
0x318: {  	v8 =	vsub.f32 v8, v9;
	v9 =	vsub.f32 v10, v11  }
0x319: {  	v7 =	vsub.f32 v7, v12  }
0x31a: {  	v10 =	vmul.f32 v8, v3;
	v11 =	vmul.f32 v9, v4  }
0x31b: {  	v12 =	vmul.f32 v7, v5  }
0x31c: {  	v10 =	vadd.f32 $1.258291200e+07, v10;
	v11 =	vadd.f32 $1.258291200e+07, v11  }
0x31d: {  	v12 =	vadd.f32 $1.258291200e+07, v12  }
0x31e: {  	v10 =	vadd.f32 $-1.258291200e+07, v10;
	v11 =	vadd.f32 $-1.258291200e+07, v11;
	_ =	sdelay $0x1  }
0x31f: {  	v12 =	vadd.f32 $-1.258291200e+07, v12;
	v10 =	vmul.f32 v10, v0;
	v11 =	vmul.f32 v11, v1;
	_ =	sdelay $0x1  }
0x320: {  	v8 =	vsub.f32 v8, v10;
	v10 =	vmul.f32 v12, v2;
	v9 =	vsub.f32 v9, v11;
	_ =	sdelay $0x1  }
0x321: {  	v8 =	vmul.f32 v8, v8;
	v7 =	vsub.f32 v7, v10;
	v9 =	vmul.f32 v9, v9  }
0x322: {  	s23 =	simm.s32 $0x10  }
0x323: {  	v15 =	vld [tilespmem:s23+$0x130B0];
	v8 =	vadd.f32 v9, v8;
	v7 =	vmul.f32 v7, v7  }
0x324: {  	v11 =	vld [tilespmem:s23+$0x11170]  }
0x325: {  	v12 =	vld [tilespmem:s23+$0x12110];
	v7 =	vadd.f32 v7, v8  }
0x326: {  	v9 =	vld [tilespmem:s23+$0x11940]  }
0x327: {  	v8 =	vld [tilespmem:s23+$0x128E0];
	v13 =	vshra.s32 v7, $0x1;
	v14 =	vmul.f32 $5.000000000e-01, v7  }
0x328: {  	v10 =	vld [tilespmem:s23+$0x13880];
	v13 =	vsub.s32 $0x5F3759DF, v13  }
0x329: {  	v16 =	vmul.f32 v13, v14;
	_ =	sdelay $0x1  }
0x32a: {  	v16 =	vmul.f32 v13, v16  }
0x32b: {  	v9 =	vsub.f32 v9, v11;
	v8 =	vsub.f32 v8, v12  }
0x32c: {  	v10 =	vsub.f32 v10, v15;
	v11 =	vsub.f32 $1.500000000e+00, v16  }
0x32d: {  	v12 =	vmul.f32 v9, v3;
	v15 =	vmul.f32 v8, v4  }
0x32e: {  	v16 =	vmul.f32 v10, v5;
	v11 =	vmul.f32 v13, v11  }
0x32f: {  	v12 =	vadd.f32 $1.258291200e+07, v12;
	v13 =	vadd.f32 $1.258291200e+07, v15  }
0x330: {  	v15 =	vadd.f32 $1.258291200e+07, v16;
	v16 =	vmul.f32 v11, v14  }
0x331: {  	v12 =	vadd.f32 $-1.258291200e+07, v12;
	v13 =	vadd.f32 $-1.258291200e+07, v13  }
0x332: {  	v16 =	vmul.f32 v16, v11  }
0x333: {  	v12 =	vmul.f32 v12, v0;
	v15 =	vadd.f32 $-1.258291200e+07, v15;
	v13 =	vmul.f32 v13, v1  }
0x334: {  	v16 =	vsub.f32 $1.500000000e+00, v16  }
0x335: {  	v9 =	vsub.f32 v9, v12;
	v12 =	vmul.f32 v15, v2;
	v8 =	vsub.f32 v8, v13  }
0x336: {  	v11 =	vmul.f32 v16, v11  }
0x337: {  	v9 =	vmul.f32 v9, v9;
	v10 =	vsub.f32 v10, v12;
	v8 =	vmul.f32 v8, v8  }
0x338: {  	v12 =	vmul.f32 v11, v14  }
0x339: {  	s14 =	simm.s32 $0x20;
	v17 =	vld [tilespmem:s1+$0x14820];
	v8 =	vadd.f32 v8, v9;
	v9 =	vmul.f32 v10, v10  }
0x33a: {  	v18 =	vld [tilespmem:s14+$0x12110];
	v12 =	vmul.f32 v12, v11  }
0x33b: {  	v10 =	vld [tilespmem:s14+$0x11940];
	v8 =	vadd.f32 v9, v8  }
0x33c: {  	v14 =	vld [tilespmem:s14+$0x11170];
	v9 =	vsub.f32 $1.500000000e+00, v12  }
0x33d: {  	v15 =	vld [tilespmem:s14+$0x128E0];
	v12 =	vshra.s32 v8, $0x1;
	v16 =	vmul.f32 $5.000000000e-01, v8  }
0x33e: {  	v13 =	vld [tilespmem:s14+$0x13880];
	v9 =	vmul.f32 v9, v11;
	v11 =	vsub.s32 $0x5F3759DF, v12  }
0x33f: {  	v12 =	vld [tilespmem:s14+$0x130B0];
	v19 =	vmul.f32 v11, v16  }
0x340: {  	v7 =	vmul.f32 v9, v7  }
0x341: {  	v10 =	vsub.f32 v10, v14;
	v14 =	vmul.f32 v11, v19  }
0x342: {  	v9 =	vmul.f32 v7, v17  }
0x343: {  	v15 =	vsub.f32 v15, v18;
	v17 =	vmul.f32 v10, v3;
	v14 =	vsub.f32 $1.500000000e+00, v14  }
0x344: {  	v12 =	vsub.f32 v13, v12;
	v13 =	vmul.f32 $1.666666720e-01, v9  }
0x345: {  	v18 =	vmul.f32 v15, v4;
	v17 =	vadd.f32 $1.258291200e+07, v17;
	v11 =	vmul.f32 v11, v14  }
0x346: {  	v19 =	vmul.f32 $2.000000030e-01, v9;
	v14 =	vmul.f32 v12, v5;
	v13 =	vadd.f32 $1.000000000e+00, v13  }
0x347: {  	v18 =	vadd.f32 $1.258291200e+07, v18;
	v17 =	vadd.f32 $-1.258291200e+07, v17;
	v20 =	vmul.f32 v11, v16  }
0x348: {  	v14 =	vadd.f32 $1.258291200e+07, v14;
	v13 =	vmul.f32 v13, v19  }
0x349: {  	s12 =	simm.s32 $0x30;
	v18 =	vadd.f32 $-1.258291200e+07, v18;
	v17 =	vmul.f32 v17, v0;
	v19 =	vmul.f32 v20, v11  }
0x34a: {  	v21 =	vmul.f32 $2.500000000e-01, v9;
	v14 =	vadd.f32 $-1.258291200e+07, v14;
	v20 =	vld [tilespmem:s12+$0x13880];
	v13 =	vadd.f32 $1.000000000e+00, v13  }
0x34b: {  	v10 =	vsub.f32 v10, v17;
	v17 =	vmul.f32 v18, v1;
	v18 =	vld [tilespmem:s12+$0x130B0];
	v19 =	vsub.f32 $1.500000000e+00, v19  }
0x34c: {  	v14 =	vmul.f32 v14, v2;
	v13 =	vmul.f32 v13, v21  }
0x34d: {  	v21 =	vmul.f32 v10, v10;
	v10 =	vsub.f32 v15, v17;
	v22 =	vmul.f32 v19, v11  }
0x34e: {  	v15 =	vsub.f32 $0.0e+00, v9;
	v11 =	vmul.f32 $3.333333430e-01, v9;
	v13 =	vadd.f32 $1.000000000e+00, v13  }
0x34f: {  	v12 =	vsub.f32 v12, v14;
	v14 =	vmul.f32 v10, v10;
	v16 =	vmul.f32 v22, v16  }
0x350: {  	v10 =	vsub.f32 v20, v18;
	v11 =	vmul.f32 v13, v11;
	v13 =	vmul.f32 $1.442695020e+00, v15  }
0x351: {  	v17 =	vld [tilespmem:s12+$0x11170];
	v12 =	vmul.f32 v12, v12;
	v14 =	vadd.f32 v14, v21;
	v16 =	vmul.f32 v16, v22  }
0x352: {  	v18 =	vmul.f32 $5.000000000e-01, v9;
	v15 =	vld [tilespmem:s12+$0x11940];
	v11 =	vadd.f32 $1.000000000e+00, v11;
	(erf) = vpow2.f32 v13  }
0x353: {  	v19 =	vld [tilespmem:s12+$0x12110];
	v13 =	vmul.f32 v10, v5;
	v12 =	vadd.f32 v12, v14;
	v14 =	vsub.f32 $1.500000000e+00, v16  }
0x354: {  	v16 =	vld [tilespmem:s12+$0x128E0];
	v21 =	vmul.f32 v11, v18;
	v18 =	vmul.f32 v7, v7  }
0x355: {  	v20 =	vld [tilespmem:s23+$0x14820];
	v23 =	vshra.s32 v12, $0x1;
	v11 =	vmul.f32 $5.000000000e-01, v12;
	v22 =	vmul.f32 v14, v22  }
0x356: {  	s24 =	simm.s32 $0x100;
	v14 =	vsub.s32 $0x5F3759DF, v23;
	v23 =	vadd.f32 $1.000000000e+00, v21;
	v21 =	vmul.f32 v18, v18  }
.LBB2_9:
0x357: {  	p0 =	sne.s32 s24, $0x1F00;
	v15 =	vsub.f32 v15, v17;
	v17 =	vmul.f32 v14, v11;
	v22 =	vmul.f32 v22, v8;
	v8 =	vmovc v12  }
0x358: {  	v12 =	vmul.f32 v23, v9;
	v18 =	vmul.f32 v21, v18  }
0x359: {  	v16 =	vsub.f32 v16, v19;
	v19 =	vmul.f32 v15, v3;
	v17 =	vmul.f32 v14, v17  }
0x35a: {  	v9 =	vmul.f32 v22, v20;
	v12 =	vadd.f32 $1.000000000e+00, v12;
	(erf) = vrcp.f32 v18  }
0x35b: {  	v18 =	vadd.f32 $1.258291200e+07, v19;
	v19 =	vmul.f32 v16, v4;
	v17 =	vsub.f32 $1.500000000e+00, v17;
	v20 =	vld [tilespmem:s1+$0x14050];
	v21 =	vpop (erf)  }
0x35c: {  	v13 =	vadd.f32 $1.258291200e+07, v13;
	v23 =	vmul.f32 $1.666666720e-01, v9;
	v12 =	vmul.f32 v12, v21  }
0x35d: {  	v18 =	vadd.f32 $-1.258291200e+07, v18;
	v19 =	vadd.f32 $1.258291200e+07, v19;
	v14 =	vmul.f32 v14, v17  }
0x35e: {  	v21 =	vmul.f32 $2.000000030e-01, v9;
	v17 =	vadd.f32 $1.000000000e+00, v23;
	v12 =	vsub.f32 $1.000000000e+00, v12  }
0x35f: {  	v19 =	vadd.f32 $-1.258291200e+07, v19;
	v18 =	vmul.f32 v18, v0;
	v23 =	vmul.f32 v14, v11  }
0x360: {  	v13 =	vadd.f32 $-1.258291200e+07, v13;
	v17 =	vmul.f32 v17, v21;
	v12 =	vmul.f32 v12, v20  }
0x361: {  	s28 =	sshra.s32 s24, $0x2;
	v15 =	vsub.f32 v15, v18;
	v18 =	vmul.f32 v19, v1;
	v25 =	vmul.f32 v23, v14  }
0x362: {  	v21 =	vmul.f32 $2.500000000e-01, v9;
	v20 =	vld [tilespmem:s28+$0x13880];
	v17 =	vadd.f32 $1.000000000e+00, v17;
	v12 =	vsub.f32 $0.0e+00, v12  }
0x363: {  	v13 =	vmul.f32 v13, v2;
	v23 =	vld [tilespmem:s28+$0x130B0];
	v24 =	vmul.f32 v15, v15;
	v15 =	vsub.f32 $1.500000000e+00, v25;
	v19 =	vpop (erf)  }
0x364: {  	v16 =	vsub.f32 v16, v18;
	v17 =	vmul.f32 v17, v21;
	v12 =	vmul.f32 v12, v19  }
0x365: {  	vm0 =	vle.f32 v7, v6;
	v7 =	vmovc v22;
	v14 =	vmul.f32 v15, v14;
	v15 =	vmul.f32 $3.333333430e-01, v9  }
0x366: {  	v18 =	vsub.f32 $0.0e+00, v9;
	v17 =	vadd.f32 $1.000000000e+00, v17;
	v12 =	vnsel vm0, $0x0, v12  }
0x367: {  	v13 =	vsub.f32 v10, v13;
	v16 =	vmul.f32 v16, v16;
	v11 =	vmul.f32 v14, v11;
	[tilespmem:s1+$0x14FF0] =	vst v12;
	s1 =	smov.u32 s23;
	s23 =	smov.u32 s14;
	s14 =	smov.u32 s12  }
0x368: {  	v18 =	vmul.f32 $1.442695020e+00, v18;
	s12 =	smov.u32 s28;
	v10 =	vsub.f32 v20, v23;
	v12 =	vmul.f32 v17, v15  }
0x369: {  	v19 =	vadd.f32 v16, v24;
	v20 =	vmul.f32 v13, v13;
	v15 =	vld [tilespmem:s12+$0x11940];
	v11 =	vmul.f32 v11, v14  }
.Ltmp3:
0x36a: {  	v23 =	vmul.f32 $5.000000000e-01, v9;
	v17 =	vld [tilespmem:s12+$0x11170];
	v21 =	vadd.f32 $1.000000000e+00, v12;
	(erf) = vpow2.f32 v18;
	(pc) =	sbr.rel @p0 .LBB2_9-.Ltmp3, $4  }
0x36b: {  	v13 =	vmul.f32 v10, v5;
	v12 =	vadd.f32 v20, v19;
	v16 =	vld [tilespmem:s12+$0x128E0];
	v20 =	vsub.f32 $1.500000000e+00, v11  }
0x36c: {  	v18 =	vmul.f32 v22, v7;
	v19 =	vld [tilespmem:s12+$0x12110];
	v21 =	vmul.f32 v21, v23  }
0x36d: {  	v23 =	vshra.s32 v12, $0x1;
	v11 =	vmul.f32 $5.000000000e-01, v12;
	v22 =	vmul.f32 v20, v14;
	v20 =	vld [tilespmem:s23+$0x14820]  }
0x36e: {  	s24 =	sadd.s32 $0x40, s24;
	v14 =	vsub.s32 $0x5F3759DF, v23;
	v23 =	vadd.f32 $1.000000000e+00, v21;
	v21 =	vmul.f32 v18, v18  }
0x36f: {  	_ = 	snop  }
0x370: {  	v15 =	vsub.f32 v15, v17;
	v8 =	vmul.f32 v22, v8  }
0x371: {  	v16 =	vsub.f32 v16, v19  }
0x372: {  	v17 =	vmul.f32 v15, v3;
	v19 =	vmul.f32 v8, v20  }
0x373: {  	v13 =	vadd.f32 $1.258291200e+07, v13;
	v22 =	vmul.f32 v16, v4  }
0x374: {  	v9 =	vmul.f32 v23, v9;
	v17 =	vadd.f32 $1.258291200e+07, v17;
	v23 =	vmul.f32 $1.666666720e-01, v19  }
0x375: {  	v18 =	vmul.f32 v21, v18;
	v20 =	vmul.f32 v14, v11;
	v21 =	vadd.f32 $1.258291200e+07, v22  }
0x376: {  	v17 =	vadd.f32 $-1.258291200e+07, v17;
	v22 =	vadd.f32 $1.000000000e+00, v23;
	v23 =	vmul.f32 $2.000000030e-01, v19  }
0x377: {  	(erf) = vrcp.f32 v18;
	v20 =	vmul.f32 v14, v20;
	v18 =	vadd.f32 $-1.258291200e+07, v21  }
0x378: {  	v13 =	vadd.f32 $-1.258291200e+07, v13;
	v17 =	vmul.f32 v17, v0;
	v21 =	vmul.f32 v22, v23  }
0x379: {  	v9 =	vadd.f32 $1.000000000e+00, v9;
	v20 =	vsub.f32 $1.500000000e+00, v20;
	v18 =	vmul.f32 v18, v1  }
0x37a: {  	v15 =	vsub.f32 v15, v17;
	v17 =	vadd.f32 $1.000000000e+00, v21;
	v21 =	vmul.f32 $2.500000000e-01, v19  }
0x37b: {  	v13 =	vmul.f32 v13, v2;
	v14 =	vmul.f32 v14, v20;
	v22 =	vpop (erf);
	v16 =	vsub.f32 v16, v18  }
0x37c: {  	v9 =	vmul.f32 v9, v22;
	v18 =	vld [tilespmem:s1+$0x14050];
	v17 =	vmul.f32 v17, v21  }
0x37d: {  	v10 =	vsub.f32 v10, v13;
	v15 =	vmul.f32 v15, v15;
	v13 =	vmul.f32 v16, v16  }
0x37e: {  	v20 =	vmul.f32 $3.333333430e-01, v19;
	v16 =	vmul.f32 v14, v11;
	v17 =	vadd.f32 $1.000000000e+00, v17  }
0x37f: {  	v10 =	vmul.f32 v10, v10;
	v9 =	vsub.f32 $1.000000000e+00, v9;
	v13 =	vadd.f32 v13, v15  }
0x380: {  	v15 =	vmul.f32 v16, v14;
	v16 =	vsub.f32 $0.0e+00, v19;
	v17 =	vmul.f32 v17, v20  }
0x381: {  	v9 =	vmul.f32 v9, v18;
	v20 =	vmul.f32 $5.000000000e-01, v19  }
0x382: {  	v10 =	vadd.f32 v10, v13;
	v13 =	vsub.f32 $1.500000000e+00, v15;
	v15 =	vmul.f32 $1.442695020e+00, v16  }
0x383: {  	v16 =	vadd.f32 $1.000000000e+00, v17;
	v9 =	vsub.f32 $0.0e+00, v9  }
0x384: {  	v17 =	vshra.s32 v10, $0x1;
	v18 =	vmul.f32 $5.000000000e-01, v10;
	(erf) = vpow2.f32 v15  }
0x385: {  	v13 =	vmul.f32 v13, v14;
	v15 =	vsub.s32 $0x5F3759DF, v17;
	v16 =	vmul.f32 v16, v20  }
0x386: {  	v17 =	vmul.f32 v8, v8;
	v20 =	vpop (erf);
	v14 =	vmul.f32 v15, v18  }
0x387: {  	v11 =	vmul.f32 v13, v11;
	v9 =	vmul.f32 v9, v20  }
0x388: {  	v16 =	vadd.f32 $1.000000000e+00, v16;
	v20 =	vmul.f32 v17, v17;
	v14 =	vmul.f32 v15, v14  }
0x389: {  	vm0 =	vle.f32 v7, v6;
	v7 =	vmul.f32 v11, v13  }
0x38a: {  	v11 =	vsub.f32 $1.500000000e+00, v14;
	v14 =	vmul.f32 v16, v19;
	v16 =	vmul.f32 v20, v17  }
0x38b: {  	v9 =	vnsel vm0, $0x0, v9  }
0x38c: {  	[tilespmem:s1+$0x14FF0] =	vst v9;
	v9 =	vmul.f32 v15, v11  }
0x38d: {  	v7 =	vsub.f32 $1.500000000e+00, v7;
	v11 =	vld [tilespmem:s14+$0x14820];
	v14 =	vadd.f32 $1.000000000e+00, v14;
	(erf) = vrcp.f32 v16  }
0x38e: {  	v15 =	vld [tilespmem:s23+$0x14050];
	v16 =	vpop (erf);
	v17 =	vmul.f32 v9, v18  }
0x38f: {  	v7 =	vmul.f32 v7, v13;
	v13 =	vmul.f32 v14, v16  }
0x390: {  	v14 =	vmul.f32 v17, v9  }
0x391: {  	v7 =	vmul.f32 v7, v12;
	v12 =	vsub.f32 $1.000000000e+00, v13  }
0x392: {  	v13 =	vsub.f32 $1.500000000e+00, v14  }
0x393: {  	v11 =	vmul.f32 v7, v11;
	v12 =	vmul.f32 v12, v15  }
0x394: {  	v9 =	vmul.f32 v13, v9  }
0x395: {  	v13 =	vmul.f32 $1.666666720e-01, v11;
	v12 =	vsub.f32 $0.0e+00, v12  }
0x396: {  	v14 =	vpop (erf);
	v15 =	vmul.f32 v9, v18  }
0x397: {  	v16 =	vmul.f32 $2.000000030e-01, v11;
	v13 =	vadd.f32 $1.000000000e+00, v13;
	v12 =	vmul.f32 v12, v14  }
0x398: {  	vm13 =	vle.f32 v8, v6;
	v8 =	vmul.f32 v15, v9  }
0x399: {  	v13 =	vmul.f32 v13, v16;
	v12 =	vnsel vm13, $0x0, v12  }
0x39a: {  	[tilespmem:s23+$0x14FF0] =	vst v12;
	v8 =	vsub.f32 $1.500000000e+00, v8  }
0x39b: {  	v12 =	vadd.f32 $1.000000000e+00, v13;
	v13 =	vmul.f32 $2.500000000e-01, v11;
	v14 =	vld [tilespmem:s12+$0x14820]  }
0x39c: {  	v8 =	vmul.f32 v8, v9  }
0x39d: {  	v9 =	vmul.f32 v12, v13  }
0x39e: {  	v8 =	vmul.f32 v8, v10  }
0x39f: {  	v12 =	vsub.f32 $0.0e+00, v11;
	v10 =	vmul.f32 $3.333333430e-01, v11;
	v9 =	vadd.f32 $1.000000000e+00, v9  }
0x3a0: {  	v13 =	vmul.f32 v8, v14  }
0x3a1: {  	v9 =	vmul.f32 v9, v10;
	v10 =	vmul.f32 $1.442695020e+00, v12  }
0x3a2: {  	v12 =	vmul.f32 $1.666666720e-01, v13  }
0x3a3: {  	v14 =	vmul.f32 $5.000000000e-01, v11;
	v9 =	vadd.f32 $1.000000000e+00, v9;
	(erf) = vpow2.f32 v10  }
0x3a4: {  	v10 =	vadd.f32 $1.000000000e+00, v12;
	v12 =	vmul.f32 $2.000000030e-01, v13  }
0x3a5: {  	v9 =	vmul.f32 v9, v14;
	v14 =	vmul.f32 v7, v7  }
0x3a6: {  	v10 =	vmul.f32 v10, v12  }
0x3a7: {  	v9 =	vadd.f32 $1.000000000e+00, v9;
	v12 =	vmul.f32 v14, v14  }
0x3a8: {  	v15 =	vmul.f32 $2.500000000e-01, v13;
	v10 =	vadd.f32 $1.000000000e+00, v10  }
0x3a9: {  	v9 =	vmul.f32 v9, v11;
	v11 =	vmul.f32 v12, v14  }
0x3aa: {  	v10 =	vmul.f32 v10, v15  }
0x3ab: {  	v9 =	vadd.f32 $1.000000000e+00, v9;
	(erf) = vrcp.f32 v11  }
0x3ac: {  	v14 =	vmul.f32 $3.333333430e-01, v13;
	v11 =	vld [tilespmem:s14+$0x14050];
	v12 =	vpop (erf);
	v10 =	vadd.f32 $1.000000000e+00, v10  }
0x3ad: {  	v15 =	vsub.f32 $0.0e+00, v13;
	v9 =	vmul.f32 v9, v12  }
0x3ae: {  	v10 =	vmul.f32 v10, v14  }
0x3af: {  	v12 =	vmul.f32 $1.442695020e+00, v15;
	v9 =	vsub.f32 $1.000000000e+00, v9  }
0x3b0: {  	v14 =	vmul.f32 $5.000000000e-01, v13;
	v10 =	vadd.f32 $1.000000000e+00, v10  }
0x3b1: {  	(erf) = vpow2.f32 v12;
	v9 =	vmul.f32 v9, v11  }
0x3b2: {  	v11 =	vmul.f32 v8, v8;
	v10 =	vmul.f32 v10, v14  }
0x3b3: {  	v9 =	vsub.f32 $0.0e+00, v9  }
0x3b4: {  	v14 =	vmul.f32 v11, v11;
	v12 =	vpop (erf);
	v10 =	vadd.f32 $1.000000000e+00, v10  }
0x3b5: {  	v9 =	vmul.f32 v9, v12  }
0x3b6: {  	vm14 =	vle.f32 v7, v6;
	v7 =	vmul.f32 v10, v13;
	v10 =	vmul.f32 v14, v11;
	_ =	sdelay $0x1  }
0x3b7: {  	v9 =	vnsel vm14, $0x0, v9  }
0x3b8: {  	[tilespmem:s14+$0x14FF0] =	vst v9;
	v7 =	vadd.f32 $1.000000000e+00, v7;
	(erf) = vrcp.f32 v10  }
0x3b9: {  	v9 =	vld [tilespmem:s12+$0x14050];
	v10 =	vpop (erf)  }
0x3ba: {  	v7 =	vmul.f32 v7, v10;
	_ =	sdelay $0x1  }
0x3bb: {  	v7 =	vsub.f32 $1.000000000e+00, v7;
	_ =	sdelay $0x1  }
0x3bc: {  	v7 =	vmul.f32 v7, v9;
	_ =	sdelay $0x1  }
0x3bd: {  	v7 =	vsub.f32 $0.0e+00, v7  }
0x3be: {  	v9 =	vpop (erf)  }
0x3bf: {  	v7 =	vmul.f32 v7, v9  }
0x3c0: {  	vm15 =	vle.f32 v8, v6  }
0x3c1: {  	v7 =	vnsel vm15, $0x0, v7  }
0x3c2: {  	s23 =	simm.s32 $0x14FF0;
	s14 =	sadd.s32 s4, s21;
	s21 =	simm.s32 $0x0;
	[tilespmem:s12+$0x14FF0] =	vst v7  }
0x3c3: {  	[hbm4b:s14+s21] =	stream.linear.scatter [tilespmem:s23], [sflag:$0x1F], $0x7D0, $0x38;
	[tilespmem:$0x1AE30] =	vst v63  }
0x3c4: {  	_ =	swait.ge [sflag:s15], $0x7D0  }
0x3c5: {  	[sflag:s15] =	ssyncset.done $0x0  }
0x3c6: {  	s24 =	simm.s32 $0x19;
	[sflag:s15] =	ssyncadd.s32 $0xFFFFF830  }
0x3c7: {  	_ =	swait.ge [sflag:s24], $0x7D0  }
0x3c8: {  	[sflag:s24] =	ssyncset.done $0x0  }
0x3c9: {  	s28 =	simm.s32 $0x1A;
	[sflag:s24] =	ssyncadd.s32 $0xFFFFF830  }
0x3ca: {  	_ =	swait.ge [sflag:s28], $0x7D0  }
0x3cb: {  	[sflag:s28] =	ssyncset.done $0x0  }
0x3cc: {  	s29 =	simm.s32 $0x1B;
	[sflag:s28] =	ssyncadd.s32 $0xFFFFF830  }
0x3cd: {  	_ =	swait.ge [sflag:s29], $0x7D0  }
0x3ce: {  	[sflag:s29] =	ssyncset.done $0x0  }
0x3cf: {  	s30 =	simm.s32 $0x1C;
	[sflag:s29] =	ssyncadd.s32 $0xFFFFF830  }
0x3d0: {  	_ =	swait.ge [sflag:s30], $0x7D0  }
0x3d1: {  	[sflag:s30] =	ssyncset.done $0x0  }
0x3d2: {  	[sflag:s30] =	ssyncadd.s32 $0xFFFFF830  }
0x3d3: {  	_ =	swait.ge [sflag:s31], $0x7D0  }
0x3d4: {  	[sflag:s31] =	ssyncset.done $0x0  }
0x3d5: {  	[sflag:s31] =	ssyncadd.s32 $0xFFFFF830  }
0x3d6: {  	_ =	swait.ge [sflag:s0], $0x7D0  }
0x3d7: {  	[sflag:s0] =	ssyncset.done $0x0  }
0x3d8: {  	s1 =	simm.s32 $0x0;
	[sflag:s0] =	ssyncadd.s32 $0xFFFFF830  }
0x3d9: {  	v7 =	vld [tilespmem:s1+$0x18E70]  }
0x3da: {  	v8 =	vld [tilespmem:s1+$0x16F30]  }
0x3db: {  	v9 =	vld [tilespmem:s1+$0x16760]  }
0x3dc: {  	v10 =	vld [tilespmem:s1+$0x17ED0]  }
0x3dd: {  	v11 =	vld [tilespmem:s1+$0x17700]  }
0x3de: {  	v12 =	vld [tilespmem:s1+$0x186A0];
	_ =	sdelay $0x3  }
0x3df: {  	v8 =	vsub.f32 v8, v9;
	v9 =	vsub.f32 v10, v11  }
0x3e0: {  	v7 =	vsub.f32 v7, v12  }
0x3e1: {  	v10 =	vmul.f32 v8, v3;
	v11 =	vmul.f32 v9, v4  }
0x3e2: {  	v12 =	vmul.f32 v7, v5  }
0x3e3: {  	v10 =	vadd.f32 $1.258291200e+07, v10;
	v11 =	vadd.f32 $1.258291200e+07, v11  }
0x3e4: {  	v12 =	vadd.f32 $1.258291200e+07, v12  }
0x3e5: {  	v10 =	vadd.f32 $-1.258291200e+07, v10;
	v11 =	vadd.f32 $-1.258291200e+07, v11;
	_ =	sdelay $0x1  }
0x3e6: {  	v12 =	vadd.f32 $-1.258291200e+07, v12;
	v10 =	vmul.f32 v10, v0;
	v11 =	vmul.f32 v11, v1;
	_ =	sdelay $0x1  }
0x3e7: {  	v8 =	vsub.f32 v8, v10;
	v10 =	vmul.f32 v12, v2;
	v9 =	vsub.f32 v9, v11;
	_ =	sdelay $0x1  }
0x3e8: {  	v8 =	vmul.f32 v8, v8;
	v7 =	vsub.f32 v7, v10;
	v9 =	vmul.f32 v9, v9  }
0x3e9: {  	s21 =	simm.s32 $0x10  }
0x3ea: {  	v15 =	vld [tilespmem:s21+$0x186A0];
	v8 =	vadd.f32 v9, v8;
	v7 =	vmul.f32 v7, v7  }
0x3eb: {  	v11 =	vld [tilespmem:s21+$0x16760]  }
0x3ec: {  	v12 =	vld [tilespmem:s21+$0x17700];
	v7 =	vadd.f32 v7, v8  }
0x3ed: {  	v9 =	vld [tilespmem:s21+$0x16F30]  }
0x3ee: {  	v8 =	vld [tilespmem:s21+$0x17ED0];
	v13 =	vshra.s32 v7, $0x1;
	v14 =	vmul.f32 $5.000000000e-01, v7  }
0x3ef: {  	v10 =	vld [tilespmem:s21+$0x18E70];
	v13 =	vsub.s32 $0x5F3759DF, v13  }
0x3f0: {  	v16 =	vmul.f32 v13, v14;
	_ =	sdelay $0x1  }
0x3f1: {  	v16 =	vmul.f32 v13, v16  }
0x3f2: {  	v9 =	vsub.f32 v9, v11;
	v8 =	vsub.f32 v8, v12  }
0x3f3: {  	v10 =	vsub.f32 v10, v15;
	v11 =	vsub.f32 $1.500000000e+00, v16  }
0x3f4: {  	v12 =	vmul.f32 v9, v3;
	v15 =	vmul.f32 v8, v4  }
0x3f5: {  	v16 =	vmul.f32 v10, v5;
	v11 =	vmul.f32 v13, v11  }
0x3f6: {  	v12 =	vadd.f32 $1.258291200e+07, v12;
	v13 =	vadd.f32 $1.258291200e+07, v15  }
0x3f7: {  	v15 =	vadd.f32 $1.258291200e+07, v16;
	v16 =	vmul.f32 v11, v14  }
0x3f8: {  	v12 =	vadd.f32 $-1.258291200e+07, v12;
	v13 =	vadd.f32 $-1.258291200e+07, v13  }
0x3f9: {  	v16 =	vmul.f32 v16, v11  }
0x3fa: {  	v12 =	vmul.f32 v12, v0;
	v15 =	vadd.f32 $-1.258291200e+07, v15;
	v13 =	vmul.f32 v13, v1  }
0x3fb: {  	v16 =	vsub.f32 $1.500000000e+00, v16  }
0x3fc: {  	v9 =	vsub.f32 v9, v12;
	v12 =	vmul.f32 v15, v2;
	v8 =	vsub.f32 v8, v13  }
0x3fd: {  	v11 =	vmul.f32 v16, v11  }
0x3fe: {  	v9 =	vmul.f32 v9, v9;
	v10 =	vsub.f32 v10, v12;
	v8 =	vmul.f32 v8, v8  }
0x3ff: {  	v12 =	vmul.f32 v11, v14  }
0x400: {  	s14 =	simm.s32 $0x20;
	v17 =	vld [tilespmem:s1+$0x19E10];
	v8 =	vadd.f32 v8, v9;
	v9 =	vmul.f32 v10, v10  }
0x401: {  	v18 =	vld [tilespmem:s14+$0x17700];
	v12 =	vmul.f32 v12, v11  }
0x402: {  	v10 =	vld [tilespmem:s14+$0x16F30];
	v8 =	vadd.f32 v9, v8  }
0x403: {  	v14 =	vld [tilespmem:s14+$0x16760];
	v9 =	vsub.f32 $1.500000000e+00, v12  }
0x404: {  	v15 =	vld [tilespmem:s14+$0x17ED0];
	v12 =	vshra.s32 v8, $0x1;
	v16 =	vmul.f32 $5.000000000e-01, v8  }
0x405: {  	v13 =	vld [tilespmem:s14+$0x18E70];
	v9 =	vmul.f32 v9, v11;
	v11 =	vsub.s32 $0x5F3759DF, v12  }
0x406: {  	v12 =	vld [tilespmem:s14+$0x186A0];
	v19 =	vmul.f32 v11, v16  }
0x407: {  	v7 =	vmul.f32 v9, v7  }
0x408: {  	v10 =	vsub.f32 v10, v14;
	v14 =	vmul.f32 v11, v19  }
0x409: {  	v9 =	vmul.f32 v7, v17  }
0x40a: {  	v15 =	vsub.f32 v15, v18;
	v17 =	vmul.f32 v10, v3;
	v14 =	vsub.f32 $1.500000000e+00, v14  }
0x40b: {  	v12 =	vsub.f32 v13, v12;
	v13 =	vmul.f32 $1.666666720e-01, v9  }
0x40c: {  	v18 =	vmul.f32 v15, v4;
	v17 =	vadd.f32 $1.258291200e+07, v17;
	v11 =	vmul.f32 v11, v14  }
0x40d: {  	v19 =	vmul.f32 $2.000000030e-01, v9;
	v14 =	vmul.f32 v12, v5;
	v13 =	vadd.f32 $1.000000000e+00, v13  }
0x40e: {  	v18 =	vadd.f32 $1.258291200e+07, v18;
	v17 =	vadd.f32 $-1.258291200e+07, v17;
	v20 =	vmul.f32 v11, v16  }
0x40f: {  	v14 =	vadd.f32 $1.258291200e+07, v14;
	v13 =	vmul.f32 v13, v19  }
0x410: {  	s12 =	simm.s32 $0x30;
	v18 =	vadd.f32 $-1.258291200e+07, v18;
	v17 =	vmul.f32 v17, v0;
	v19 =	vmul.f32 v20, v11  }
0x411: {  	v21 =	vmul.f32 $2.500000000e-01, v9;
	v14 =	vadd.f32 $-1.258291200e+07, v14;
	v20 =	vld [tilespmem:s12+$0x18E70];
	v13 =	vadd.f32 $1.000000000e+00, v13  }
0x412: {  	v10 =	vsub.f32 v10, v17;
	v17 =	vmul.f32 v18, v1;
	v18 =	vld [tilespmem:s12+$0x186A0];
	v19 =	vsub.f32 $1.500000000e+00, v19  }
0x413: {  	v14 =	vmul.f32 v14, v2;
	v13 =	vmul.f32 v13, v21  }
0x414: {  	v21 =	vmul.f32 v10, v10;
	v10 =	vsub.f32 v15, v17;
	v22 =	vmul.f32 v19, v11  }
0x415: {  	v15 =	vsub.f32 $0.0e+00, v9;
	v11 =	vmul.f32 $3.333333430e-01, v9;
	v13 =	vadd.f32 $1.000000000e+00, v13  }
0x416: {  	v12 =	vsub.f32 v12, v14;
	v14 =	vmul.f32 v10, v10;
	v16 =	vmul.f32 v22, v16  }
0x417: {  	v10 =	vsub.f32 v20, v18;
	v11 =	vmul.f32 v13, v11;
	v13 =	vmul.f32 $1.442695020e+00, v15  }
0x418: {  	v17 =	vld [tilespmem:s12+$0x16760];
	v12 =	vmul.f32 v12, v12;
	v14 =	vadd.f32 v14, v21;
	v16 =	vmul.f32 v16, v22  }
0x419: {  	v18 =	vmul.f32 $5.000000000e-01, v9;
	v15 =	vld [tilespmem:s12+$0x16F30];
	v11 =	vadd.f32 $1.000000000e+00, v11;
	(erf) = vpow2.f32 v13  }
0x41a: {  	v19 =	vld [tilespmem:s12+$0x17700];
	v13 =	vmul.f32 v10, v5;
	v12 =	vadd.f32 v12, v14;
	v14 =	vsub.f32 $1.500000000e+00, v16  }
0x41b: {  	v16 =	vld [tilespmem:s12+$0x17ED0];
	v21 =	vmul.f32 v11, v18;
	v18 =	vmul.f32 v7, v7  }
0x41c: {  	v20 =	vld [tilespmem:s21+$0x19E10];
	v23 =	vshra.s32 v12, $0x1;
	v11 =	vmul.f32 $5.000000000e-01, v12;
	v22 =	vmul.f32 v14, v22  }
0x41d: {  	s23 =	simm.s32 $0x100;
	v14 =	vsub.s32 $0x5F3759DF, v23;
	v23 =	vadd.f32 $1.000000000e+00, v21;
	v21 =	vmul.f32 v18, v18  }
.LBB2_11:
0x41e: {  	p0 =	sne.s32 s23, $0x1F00;
	v15 =	vsub.f32 v15, v17;
	v17 =	vmul.f32 v14, v11;
	v22 =	vmul.f32 v22, v8;
	v8 =	vmovc v12  }
0x41f: {  	v12 =	vmul.f32 v23, v9;
	v18 =	vmul.f32 v21, v18  }
0x420: {  	v16 =	vsub.f32 v16, v19;
	v19 =	vmul.f32 v15, v3;
	v17 =	vmul.f32 v14, v17  }
0x421: {  	v9 =	vmul.f32 v22, v20;
	v12 =	vadd.f32 $1.000000000e+00, v12;
	(erf) = vrcp.f32 v18  }
0x422: {  	v18 =	vadd.f32 $1.258291200e+07, v19;
	v19 =	vmul.f32 v16, v4;
	v17 =	vsub.f32 $1.500000000e+00, v17;
	v20 =	vld [tilespmem:s1+$0x19640];
	v21 =	vpop (erf)  }
0x423: {  	v13 =	vadd.f32 $1.258291200e+07, v13;
	v23 =	vmul.f32 $1.666666720e-01, v9;
	v12 =	vmul.f32 v12, v21  }
0x424: {  	v18 =	vadd.f32 $-1.258291200e+07, v18;
	v19 =	vadd.f32 $1.258291200e+07, v19;
	v14 =	vmul.f32 v14, v17  }
0x425: {  	v21 =	vmul.f32 $2.000000030e-01, v9;
	v17 =	vadd.f32 $1.000000000e+00, v23;
	v12 =	vsub.f32 $1.000000000e+00, v12  }
0x426: {  	v19 =	vadd.f32 $-1.258291200e+07, v19;
	v18 =	vmul.f32 v18, v0;
	v23 =	vmul.f32 v14, v11  }
0x427: {  	v13 =	vadd.f32 $-1.258291200e+07, v13;
	v17 =	vmul.f32 v17, v21;
	v12 =	vmul.f32 v12, v20  }
0x428: {  	s24 =	sshra.s32 s23, $0x2;
	v15 =	vsub.f32 v15, v18;
	v18 =	vmul.f32 v19, v1;
	v25 =	vmul.f32 v23, v14  }
0x429: {  	v21 =	vmul.f32 $2.500000000e-01, v9;
	v20 =	vld [tilespmem:s24+$0x18E70];
	v17 =	vadd.f32 $1.000000000e+00, v17;
	v12 =	vsub.f32 $0.0e+00, v12  }
0x42a: {  	v13 =	vmul.f32 v13, v2;
	v23 =	vld [tilespmem:s24+$0x186A0];
	v24 =	vmul.f32 v15, v15;
	v15 =	vsub.f32 $1.500000000e+00, v25;
	v19 =	vpop (erf)  }
0x42b: {  	v16 =	vsub.f32 v16, v18;
	v17 =	vmul.f32 v17, v21;
	v12 =	vmul.f32 v12, v19  }
0x42c: {  	vm0 =	vle.f32 v7, v6;
	v7 =	vmovc v22;
	v14 =	vmul.f32 v15, v14;
	v15 =	vmul.f32 $3.333333430e-01, v9  }
0x42d: {  	v18 =	vsub.f32 $0.0e+00, v9;
	v17 =	vadd.f32 $1.000000000e+00, v17;
	v12 =	vnsel vm0, $0x0, v12  }
0x42e: {  	v13 =	vsub.f32 v10, v13;
	v16 =	vmul.f32 v16, v16;
	v11 =	vmul.f32 v14, v11;
	[tilespmem:s1+$0x1A5E0] =	vst v12;
	s1 =	smov.u32 s21;
	s21 =	smov.u32 s14;
	s14 =	smov.u32 s12  }
0x42f: {  	v18 =	vmul.f32 $1.442695020e+00, v18;
	s12 =	smov.u32 s24;
	v10 =	vsub.f32 v20, v23;
	v12 =	vmul.f32 v17, v15  }
0x430: {  	v19 =	vadd.f32 v16, v24;
	v20 =	vmul.f32 v13, v13;
	v15 =	vld [tilespmem:s12+$0x16F30];
	v11 =	vmul.f32 v11, v14  }
.Ltmp4:
0x431: {  	v23 =	vmul.f32 $5.000000000e-01, v9;
	v17 =	vld [tilespmem:s12+$0x16760];
	v21 =	vadd.f32 $1.000000000e+00, v12;
	(erf) = vpow2.f32 v18;
	(pc) =	sbr.rel @p0 .LBB2_11-.Ltmp4, $4  }
0x432: {  	v13 =	vmul.f32 v10, v5;
	v12 =	vadd.f32 v20, v19;
	v16 =	vld [tilespmem:s12+$0x17ED0];
	v20 =	vsub.f32 $1.500000000e+00, v11  }
0x433: {  	v18 =	vmul.f32 v22, v7;
	v19 =	vld [tilespmem:s12+$0x17700];
	v21 =	vmul.f32 v21, v23  }
0x434: {  	v23 =	vshra.s32 v12, $0x1;
	v11 =	vmul.f32 $5.000000000e-01, v12;
	v22 =	vmul.f32 v20, v14;
	v20 =	vld [tilespmem:s21+$0x19E10]  }
0x435: {  	s23 =	sadd.s32 $0x40, s23;
	v14 =	vsub.s32 $0x5F3759DF, v23;
	v23 =	vadd.f32 $1.000000000e+00, v21;
	v21 =	vmul.f32 v18, v18  }
0x436: {  	_ =	sdelay $0x1  }
0x437: {  	v15 =	vsub.f32 v15, v17;
	v16 =	vsub.f32 v16, v19  }
0x438: {  	v8 =	vmul.f32 v22, v8  }
0x439: {  	v17 =	vmul.f32 v15, v3;
	v34 =	vmul.f32 v16, v4  }
0x43a: {  	v33 =	vmul.f32 v14, v11;
	v13 =	vadd.f32 $1.258291200e+07, v13;
	v32 =	vmul.f32 v8, v20  }
0x43b: {  	v9 =	vmul.f32 v23, v9;
	v17 =	vadd.f32 $1.258291200e+07, v17;
	v36 =	vadd.f32 $1.258291200e+07, v34  }
0x43c: {  	v18 =	vmul.f32 v21, v18;
	v13 =	vadd.f32 $-1.258291200e+07, v13;
	v35 =	vmul.f32 $1.666666720e-01, v32  }
0x43d: {  	v20 =	vmul.f32 v14, v33;
	v17 =	vadd.f32 $-1.258291200e+07, v17;
	v39 =	vadd.f32 $-1.258291200e+07, v36  }
0x43e: {  	(erf) = vrcp.f32 v18;
	v38 =	vmul.f32 $2.000000030e-01, v32;
	v37 =	vadd.f32 $1.000000000e+00, v35  }
0x43f: {  	v9 =	vadd.f32 $1.000000000e+00, v9;
	v17 =	vmul.f32 v17, v0;
	v18 =	vmul.f32 v39, v1  }
0x440: {  	v41 =	vpop (erf);
	v13 =	vmul.f32 v13, v2;
	v20 =	vsub.f32 $1.500000000e+00, v20;
	v40 =	vmul.f32 v37, v38  }
0x441: {  	v9 =	vmul.f32 v9, v41;
	v15 =	vsub.f32 v15, v17;
	v16 =	vsub.f32 v16, v18  }
0x442: {  	v45 =	vld [tilespmem:s1+$0x19640];
	v43 =	vmul.f32 $2.500000000e-01, v32;
	v48 =	vmul.f32 $3.333333430e-01, v32;
	v42 =	vadd.f32 $1.000000000e+00, v40  }
0x443: {  	v10 =	vsub.f32 v10, v13;
	v15 =	vmul.f32 v15, v15;
	v46 =	vmul.f32 v16, v16  }
0x444: {  	v50 =	vsub.f32 $0.0e+00, v32;
	v44 =	vmul.f32 v14, v20;
	v17 =	vmul.f32 v42, v43  }
0x445: {  	v9 =	vsub.f32 $1.000000000e+00, v9;
	v10 =	vmul.f32 v10, v10;
	v13 =	vadd.f32 v46, v15  }
0x446: {  	v56 =	vmul.f32 $5.000000000e-01, v32;
	v47 =	vmul.f32 v44, v11;
	v17 =	vadd.f32 $1.000000000e+00, v17  }
0x447: {  	v52 =	vmul.f32 $1.442695020e+00, v50;
	v9 =	vmul.f32 v9, v45;
	v10 =	vadd.f32 v10, v13  }
0x448: {  	v49 =	vmul.f32 v47, v44;
	v17 =	vmul.f32 v17, v48  }
0x449: {  	(erf) = vpow2.f32 v52;
	v54 =	vshra.s32 v10, $0x1;
	v55 =	vmul.f32 $5.000000000e-01, v10  }
0x44a: {  	v51 =	vsub.f32 $1.500000000e+00, v49;
	v53 =	vadd.f32 $1.000000000e+00, v17;
	v57 =	vsub.s32 $0x5F3759DF, v54  }
0x44b: {  	v59 =	vmul.f32 v8, v8;
	v58 =	vmul.f32 v57, v55  }
0x44c: {  	v9 =	vsub.f32 $0.0e+00, v9;
	v13 =	vmul.f32 v51, v44;
	v16 =	vmul.f32 v53, v56  }
0x44d: {  	v62 =	vmul.f32 v59, v59;
	v60 =	vpop (erf);
	v14 =	vmul.f32 v57, v58  }
0x44e: {  	v9 =	vmul.f32 v9, v60;
	v61 =	vmul.f32 v13, v11;
	v16 =	vadd.f32 $1.000000000e+00, v16  }
0x44f: {  	vm0 =	vle.f32 v7, v6;
	v22 =	vmul.f32 v62, v59;
	v63 =	vsub.f32 $1.500000000e+00, v14  }
0x450: {  	v9 =	vnsel vm0, $0x0, v9;
	v7 =	vmul.f32 v61, v13;
	v21 =	vmul.f32 v16, v32  }
0x451: {  	[tilespmem:s1+$0x1A5E0] =	vst v9;
	v23 =	vmul.f32 v57, v63  }
0x452: {  	(erf) = vrcp.f32 v22;
	v24 =	vld [tilespmem:s14+$0x19E10];
	v7 =	vsub.f32 $1.500000000e+00, v7;
	v14 =	vadd.f32 $1.000000000e+00, v21  }
0x453: {  	v25 =	vld [tilespmem:s21+$0x19640];
	v26 =	vpop (erf);
	v27 =	vmul.f32 v23, v55  }
0x454: {  	v7 =	vmul.f32 v7, v13;
	v28 =	vmul.f32 v14, v26  }
0x455: {  	v29 =	vmul.f32 v27, v23  }
0x456: {  	v7 =	vmul.f32 v7, v12;
	v30 =	vsub.f32 $1.000000000e+00, v28  }
0x457: {  	v31 =	vsub.f32 $1.500000000e+00, v29  }
0x458: {  	v11 =	vmul.f32 v7, v24;
	v12 =	vmul.f32 v30, v25  }
0x459: {  	v9 =	vmul.f32 v31, v23  }
0x45a: {  	v32 =	vmul.f32 $1.666666720e-01, v11;
	v12 =	vsub.f32 $0.0e+00, v12  }
0x45b: {  	v33 =	vpop (erf);
	v34 =	vmul.f32 v9, v55  }
0x45c: {  	v35 =	vmul.f32 $2.000000030e-01, v11;
	v13 =	vadd.f32 $1.000000000e+00, v32;
	v12 =	vmul.f32 v12, v33  }
0x45d: {  	vm13 =	vle.f32 v8, v6;
	v8 =	vmul.f32 v34, v9  }
0x45e: {  	v13 =	vmul.f32 v13, v35;
	v12 =	vnsel vm13, $0x0, v12  }
0x45f: {  	[tilespmem:s21+$0x1A5E0] =	vst v12;
	v8 =	vsub.f32 $1.500000000e+00, v8  }
0x460: {  	v37 =	vmul.f32 $2.500000000e-01, v11;
	v36 =	vadd.f32 $1.000000000e+00, v13;
	v38 =	vld [tilespmem:s12+$0x19E10]  }
0x461: {  	v8 =	vmul.f32 v8, v9  }
0x462: {  	v39 =	vmul.f32 v36, v37  }
0x463: {  	v8 =	vmul.f32 v8, v10  }
0x464: {  	v40 =	vmul.f32 $3.333333430e-01, v11;
	v41 =	vsub.f32 $0.0e+00, v11;
	v9 =	vadd.f32 $1.000000000e+00, v39  }
0x465: {  	v42 =	vmul.f32 v8, v38  }
0x466: {  	v43 =	vmul.f32 $1.442695020e+00, v41;
	v9 =	vmul.f32 v9, v40  }
0x467: {  	v44 =	vmul.f32 $1.666666720e-01, v42  }
0x468: {  	v45 =	vmul.f32 $5.000000000e-01, v11;
	(erf) = vpow2.f32 v43;
	v9 =	vadd.f32 $1.000000000e+00, v9  }
0x469: {  	v47 =	vmul.f32 $2.000000030e-01, v42;
	v46 =	vadd.f32 $1.000000000e+00, v44  }
0x46a: {  	v48 =	vmul.f32 v7, v7;
	v9 =	vmul.f32 v9, v45  }
0x46b: {  	v10 =	vmul.f32 v46, v47  }
0x46c: {  	v49 =	vmul.f32 v48, v48;
	v9 =	vadd.f32 $1.000000000e+00, v9  }
0x46d: {  	v50 =	vmul.f32 $2.500000000e-01, v42;
	v10 =	vadd.f32 $1.000000000e+00, v10  }
0x46e: {  	v51 =	vmul.f32 v49, v48;
	v9 =	vmul.f32 v9, v11  }
0x46f: {  	v10 =	vmul.f32 v10, v50  }
0x470: {  	(erf) = vrcp.f32 v51;
	v9 =	vadd.f32 $1.000000000e+00, v9  }
0x471: {  	v52 =	vld [tilespmem:s14+$0x19640];
	v53 =	vpop (erf);
	v54 =	vmul.f32 $3.333333430e-01, v42;
	v55 =	vsub.f32 $0.0e+00, v42;
	v10 =	vadd.f32 $1.000000000e+00, v10  }
0x472: {  	v9 =	vmul.f32 v9, v53  }
0x473: {  	v56 =	vmul.f32 $1.442695020e+00, v55;
	v10 =	vmul.f32 v10, v54  }
0x474: {  	v9 =	vsub.f32 $1.000000000e+00, v9  }
0x475: {  	v57 =	vmul.f32 $5.000000000e-01, v42;
	(erf) = vpow2.f32 v56;
	v10 =	vadd.f32 $1.000000000e+00, v10  }
0x476: {  	v9 =	vmul.f32 v9, v52  }
0x477: {  	v58 =	vmul.f32 v8, v8;
	v10 =	vmul.f32 v10, v57  }
0x478: {  	v9 =	vsub.f32 $0.0e+00, v9  }
0x479: {  	v59 =	vpop (erf);
	v60 =	vmul.f32 v58, v58;
	v10 =	vadd.f32 $1.000000000e+00, v10  }
0x47a: {  	v9 =	vmul.f32 v9, v59  }
0x47b: {  	vm14 =	vle.f32 v7, v6;
	v61 =	vmul.f32 v60, v58;
	v7 =	vmul.f32 v10, v42  }
0x47c: {  	v9 =	vnsel vm14, $0x0, v9  }
0x47d: {  	(erf) = vrcp.f32 v61;
	[tilespmem:s14+$0x1A5E0] =	vst v9;
	v7 =	vadd.f32 $1.000000000e+00, v7  }
0x47e: {  	v62 =	vpop (erf);
	v9 =	vld [tilespmem:s12+$0x19640]  }
0x47f: {  	v7 =	vmul.f32 v7, v62;
	_ =	sdelay $0x1  }
0x480: {  	v7 =	vsub.f32 $1.000000000e+00, v7;
	_ =	sdelay $0x1  }
0x481: {  	v7 =	vmul.f32 v7, v9;
	_ =	sdelay $0x1  }
0x482: {  	v7 =	vsub.f32 $0.0e+00, v7  }
0x483: {  	v63 =	vpop (erf)  }
0x484: {  	v7 =	vmul.f32 v7, v63  }
0x485: {  	s6 =	sadd.s32 $0x1, s6;
	vm15 =	vle.f32 v8, v6  }
0x486: {  	s28 =	sadd.s32 s4, s22;
	p0 =	sne.s32 s6, $0x14;
	v7 =	vnsel vm15, $0x0, v7  }
.Ltmp5:
0x487: {  	s29 =	simm.s32 $0x0;
	s30 =	simm.s32 $0x1A5E0;
	[tilespmem:s12+$0x1A5E0] =	vst v7;
	(pc) =	sbr.rel @p0 .LBB2_2-.Ltmp5, $4  }
0x488: {  	[hbm4b:s28+s29] =	stream.linear.scatter [tilespmem:s30], [sflag:$0x1F], $0x7D0, $0x38;
	[tilespmem:$0x1AE30] =	vst v63  }
0x489: {  	_ =	swait.ge [sflag:s15], $0x7D0  }
0x48a: {  	[sflag:s15] =	ssyncset.done $0x0  }
0x48b: {  	[sflag:s15] =	ssyncadd.s32 $0xFFFFF830  }
0x48c: {  	s6 =	rddreg [dreg:$0x7]  }
0x48d: {  	s1 =	rddreg [dreg:$0x6];
	s6 =	sadd.s32 $0x1, s6  }
0x48e: {  	p0 =	sne.s32 s6, s1  }
.Ltmp6:
0x48f: {  	_ = 	snop;
	(pc) =	sbr.rel @p0 .LBB2_1-.Ltmp6, $1  }
0x490: {  	_ =	sdelay $0x3  }
0x491: {  	_ =	sfence.sel $0x180000  }
0x492: {  	[bflag:$0x0] =	sbarrier.arrive $0xFFFF  }
0x493: {  	_ =	strace $0x90000047  }
0x494: {  	s0 =	stileid.u32;
	[bflag:$0x2] =	sbarrier.arrive $0xFFFF  }
0x495: {  	p0 =	sne.s32 s0, $0x0;
	s0 =	rddreg [dreg:$0x4]  }
0x496: {  	s0 =	sadd.s32 @!p0 $0x100000, s0  }
0x497: {  	[sflag:s0] =	ssyncadd.tile.s32 @!p0 $0x1;
	_ =	shalt  }
.Lfunc_end2:
_tile_overlayer_lowered:
.L_overlay_start_2:
0x498: {  	(tag) =	ssettag $0x2  }
0x499: {  	s0 =	rddreg [dreg:$0x0];
	s2 =	stileid.u32  }
0x49a: {  	s1 =	rddreg [dreg:$0x1];
	p0 =	sne.s32 s2, $0x0  }
0x49b: {  	s3 =	rddreg [dreg:$0x2];
	[bflag:$0x3] =	sbarrier.arrive $0xFFFF;
	s2 =	simm.s32 @!p0 $0x1C1F  }
0x49c: {  	[timem:s3], [sflag:s2] =	dma.local @!p0 [hbm:s0], s1  }
0x49d: {  	s0 =	simm.s32 @!p0 $0x1F  }
0x49e: {  	_ =	swait.ge @!p0 [sflag:s0], s1  }
0x49f: {  	s1 =	ssub.s32 @!p0 $0x0, s1;
	[sflag:s0] =	ssyncset.done @!p0 $0x0  }
0x4a0: {  	[sflag:s0] =	ssyncadd.s32 @!p0 s1  }
0x4a1: {  	[bflag:$0x3] =	sbarrier.arrive $0xFFFF  }
0x4a2: {  	_ =	shalt  }

</sc_bundles>
